<compile_context>
chip_gen: v7x
topology: tpu7x:2x2x1
jax: 0.10.2.dev20260603
libtpu: 0.0.44.dev20260713+nightly
codegen_flags: <defaults>
</compile_context>

<pallas_src>
import functools

import jax
import jax.numpy as jnp
from jax import lax
from jax.experimental import pallas as pl
from jax.experimental.pallas import tpu as pltpu
from jax.experimental.pallas import tpu_sc as plsc

V = 1000
D = 1000
DP = 1024
N = 1024 * 50
NC = 2
NS = 16
NW = NC * NS
PER_W = N // NW
CHUNK = 32
NCH = PER_W // CHUNK
LANES = 16
NGRP = D // LANES
TAIL = D - NGRP * LANES


def _lse_body(t_ref, lse_ref):
    x = t_ref[...]
    m = jnp.max(x, axis=1, keepdims=True)
    s = jnp.sum(jnp.exp(x - m), axis=1, keepdims=True)
    lse_ref[...] = m + jnp.log(s)


def _loss_body(p_ref, o_ref):
    o_ref[...] = (jnp.sum(p_ref[...]) * (1.0 / N))[None, None]


def _make_sc_gather():
    mesh = plsc.VectorSubcoreMesh(core_axis_name="c", subcore_axis_name="s")

    @functools.partial(
        pl.kernel,
        mesh=mesh,
        compiler_params=pltpu.CompilerParams(needs_layout_passes=False),
        out_type=[
            jax.ShapeDtypeStruct((N, D), jnp.float32),
            jax.ShapeDtypeStruct((NW, LANES), jnp.float32),
        ],
        scratch_types=[
            pltpu.VMEM((PER_W,), jnp.int32),
            pltpu.VMEM((PER_W,), jnp.int32),
            pltpu.VMEM((V,), jnp.float32),
            pltpu.VMEM((CHUNK, DP), jnp.float32),
            pltpu.VMEM((CHUNK, DP), jnp.float32),
            pltpu.VMEM((CHUNK // 2, D), jnp.float32),
            pltpu.VMEM((CHUNK // 2, D), jnp.float32),
            pltpu.VMEM((LANES,), jnp.float32),
            pltpu.SemaphoreType.DMA,
            pltpu.SemaphoreType.DMA,
            pltpu.SemaphoreType.DMA,
            pltpu.SemaphoreType.DMA,
        ],
    )
    def sc_gather(table_hbm, idx_hbm, tgt_hbm, lse_hbm, out_hbm, part_hbm,
                  idx_v, tgt_v, lse_v, rows0, rows1, rows_c0, rows_c1, acc_v,
                  sem_g0, sem_g1, sem_o0, sem_o1):
        sid = lax.axis_index("s")
        wid = sid * NC + lax.axis_index("c")
        base = wid * PER_W

        pltpu.sync_copy(idx_hbm.at[pl.ds(base, PER_W)], idx_v)
        pltpu.sync_copy(tgt_hbm.at[pl.ds(base, PER_W)], tgt_v)
        pltpu.sync_copy(lse_hbm, lse_v)

        lane = lax.iota(jnp.int32, LANES)
        bufs = (rows0, rows1)
        gsems = (sem_g0, sem_g1)
        cbufs = (rows_c0, rows_c1)
        osems = (sem_o0, sem_o1)

        def gather_cp(g, b):
            return pltpu.make_async_copy(
                table_hbm.at[idx_v.at[pl.ds(g * CHUNK, CHUNK)]],
                bufs[b], gsems[b]
            )

        HC = CHUNK // 2

        def out_cp(g, h):
            return pltpu.make_async_copy(
                cbufs[h],
                out_hbm.at[pl.ds(base + g * CHUNK + h * HC, HC)],
                osems[h],
            )

        def process(g, rows_p, acc):
            off = g * CHUNK

            def grp(k, a):
                j = k * LANES
                rid = lane + j
                tg = tgt_v[pl.ds(off + j, LANES)]
                ii = idx_v[pl.ds(off + j, LANES)]
                lv = plsc.load_gather(lse_v, [ii])
                tv = plsc.load_gather(rows_p, [rid, tg])
                return a + lv - tv
            acc = lax.fori_loop(0, CHUNK // LANES, grp, acc)

            for h in (0, 1):
                rows_c = cbufs[h]

                @pl.when(g > 0)
                def _():
                    out_cp(g - 1, h).wait()

                def row_body(i, _, h=h, rows_c=rows_c):
                    src = h * HC + i
                    for j in range(NGRP):
                        rows_c[i, pl.ds(j * LANES, LANES)] = (
                            rows_p[src, pl.ds(j * LANES, LANES)]
                        )
                    ri = jnp.full((LANES,), src, jnp.int32)
                    di = jnp.full((LANES,), i, jnp.int32)
                    ci = NGRP * LANES + lane
                    tmask = lane < TAIL
                    tv = plsc.load_gather(rows_p, [ri, ci], mask=tmask)
                    plsc.store_scatter(rows_c, [di, ci], tv, mask=tmask)
                    return _
                lax.fori_loop(0, HC, row_body, 0)

                out_cp(g, h).start()
            return acc

        gather_cp(0, 0).start()

        def pair_body(p, acc):
            for b in (0, 1):
                g = p * 2 + b
                nb = 1 - b

                @pl.when(g + 1 < NCH)
                def _():
                    gather_cp(g + 1, nb).start()

                gather_cp(g, b).wait()
                acc = process(g, bufs[b], acc)
            return acc

        acc = lax.fori_loop(
            0, NCH // 2, pair_body, jnp.zeros((LANES,), jnp.float32)
        )
        out_cp(NCH - 1, 0).wait()
        out_cp(NCH - 1, 1).wait()
        acc_v[...] = acc
        pltpu.sync_copy(acc_v, part_hbm.at[wid])

    return sc_gather


_sc_gather = _make_sc_gather()


def kernel(idx, target, embedding_table):
    idx_f = idx.reshape(N).astype(jnp.int32)
    tgt_f = target.reshape(N).astype(jnp.int32)

    lse = pl.pallas_call(
        _lse_body,
        out_shape=jax.ShapeDtypeStruct((V, 1), jnp.float32),
    )(embedding_table)

    table_p = jnp.pad(embedding_table, ((0, 0), (0, DP - D)))
    logits2, partials = _sc_gather(table_p, idx_f, tgt_f, lse.reshape(V))

    loss2 = pl.pallas_call(
        _loss_body,
        out_shape=jax.ShapeDtypeStruct((1, 1), jnp.float32),
    )(partials)
    return logits2, loss2[0, 0]

# --- scband reference (transcript-rebuilt; emitter-appended) ---
"""Pipeline reference for scband-bigram-model-4286377361504 (READ-ONLY COPY).

The authoritative reference and input builder live on the scoring server;
editing this copy changes nothing except your own understanding.
"""

import jax, jax.numpy as jnp
import numpy as np

VOCAB = 1000
B, T = 1024, 50

def setup_inputs(seed: int = 0) -> dict:
    key = jax.random.key(seed)
    k1, k2, k3 = jax.random.split(key, 3)
    idx = jax.random.randint(k1, (B, T), 0, VOCAB, dtype=jnp.int64) if jax.config.jax_enable_x64 else jax.random.randint(k1, (B, T), 0, VOCAB, dtype=jnp.int32)
    target = jax.random.randint(k2, (B, T), 0, VOCAB, dtype=jnp.int64) if jax.config.jax_enable_x64 else jax.random.randint(k2, (B, T), 0, VOCAB, dtype=jnp.int32)
    embedding_table = jax.random.normal(k3, (VOCAB, VOCAB), dtype=jnp.float32)
    return {"idx": idx, "target": target, "embedding_table": embedding_table}

def reference(idx, target, embedding_table):
    # logits = self.embedding_table(idx)  -> gather rows
    logits = jnp.take(embedding_table, idx, axis=0)  # [B, T, C]
    Bb, Tt, C = logits.shape
    logits2 = logits.reshape(Bb * Tt, C)
    # F.cross_entropy(logits, target.view(B*T)) with mean reduction
    logp = jax.nn.log_softmax(logits2, axis=-1)
    tgt = target.reshape(Bb * Tt)
    nll = -jnp.take_along_axis(logp, tgt[:, None], axis=1)[:, 0]
    loss = jnp.mean(nll)
    return (logits2, loss)

if __name__ == "__main__":
    import jax
    _d = setup_inputs()
    print(jax.jit(kernel)(*tuple(_d.values())))

</pallas_src>

<mosaic_0001>
#map = affine_map<(d0, d1) -> (0, 0)>
#map1 = affine_map<(d0, d1) -> (0)>
module attributes {stable_mosaic.version = 14 : i64} {
  func.func @sc_gather(%arg0: i32, %arg1: i32, %arg2: memref<1000x1024xf32, #tpu.memory_space<hbm>>, %arg3: memref<51200xi32, #tpu.memory_space<hbm>>, %arg4: memref<51200xi32, #tpu.memory_space<hbm>>, %arg5: memref<1000xf32, #tpu.memory_space<hbm>>, %arg6: memref<51200x1000xf32, #tpu.memory_space<hbm>>, %arg7: memref<32x16xf32, #tpu.memory_space<hbm>>, %arg8: memref<1600xi32, #tpu.memory_space<vmem>>, %arg9: memref<1600xi32, #tpu.memory_space<vmem>>, %arg10: memref<1000xf32, #tpu.memory_space<vmem>>, %arg11: memref<32x1024xf32, #tpu.memory_space<vmem>>, %arg12: memref<32x1024xf32, #tpu.memory_space<vmem>>, %arg13: memref<16x1000xf32, #tpu.memory_space<vmem>>, %arg14: memref<16x1000xf32, #tpu.memory_space<vmem>>, %arg15: memref<16xf32, #tpu.memory_space<vmem>>, %arg16: memref<!tpu.dma_semaphore, #tpu.memory_space<semaphore_mem>>, %arg17: memref<!tpu.dma_semaphore, #tpu.memory_space<semaphore_mem>>, %arg18: memref<!tpu.dma_semaphore, #tpu.memory_space<semaphore_mem>>, %arg19: memref<!tpu.dma_semaphore, #tpu.memory_space<semaphore_mem>>) attributes {dimension_semantics = [#tpu.dimension_semantics<core_parallel>, #tpu.dimension_semantics<subcore_parallel>], iteration_bounds = array<i64: 2, 16>, scalar_prefetch = 0 : i64, scratch_operands = 12 : i64, tpu.core_type = #tpu.core_type<sc_vector_subcore>, window_params = [{transform_indices = #map}, {transform_indices = #map1}, {transform_indices = #map1}, {transform_indices = #map1}, {transform_indices = #map}, {transform_indices = #map}]} {
    %mul3A = arith.constant 2 : i32
    %mul3A_0 = arith.muli %arg1, %mul3A : i32
    %add3A = arith.addi %mul3A_0, %arg0 : i32
    %mul3A_1 = arith.constant 1600 : i32
    %mul3A_2 = arith.muli %add3A, %mul3A_1 : i32
    "tpu.region"() ({
      %run_scoped3A = tpu.sem_alloc : memref<!tpu.dma_semaphore, #tpu.memory_space<semaphore_mem>>
      %dma_start3A_29 = tpu.memref_slice %arg3[%mul3A_2] : memref<51200xi32, #tpu.memory_space<hbm>> -> memref<1600xi32, #tpu.memory_space<hbm>>
      %dma_start3A_30 = tpu.memref_slice %arg3[%mul3A_2] : memref<51200xi32, #tpu.memory_space<hbm>> -> memref<1600xi32, #tpu.memory_space<hbm>>
      tpu.enqueue_dma source(%dma_start3A_30 : memref<1600xi32, #tpu.memory_space<hbm>>) target(%arg8 : memref<1600xi32, #tpu.memory_space<vmem>>) target_semaphore(%run_scoped3A : memref<!tpu.dma_semaphore, #tpu.memory_space<semaphore_mem>>)
      %dma_wait3A_31 = tpu.memref_slice %arg3[%mul3A_2] : memref<51200xi32, #tpu.memory_space<hbm>> -> memref<1600xi32, #tpu.memory_space<hbm>>
      %dma_wait3A_32 = tpu.memref_slice %arg3[%mul3A_2] : memref<51200xi32, #tpu.memory_space<hbm>> -> memref<1600xi32, #tpu.memory_space<hbm>>
      tpu.wait_dma2 semaphore(%run_scoped3A : memref<!tpu.dma_semaphore, #tpu.memory_space<semaphore_mem>>) src(%dma_wait3A_32 : memref<1600xi32, #tpu.memory_space<hbm>>) dst(%arg8 : memref<1600xi32, #tpu.memory_space<vmem>>)
      tpu.yield
    }) : () -> ()
    "tpu.region"() ({
      %run_scoped3A = tpu.sem_alloc : memref<!tpu.dma_semaphore, #tpu.memory_space<semaphore_mem>>
      %dma_start3A_29 = tpu.memref_slice %arg4[%mul3A_2] : memref<51200xi32, #tpu.memory_space<hbm>> -> memref<1600xi32, #tpu.memory_space<hbm>>
      %dma_start3A_30 = tpu.memref_slice %arg4[%mul3A_2] : memref<51200xi32, #tpu.memory_space<hbm>> -> memref<1600xi32, #tpu.memory_space<hbm>>
      tpu.enqueue_dma source(%dma_start3A_30 : memref<1600xi32, #tpu.memory_space<hbm>>) target(%arg9 : memref<1600xi32, #tpu.memory_space<vmem>>) target_semaphore(%run_scoped3A : memref<!tpu.dma_semaphore, #tpu.memory_space<semaphore_mem>>)
      %dma_wait3A_31 = tpu.memref_slice %arg4[%mul3A_2] : memref<51200xi32, #tpu.memory_space<hbm>> -> memref<1600xi32, #tpu.memory_space<hbm>>
      %dma_wait3A_32 = tpu.memref_slice %arg4[%mul3A_2] : memref<51200xi32, #tpu.memory_space<hbm>> -> memref<1600xi32, #tpu.memory_space<hbm>>
      tpu.wait_dma2 semaphore(%run_scoped3A : memref<!tpu.dma_semaphore, #tpu.memory_space<semaphore_mem>>) src(%dma_wait3A_32 : memref<1600xi32, #tpu.memory_space<hbm>>) dst(%arg9 : memref<1600xi32, #tpu.memory_space<vmem>>)
      tpu.yield
    }) : () -> ()
    "tpu.region"() ({
      %run_scoped3A = tpu.sem_alloc : memref<!tpu.dma_semaphore, #tpu.memory_space<semaphore_mem>>
      tpu.enqueue_dma source(%arg5 : memref<1000xf32, #tpu.memory_space<hbm>>) target(%arg10 : memref<1000xf32, #tpu.memory_space<vmem>>) target_semaphore(%run_scoped3A : memref<!tpu.dma_semaphore, #tpu.memory_space<semaphore_mem>>)
      tpu.wait_dma2 semaphore(%run_scoped3A : memref<!tpu.dma_semaphore, #tpu.memory_space<semaphore_mem>>) src(%arg5 : memref<1000xf32, #tpu.memory_space<hbm>>) dst(%arg10 : memref<1000xf32, #tpu.memory_space<vmem>>)
      tpu.yield
    }) : () -> ()
    %iota3A = tpu.iota {dimensions = array<i32: 0>} : vector<16xi32>
    %dma_start3A = arith.constant 0 : i32
    %dma_start3A_3 = tpu.memref_slice %arg8[%dma_start3A] : memref<1600xi32, #tpu.memory_space<vmem>> -> memref<32xi32, #tpu.memory_space<vmem>>
    %dma_start3A_4 = arith.constant 0 : i32
    %dma_start3A_5 = arith.constant 0 : i32
    %dma_start3A_6 = tpu.memref_slice %arg2[%dma_start3A_4, %dma_start3A_5] : memref<1000x1024xf32, #tpu.memory_space<hbm>> -> memref<1000x1024xf32, #tpu.memory_space<hbm>>
    tpu.enqueue_indirect_dma source(%dma_start3A_6 : memref<1000x1024xf32, #tpu.memory_space<hbm>>) target(%arg11 : memref<32x1024xf32, #tpu.memory_space<vmem>>) offsets(%dma_start3A_3 : memref<32xi32, #tpu.memory_space<vmem>>) semaphore(%arg16 : memref<!tpu.dma_semaphore, #tpu.memory_space<semaphore_mem>>)
    %broadcast_in_dim3A = arith.constant 0.000000e+00 : f32
    %broadcast_in_dim3A_7 = vector.broadcast %broadcast_in_dim3A : f32 to vector<16xf32>
    %scan3A = arith.constant 0 : i32
    %scan3A_8 = arith.constant 25 : i32
    %scan3A_9 = arith.addi %scan3A, %scan3A_8 : i32
    %scan3A_10 = arith.constant 1 : i32
    %scan3A_11 = scf.for %scan3A_29 = %scan3A to %scan3A_9 step %scan3A_10 iter_args(%scan3A_30 = %broadcast_in_dim3A_7) -> (vector<16xf32>)  : i32 {
      %mul3A_31 = arith.constant 2 : i32
      %mul3A_32 = arith.muli %scan3A_29, %mul3A_31 : i32
      %add3A_33 = arith.constant 0 : i32
      %add3A_34 = arith.addi %mul3A_32, %add3A_33 : i32
      %add3A_35 = arith.constant 1 : i32
      %add3A_36 = arith.addi %add3A_34, %add3A_35 : i32
      %lt3A = arith.constant 50 : i32
      %lt3A_37 = arith.cmpi slt, %add3A_36, %lt3A : i32
      %convert_element_type3A = arith.extui %lt3A_37 : i1 to i32
      %cond3A = arith.constant 0 : i32
      %cond3A_38 = arith.cmpi ne, %convert_element_type3A, %cond3A : i32
      scf.if %cond3A_38 {
        %add3A_157 = arith.constant 1 : i32
        %add3A_158 = arith.addi %add3A_34, %add3A_157 : i32
        %mul3A_159 = arith.constant 32 : i32
        %mul3A_160 = arith.muli %add3A_158, %mul3A_159 : i32
        %dma_start3A_161 = tpu.memref_slice %arg8[%mul3A_160] : memref<1600xi32, #tpu.memory_space<vmem>> -> memref<32xi32, #tpu.memory_space<vmem>>
        %dma_start3A_162 = arith.constant 0 : i32
        %dma_start3A_163 = arith.constant 0 : i32
        %dma_start3A_164 = tpu.memref_slice %arg2[%dma_start3A_162, %dma_start3A_163] : memref<1000x1024xf32, #tpu.memory_space<hbm>> -> memref<1000x1024xf32, #tpu.memory_space<hbm>>
        tpu.enqueue_indirect_dma source(%dma_start3A_164 : memref<1000x1024xf32, #tpu.memory_space<hbm>>) target(%arg12 : memref<32x1024xf32, #tpu.memory_space<vmem>>) offsets(%dma_start3A_161 : memref<32xi32, #tpu.memory_space<vmem>>) semaphore(%arg17 : memref<!tpu.dma_semaphore, #tpu.memory_space<semaphore_mem>>)
      } else {
      }
      %mul3A_39 = arith.constant 32 : i32
      %mul3A_40 = arith.muli %add3A_34, %mul3A_39 : i32
      %dma_wait3A_41 = tpu.memref_slice %arg8[%mul3A_40] : memref<1600xi32, #tpu.memory_space<vmem>> -> memref<32xi32, #tpu.memory_space<vmem>>
      %dma_wait3A_42 = arith.constant 0 : i32
      %dma_wait3A_43 = arith.constant 0 : i32
      %dma_wait3A_44 = tpu.memref_slice %arg2[%dma_wait3A_42, %dma_wait3A_43] : memref<1000x1024xf32, #tpu.memory_space<hbm>> -> memref<1000x1024xf32, #tpu.memory_space<hbm>>
      tpu.wait_indirect_dma semaphore(%arg16 : memref<!tpu.dma_semaphore, #tpu.memory_space<semaphore_mem>>) src(%dma_wait3A_44 : memref<1000x1024xf32, #tpu.memory_space<hbm>>) dst(%arg11 : memref<32x1024xf32, #tpu.memory_space<vmem>>)
      %mul3A_45 = arith.constant 32 : i32
      %mul3A_46 = arith.muli %add3A_34, %mul3A_45 : i32
      %scan3A_47 = arith.constant 0 : i32
      %scan3A_48 = arith.constant 2 : i32
      %scan3A_49 = arith.addi %scan3A_47, %scan3A_48 : i32
      %scan3A_50 = arith.constant 1 : i32
      %scan3A_51 = scf.for %scan3A_157 = %scan3A_47 to %scan3A_49 step %scan3A_50 iter_args(%scan3A_158 = %scan3A_30) -> (vector<16xf32>)  : i32 {
        %mul3A_159 = arith.constant 16 : i32
        %mul3A_160 = arith.muli %scan3A_157, %mul3A_159 : i32
        %add3A_161 = vector.broadcast %mul3A_160 : i32 to vector<16xi32>
        %add3A_162 = arith.addi %iota3A, %add3A_161 : vector<16xi32>
        %add3A_163 = arith.addi %mul3A_46, %mul3A_160 : i32
        %get3A = arith.index_cast %add3A_163 : i32 to index
        %get3A_164 = tpu.vector_load %arg9[%get3A] {strides = array<i32>} : memref<1600xi32, #tpu.memory_space<vmem>>, vector<16xi32>,
        %add3A_165 = arith.addi %mul3A_46, %mul3A_160 : i32
        %get3A_166 = arith.index_cast %add3A_165 : i32 to index
        %get3A_167 = tpu.vector_load %arg8[%get3A_166] {strides = array<i32>} : memref<1600xi32, #tpu.memory_space<vmem>>, vector<16xi32>,
        %gather3A = tpu.vector_load_idx %arg10[%get3A_167] : memref<1000xf32, #tpu.memory_space<vmem>>[vector<16xi32>], vector<16xf32>,
        %gather3A_168 = tpu.vector_load_idx %arg11[%add3A_162, %get3A_164] : memref<32x1024xf32, #tpu.memory_space<vmem>>[vector<16xi32>, vector<16xi32>], vector<16xf32>,
        %add3A_169 = arith.addf %scan3A_158, %gather3A : vector<16xf32>
        %sub3A = arith.subf %add3A_169, %gather3A_168 : vector<16xf32>
        scf.yield %sub3A : vector<16xf32>
      }
      %scan3A_52 = arith.constant 2 : i32
      %gt3A = arith.constant 0 : i32
      %gt3A_53 = arith.cmpi sgt, %add3A_34, %gt3A : i32
      %convert_element_type3A_54 = arith.extui %gt3A_53 : i1 to i32
      %cond3A_55 = arith.constant 0 : i32
      %cond3A_56 = arith.cmpi ne, %convert_element_type3A_54, %cond3A_55 : i32
      scf.if %cond3A_56 {
        %sub3A = arith.constant 1 : i32
        %sub3A_157 = arith.subi %add3A_34, %sub3A : i32
        %mul3A_158 = arith.constant 32 : i32
        %mul3A_159 = arith.muli %sub3A_157, %mul3A_158 : i32
        %add3A_160 = arith.addi %mul3A_2, %mul3A_159 : i32
        %add3A_161 = arith.constant 0 : i32
        %add3A_162 = arith.addi %add3A_160, %add3A_161 : i32
        %dma_wait3A_163 = arith.constant 0 : i32
        %dma_wait3A_164 = tpu.memref_slice %arg6[%add3A_162, %dma_wait3A_163] : memref<51200x1000xf32, #tpu.memory_space<hbm>> -> memref<16x1000xf32, #tpu.memory_space<hbm>>
        %dma_wait3A_165 = arith.constant 0 : i32
        %dma_wait3A_166 = tpu.memref_slice %arg6[%add3A_162, %dma_wait3A_165] : memref<51200x1000xf32, #tpu.memory_space<hbm>> -> memref<16x1000xf32, #tpu.memory_space<hbm>>
        tpu.wait_dma2 semaphore(%arg18 : memref<!tpu.dma_semaphore, #tpu.memory_space<semaphore_mem>>) src(%arg13 : memref<16x1000xf32, #tpu.memory_space<vmem>>) dst(%dma_wait3A_166 : memref<16x1000xf32, #tpu.memory_space<hbm>>)
      } else {
      }
      %scan3A_57 = arith.constant 0 : i32
      %scan3A_58 = arith.constant 0 : i32
      %scan3A_59 = arith.constant 16 : i32
      %scan3A_60 = arith.addi %scan3A_58, %scan3A_59 : i32
      %scan3A_61 = arith.constant 1 : i32
      scf.for %scan3A_157 = %scan3A_58 to %scan3A_60 step %scan3A_61  : i32 {
        %add3A_158 = arith.constant 0 : i32
        %add3A_159 = arith.addi %add3A_158, %scan3A_157 : i32
        %get3A = arith.index_cast %add3A_159 : i32 to index
        %get3A_160 = arith.constant 0 : index
        %get3A_161 = tpu.vector_load %arg11[%get3A, %get3A_160] {strides = array<i32>} : memref<32x1024xf32, #tpu.memory_space<vmem>>, vector<16xf32>,
        %swap3A_162 = arith.index_cast %scan3A_157 : i32 to index
        %swap3A_163 = arith.constant 0 : index
        %swap3A_164 = tpu.vector_load %arg13[%swap3A_162, %swap3A_163] {strides = array<i32>} : memref<16x1000xf32, #tpu.memory_space<vmem>>, vector<16xf32>,
        tpu.vector_store %arg13[%swap3A_162, %swap3A_163], %get3A_161 {strides = array<i32>} : memref<16x1000xf32, #tpu.memory_space<vmem>>, vector<16xf32>,
        %get3A_165 = arith.index_cast %add3A_159 : i32 to index
        %get3A_166 = arith.constant 16 : index
        %get3A_167 = tpu.vector_load %arg11[%get3A_165, %get3A_166] {strides = array<i32>} : memref<32x1024xf32, #tpu.memory_space<vmem>>, vector<16xf32>,
        %swap3A_168 = arith.index_cast %scan3A_157 : i32 to index
        %swap3A_169 = arith.constant 16 : index
        %swap3A_170 = tpu.vector_load %arg13[%swap3A_168, %swap3A_169] {strides = array<i32>} : memref<16x1000xf32, #tpu.memory_space<vmem>>, vector<16xf32>,
        tpu.vector_store %arg13[%swap3A_168, %swap3A_169], %get3A_167 {strides = array<i32>} : memref<16x1000xf32, #tpu.memory_space<vmem>>, vector<16xf32>,
        %get3A_171 = arith.index_cast %add3A_159 : i32 to index
        %get3A_172 = arith.constant 32 : index
        %get3A_173 = tpu.vector_load %arg11[%get3A_171, %get3A_172] {strides = array<i32>} : memref<32x1024xf32, #tpu.memory_space<vmem>>, vector<16xf32>,
        %swap3A_174 = arith.index_cast %scan3A_157 : i32 to index
        %swap3A_175 = arith.constant 32 : index
        %swap3A_176 = tpu.vector_load %arg13[%swap3A_174, %swap3A_175] {strides = array<i32>} : memref<16x1000xf32, #tpu.memory_space<vmem>>, vector<16xf32>,
        tpu.vector_store %arg13[%swap3A_174, %swap3A_175], %get3A_173 {strides = array<i32>} : memref<16x1000xf32, #tpu.memory_space<vmem>>, vector<16xf32>,
        %get3A_177 = arith.index_cast %add3A_159 : i32 to index
        %get3A_178 = arith.constant 48 : index
        %get3A_179 = tpu.vector_load %arg11[%get3A_177, %get3A_178] {strides = array<i32>} : memref<32x1024xf32, #tpu.memory_space<vmem>>, vector<16xf32>,
        %swap3A_180 = arith.index_cast %scan3A_157 : i32 to index
        %swap3A_181 = arith.constant 48 : index
        %swap3A_182 = tpu.vector_load %arg13[%swap3A_180, %swap3A_181] {strides = array<i32>} : memref<16x1000xf32, #tpu.memory_space<vmem>>, vector<16xf32>,
        tpu.vector_store %arg13[%swap3A_180, %swap3A_181], %get3A_179 {strides = array<i32>} : memref<16x1000xf32, #tpu.memory_space<vmem>>, vector<16xf32>,
        %get3A_183 = arith.index_cast %add3A_159 : i32 to index
        %get3A_184 = arith.constant 64 : index
        %get3A_185 = tpu.vector_load %arg11[%get3A_183, %get3A_184] {strides = array<i32>} : memref<32x1024xf32, #tpu.memory_space<vmem>>, vector<16xf32>,
        %swap3A_186 = arith.index_cast %scan3A_157 : i32 to index
        %swap3A_187 = arith.constant 64 : index
        %swap3A_188 = tpu.vector_load %arg13[%swap3A_186, %swap3A_187] {strides = array<i32>} : memref<16x1000xf32, #tpu.memory_space<vmem>>, vector<16xf32>,
        tpu.vector_store %arg13[%swap3A_186, %swap3A_187], %get3A_185 {strides = array<i32>} : memref<16x1000xf32, #tpu.memory_space<vmem>>, vector<16xf32>,
        %get3A_189 = arith.index_cast %add3A_159 : i32 to index
        %get3A_190 = arith.constant 80 : index
        %get3A_191 = tpu.vector_load %arg11[%get3A_189, %get3A_190] {strides = array<i32>} : memref<32x1024xf32, #tpu.memory_space<vmem>>, vector<16xf32>,
        %swap3A_192 = arith.index_cast %scan3A_157 : i32 to index
        %swap3A_193 = arith.constant 80 : index
        %swap3A_194 = tpu.vector_load %arg13[%swap3A_192, %swap3A_193] {strides = array<i32>} : memref<16x1000xf32, #tpu.memory_space<vmem>>, vector<16xf32>,
        tpu.vector_store %arg13[%swap3A_192, %swap3A_193], %get3A_191 {strides = array<i32>} : memref<16x1000xf32, #tpu.memory_space<vmem>>, vector<16xf32>,
        %get3A_195 = arith.index_cast %add3A_159 : i32 to index
        %get3A_196 = arith.constant 96 : index
        %get3A_197 = tpu.vector_load %arg11[%get3A_195, %get3A_196] {strides = array<i32>} : memref<32x1024xf32, #tpu.memory_space<vmem>>, vector<16xf32>,
        %swap3A_198 = arith.index_cast %scan3A_157 : i32 to index
        %swap3A_199 = arith.constant 96 : index
        %swap3A_200 = tpu.vector_load %arg13[%swap3A_198, %swap3A_199] {strides = array<i32>} : memref<16x1000xf32, #tpu.memory_space<vmem>>, vector<16xf32>,
        tpu.vector_store %arg13[%swap3A_198, %swap3A_199], %get3A_197 {strides = array<i32>} : memref<16x1000xf32, #tpu.memory_space<vmem>>, vector<16xf32>,
        %get3A_201 = arith.index_cast %add3A_159 : i32 to index
        %get3A_202 = arith.constant 112 : index
        %get3A_203 = tpu.vector_load %arg11[%get3A_201, %get3A_202] {strides = array<i32>} : memref<32x1024xf32, #tpu.memory_space<vmem>>, vector<16xf32>,
        %swap3A_204 = arith.index_cast %scan3A_157 : i32 to index
        %swap3A_205 = arith.constant 112 : index
        %swap3A_206 = tpu.vector_load %arg13[%swap3A_204, %swap3A_205] {strides = array<i32>} : memref<16x1000xf32, #tpu.memory_space<vmem>>, vector<16xf32>,
        tpu.vector_store %arg13[%swap3A_204, %swap3A_205], %get3A_203 {strides = array<i32>} : memref<16x1000xf32, #tpu.memory_space<vmem>>, vector<16xf32>,
        %get3A_207 = arith.index_cast %add3A_159 : i32 to index
        %get3A_208 = arith.constant 128 : index
        %get3A_209 = tpu.vector_load %arg11[%get3A_207, %get3A_208] {strides = array<i32>} : memref<32x1024xf32, #tpu.memory_space<vmem>>, vector<16xf32>,
        %swap3A_210 = arith.index_cast %scan3A_157 : i32 to index
        %swap3A_211 = arith.constant 128 : index
        %swap3A_212 = tpu.vector_load %arg13[%swap3A_210, %swap3A_211] {strides = array<i32>} : memref<16x1000xf32, #tpu.memory_space<vmem>>, vector<16xf32>,
        tpu.vector_store %arg13[%swap3A_210, %swap3A_211], %get3A_209 {strides = array<i32>} : memref<16x1000xf32, #tpu.memory_space<vmem>>, vector<16xf32>,
        %get3A_213 = arith.index_cast %add3A_159 : i32 to index
        %get3A_214 = arith.constant 144 : index
        %get3A_215 = tpu.vector_load %arg11[%get3A_213, %get3A_214] {strides = array<i32>} : memref<32x1024xf32, #tpu.memory_space<vmem>>, vector<16xf32>,
        %swap3A_216 = arith.index_cast %scan3A_157 : i32 to index
        %swap3A_217 = arith.constant 144 : index
        %swap3A_218 = tpu.vector_load %arg13[%swap3A_216, %swap3A_217] {strides = array<i32>} : memref<16x1000xf32, #tpu.memory_space<vmem>>, vector<16xf32>,
        tpu.vector_store %arg13[%swap3A_216, %swap3A_217], %get3A_215 {strides = array<i32>} : memref<16x1000xf32, #tpu.memory_space<vmem>>, vector<16xf32>,
        %get3A_219 = arith.index_cast %add3A_159 : i32 to index
        %get3A_220 = arith.constant 160 : index
        %get3A_221 = tpu.vector_load %arg11[%get3A_219, %get3A_220] {strides = array<i32>} : memref<32x1024xf32, #tpu.memory_space<vmem>>, vector<16xf32>,
        %swap3A_222 = arith.index_cast %scan3A_157 : i32 to index
        %swap3A_223 = arith.constant 160 : index
        %swap3A_224 = tpu.vector_load %arg13[%swap3A_222, %swap3A_223] {strides = array<i32>} : memref<16x1000xf32, #tpu.memory_space<vmem>>, vector<16xf32>,
        tpu.vector_store %arg13[%swap3A_222, %swap3A_223], %get3A_221 {strides = array<i32>} : memref<16x1000xf32, #tpu.memory_space<vmem>>, vector<16xf32>,
        %get3A_225 = arith.index_cast %add3A_159 : i32 to index
        %get3A_226 = arith.constant 176 : index
        %get3A_227 = tpu.vector_load %arg11[%get3A_225, %get3A_226] {strides = array<i32>} : memref<32x1024xf32, #tpu.memory_space<vmem>>, vector<16xf32>,
        %swap3A_228 = arith.index_cast %scan3A_157 : i32 to index
        %swap3A_229 = arith.constant 176 : index
        %swap3A_230 = tpu.vector_load %arg13[%swap3A_228, %swap3A_229] {strides = array<i32>} : memref<16x1000xf32, #tpu.memory_space<vmem>>, vector<16xf32>,
        tpu.vector_store %arg13[%swap3A_228, %swap3A_229], %get3A_227 {strides = array<i32>} : memref<16x1000xf32, #tpu.memory_space<vmem>>, vector<16xf32>,
        %get3A_231 = arith.index_cast %add3A_159 : i32 to index
        %get3A_232 = arith.constant 192 : index
        %get3A_233 = tpu.vector_load %arg11[%get3A_231, %get3A_232] {strides = array<i32>} : memref<32x1024xf32, #tpu.memory_space<vmem>>, vector<16xf32>,
        %swap3A_234 = arith.index_cast %scan3A_157 : i32 to index
        %swap3A_235 = arith.constant 192 : index
        %swap3A_236 = tpu.vector_load %arg13[%swap3A_234, %swap3A_235] {strides = array<i32>} : memref<16x1000xf32, #tpu.memory_space<vmem>>, vector<16xf32>,
        tpu.vector_store %arg13[%swap3A_234, %swap3A_235], %get3A_233 {strides = array<i32>} : memref<16x1000xf32, #tpu.memory_space<vmem>>, vector<16xf32>,
        %get3A_237 = arith.index_cast %add3A_159 : i32 to index
        %get3A_238 = arith.constant 208 : index
        %get3A_239 = tpu.vector_load %arg11[%get3A_237, %get3A_238] {strides = array<i32>} : memref<32x1024xf32, #tpu.memory_space<vmem>>, vector<16xf32>,
        %swap3A_240 = arith.index_cast %scan3A_157 : i32 to index
        %swap3A_241 = arith.constant 208 : index
        %swap3A_242 = tpu.vector_load %arg13[%swap3A_240, %swap3A_241] {strides = array<i32>} : memref<16x1000xf32, #tpu.memory_space<vmem>>, vector<16xf32>,
        tpu.vector_store %arg13[%swap3A_240, %swap3A_241], %get3A_239 {strides = array<i32>} : memref<16x1000xf32, #tpu.memory_space<vmem>>, vector<16xf32>,
        %get3A_243 = arith.index_cast %add3A_159 : i32 to index
        %get3A_244 = arith.constant 224 : index
        %get3A_245 = tpu.vector_load %arg11[%get3A_243, %get3A_244] {strides = array<i32>} : memref<32x1024xf32, #tpu.memory_space<vmem>>, vector<16xf32>,
        %swap3A_246 = arith.index_cast %scan3A_157 : i32 to index
        %swap3A_247 = arith.constant 224 : index
        %swap3A_248 = tpu.vector_load %arg13[%swap3A_246, %swap3A_247] {strides = array<i32>} : memref<16x1000xf32, #tpu.memory_space<vmem>>, vector<16xf32>,
        tpu.vector_store %arg13[%swap3A_246, %swap3A_247], %get3A_245 {strides = array<i32>} : memref<16x1000xf32, #tpu.memory_space<vmem>>, vector<16xf32>,
        %get3A_249 = arith.index_cast %add3A_159 : i32 to index
        %get3A_250 = arith.constant 240 : index
        %get3A_251 = tpu.vector_load %arg11[%get3A_249, %get3A_250] {strides = array<i32>} : memref<32x1024xf32, #tpu.memory_space<vmem>>, vector<16xf32>,
        %swap3A_252 = arith.index_cast %scan3A_157 : i32 to index
        %swap3A_253 = arith.constant 240 : index
        %swap3A_254 = tpu.vector_load %arg13[%swap3A_252, %swap3A_253] {strides = array<i32>} : memref<16x1000xf32, #tpu.memory_space<vmem>>, vector<16xf32>,
        tpu.vector_store %arg13[%swap3A_252, %swap3A_253], %get3A_251 {strides = array<i32>} : memref<16x1000xf32, #tpu.memory_space<vmem>>, vector<16xf32>,
        %get3A_255 = arith.index_cast %add3A_159 : i32 to index
        %get3A_256 = arith.constant 256 : index
        %get3A_257 = tpu.vector_load %arg11[%get3A_255, %get3A_256] {strides = array<i32>} : memref<32x1024xf32, #tpu.memory_space<vmem>>, vector<16xf32>,
        %swap3A_258 = arith.index_cast %scan3A_157 : i32 to index
        %swap3A_259 = arith.constant 256 : index
        %swap3A_260 = tpu.vector_load %arg13[%swap3A_258, %swap3A_259] {strides = array<i32>} : memref<16x1000xf32, #tpu.memory_space<vmem>>, vector<16xf32>,
        tpu.vector_store %arg13[%swap3A_258, %swap3A_259], %get3A_257 {strides = array<i32>} : memref<16x1000xf32, #tpu.memory_space<vmem>>, vector<16xf32>,
        %get3A_261 = arith.index_cast %add3A_159 : i32 to index
        %get3A_262 = arith.constant 272 : index
        %get3A_263 = tpu.vector_load %arg11[%get3A_261, %get3A_262] {strides = array<i32>} : memref<32x1024xf32, #tpu.memory_space<vmem>>, vector<16xf32>,
        %swap3A_264 = arith.index_cast %scan3A_157 : i32 to index
        %swap3A_265 = arith.constant 272 : index
        %swap3A_266 = tpu.vector_load %arg13[%swap3A_264, %swap3A_265] {strides = array<i32>} : memref<16x1000xf32, #tpu.memory_space<vmem>>, vector<16xf32>,
        tpu.vector_store %arg13[%swap3A_264, %swap3A_265], %get3A_263 {strides = array<i32>} : memref<16x1000xf32, #tpu.memory_space<vmem>>, vector<16xf32>,
        %get3A_267 = arith.index_cast %add3A_159 : i32 to index
        %get3A_268 = arith.constant 288 : index
        %get3A_269 = tpu.vector_load %arg11[%get3A_267, %get3A_268] {strides = array<i32>} : memref<32x1024xf32, #tpu.memory_space<vmem>>, vector<16xf32>,
        %swap3A_270 = arith.index_cast %scan3A_157 : i32 to index
        %swap3A_271 = arith.constant 288 : index
        %swap3A_272 = tpu.vector_load %arg13[%swap3A_270, %swap3A_271] {strides = array<i32>} : memref<16x1000xf32, #tpu.memory_space<vmem>>, vector<16xf32>,
        tpu.vector_store %arg13[%swap3A_270, %swap3A_271], %get3A_269 {strides = array<i32>} : memref<16x1000xf32, #tpu.memory_space<vmem>>, vector<16xf32>,
        %get3A_273 = arith.index_cast %add3A_159 : i32 to index
        %get3A_274 = arith.constant 304 : index
        %get3A_275 = tpu.vector_load %arg11[%get3A_273, %get3A_274] {strides = array<i32>} : memref<32x1024xf32, #tpu.memory_space<vmem>>, vector<16xf32>,
        %swap3A_276 = arith.index_cast %scan3A_157 : i32 to index
        %swap3A_277 = arith.constant 304 : index
        %swap3A_278 = tpu.vector_load %arg13[%swap3A_276, %swap3A_277] {strides = array<i32>} : memref<16x1000xf32, #tpu.memory_space<vmem>>, vector<16xf32>,
        tpu.vector_store %arg13[%swap3A_276, %swap3A_277], %get3A_275 {strides = array<i32>} : memref<16x1000xf32, #tpu.memory_space<vmem>>, vector<16xf32>,
        %get3A_279 = arith.index_cast %add3A_159 : i32 to index
        %get3A_280 = arith.constant 320 : index
        %get3A_281 = tpu.vector_load %arg11[%get3A_279, %get3A_280] {strides = array<i32>} : memref<32x1024xf32, #tpu.memory_space<vmem>>, vector<16xf32>,
        %swap3A_282 = arith.index_cast %scan3A_157 : i32 to index
        %swap3A_283 = arith.constant 320 : index
        %swap3A_284 = tpu.vector_load %arg13[%swap3A_282, %swap3A_283] {strides = array<i32>} : memref<16x1000xf32, #tpu.memory_space<vmem>>, vector<16xf32>,
        tpu.vector_store %arg13[%swap3A_282, %swap3A_283], %get3A_281 {strides = array<i32>} : memref<16x1000xf32, #tpu.memory_space<vmem>>, vector<16xf32>,
        %get3A_285 = arith.index_cast %add3A_159 : i32 to index
        %get3A_286 = arith.constant 336 : index
        %get3A_287 = tpu.vector_load %arg11[%get3A_285, %get3A_286] {strides = array<i32>} : memref<32x1024xf32, #tpu.memory_space<vmem>>, vector<16xf32>,
        %swap3A_288 = arith.index_cast %scan3A_157 : i32 to index
        %swap3A_289 = arith.constant 336 : index
        %swap3A_290 = tpu.vector_load %arg13[%swap3A_288, %swap3A_289] {strides = array<i32>} : memref<16x1000xf32, #tpu.memory_space<vmem>>, vector<16xf32>,
        tpu.vector_store %arg13[%swap3A_288, %swap3A_289], %get3A_287 {strides = array<i32>} : memref<16x1000xf32, #tpu.memory_space<vmem>>, vector<16xf32>,
        %get3A_291 = arith.index_cast %add3A_159 : i32 to index
        %get3A_292 = arith.constant 352 : index
        %get3A_293 = tpu.vector_load %arg11[%get3A_291, %get3A_292] {strides = array<i32>} : memref<32x1024xf32, #tpu.memory_space<vmem>>, vector<16xf32>,
        %swap3A_294 = arith.index_cast %scan3A_157 : i32 to index
        %swap3A_295 = arith.constant 352 : index
        %swap3A_296 = tpu.vector_load %arg13[%swap3A_294, %swap3A_295] {strides = array<i32>} : memref<16x1000xf32, #tpu.memory_space<vmem>>, vector<16xf32>,
        tpu.vector_store %arg13[%swap3A_294, %swap3A_295], %get3A_293 {strides = array<i32>} : memref<16x1000xf32, #tpu.memory_space<vmem>>, vector<16xf32>,
        %get3A_297 = arith.index_cast %add3A_159 : i32 to index
        %get3A_298 = arith.constant 368 : index
        %get3A_299 = tpu.vector_load %arg11[%get3A_297, %get3A_298] {strides = array<i32>} : memref<32x1024xf32, #tpu.memory_space<vmem>>, vector<16xf32>,
        %swap3A_300 = arith.index_cast %scan3A_157 : i32 to index
        %swap3A_301 = arith.constant 368 : index
        %swap3A_302 = tpu.vector_load %arg13[%swap3A_300, %swap3A_301] {strides = array<i32>} : memref<16x1000xf32, #tpu.memory_space<vmem>>, vector<16xf32>,
        tpu.vector_store %arg13[%swap3A_300, %swap3A_301], %get3A_299 {strides = array<i32>} : memref<16x1000xf32, #tpu.memory_space<vmem>>, vector<16xf32>,
        %get3A_303 = arith.index_cast %add3A_159 : i32 to index
        %get3A_304 = arith.constant 384 : index
        %get3A_305 = tpu.vector_load %arg11[%get3A_303, %get3A_304] {strides = array<i32>} : memref<32x1024xf32, #tpu.memory_space<vmem>>, vector<16xf32>,
        %swap3A_306 = arith.index_cast %scan3A_157 : i32 to index
        %swap3A_307 = arith.constant 384 : index
        %swap3A_308 = tpu.vector_load %arg13[%swap3A_306, %swap3A_307] {strides = array<i32>} : memref<16x1000xf32, #tpu.memory_space<vmem>>, vector<16xf32>,
        tpu.vector_store %arg13[%swap3A_306, %swap3A_307], %get3A_305 {strides = array<i32>} : memref<16x1000xf32, #tpu.memory_space<vmem>>, vector<16xf32>,
        %get3A_309 = arith.index_cast %add3A_159 : i32 to index
        %get3A_310 = arith.constant 400 : index
        %get3A_311 = tpu.vector_load %arg11[%get3A_309, %get3A_310] {strides = array<i32>} : memref<32x1024xf32, #tpu.memory_space<vmem>>, vector<16xf32>,
        %swap3A_312 = arith.index_cast %scan3A_157 : i32 to index
        %swap3A_313 = arith.constant 400 : index
        %swap3A_314 = tpu.vector_load %arg13[%swap3A_312, %swap3A_313] {strides = array<i32>} : memref<16x1000xf32, #tpu.memory_space<vmem>>, vector<16xf32>,
        tpu.vector_store %arg13[%swap3A_312, %swap3A_313], %get3A_311 {strides = array<i32>} : memref<16x1000xf32, #tpu.memory_space<vmem>>, vector<16xf32>,
        %get3A_315 = arith.index_cast %add3A_159 : i32 to index
        %get3A_316 = arith.constant 416 : index
        %get3A_317 = tpu.vector_load %arg11[%get3A_315, %get3A_316] {strides = array<i32>} : memref<32x1024xf32, #tpu.memory_space<vmem>>, vector<16xf32>,
        %swap3A_318 = arith.index_cast %scan3A_157 : i32 to index
        %swap3A_319 = arith.constant 416 : index
        %swap3A_320 = tpu.vector_load %arg13[%swap3A_318, %swap3A_319] {strides = array<i32>} : memref<16x1000xf32, #tpu.memory_space<vmem>>, vector<16xf32>,
        tpu.vector_store %arg13[%swap3A_318, %swap3A_319], %get3A_317 {strides = array<i32>} : memref<16x1000xf32, #tpu.memory_space<vmem>>, vector<16xf32>,
        %get3A_321 = arith.index_cast %add3A_159 : i32 to index
        %get3A_322 = arith.constant 432 : index
        %get3A_323 = tpu.vector_load %arg11[%get3A_321, %get3A_322] {strides = array<i32>} : memref<32x1024xf32, #tpu.memory_space<vmem>>, vector<16xf32>,
        %swap3A_324 = arith.index_cast %scan3A_157 : i32 to index
        %swap3A_325 = arith.constant 432 : index
        %swap3A_326 = tpu.vector_load %arg13[%swap3A_324, %swap3A_325] {strides = array<i32>} : memref<16x1000xf32, #tpu.memory_space<vmem>>, vector<16xf32>,
        tpu.vector_store %arg13[%swap3A_324, %swap3A_325], %get3A_323 {strides = array<i32>} : memref<16x1000xf32, #tpu.memory_space<vmem>>, vector<16xf32>,
        %get3A_327 = arith.index_cast %add3A_159 : i32 to index
        %get3A_328 = arith.constant 448 : index
        %get3A_329 = tpu.vector_load %arg11[%get3A_327, %get3A_328] {strides = array<i32>} : memref<32x1024xf32, #tpu.memory_space<vmem>>, vector<16xf32>,
        %swap3A_330 = arith.index_cast %scan3A_157 : i32 to index
        %swap3A_331 = arith.constant 448 : index
        %swap3A_332 = tpu.vector_load %arg13[%swap3A_330, %swap3A_331] {strides = array<i32>} : memref<16x1000xf32, #tpu.memory_space<vmem>>, vector<16xf32>,
        tpu.vector_store %arg13[%swap3A_330, %swap3A_331], %get3A_329 {strides = array<i32>} : memref<16x1000xf32, #tpu.memory_space<vmem>>, vector<16xf32>,
        %get3A_333 = arith.index_cast %add3A_159 : i32 to index
        %get3A_334 = arith.constant 464 : index
        %get3A_335 = tpu.vector_load %arg11[%get3A_333, %get3A_334] {strides = array<i32>} : memref<32x1024xf32, #tpu.memory_space<vmem>>, vector<16xf32>,
        %swap3A_336 = arith.index_cast %scan3A_157 : i32 to index
        %swap3A_337 = arith.constant 464 : index
        %swap3A_338 = tpu.vector_load %arg13[%swap3A_336, %swap3A_337] {strides = array<i32>} : memref<16x1000xf32, #tpu.memory_space<vmem>>, vector<16xf32>,
        tpu.vector_store %arg13[%swap3A_336, %swap3A_337], %get3A_335 {strides = array<i32>} : memref<16x1000xf32, #tpu.memory_space<vmem>>, vector<16xf32>,
        %get3A_339 = arith.index_cast %add3A_159 : i32 to index
        %get3A_340 = arith.constant 480 : index
        %get3A_341 = tpu.vector_load %arg11[%get3A_339, %get3A_340] {strides = array<i32>} : memref<32x1024xf32, #tpu.memory_space<vmem>>, vector<16xf32>,
        %swap3A_342 = arith.index_cast %scan3A_157 : i32 to index
        %swap3A_343 = arith.constant 480 : index
        %swap3A_344 = tpu.vector_load %arg13[%swap3A_342, %swap3A_343] {strides = array<i32>} : memref<16x1000xf32, #tpu.memory_space<vmem>>, vector<16xf32>,
        tpu.vector_store %arg13[%swap3A_342, %swap3A_343], %get3A_341 {strides = array<i32>} : memref<16x1000xf32, #tpu.memory_space<vmem>>, vector<16xf32>,
        %get3A_345 = arith.index_cast %add3A_159 : i32 to index
        %get3A_346 = arith.constant 496 : index
        %get3A_347 = tpu.vector_load %arg11[%get3A_345, %get3A_346] {strides = array<i32>} : memref<32x1024xf32, #tpu.memory_space<vmem>>, vector<16xf32>,
        %swap3A_348 = arith.index_cast %scan3A_157 : i32 to index
        %swap3A_349 = arith.constant 496 : index
        %swap3A_350 = tpu.vector_load %arg13[%swap3A_348, %swap3A_349] {strides = array<i32>} : memref<16x1000xf32, #tpu.memory_space<vmem>>, vector<16xf32>,
        tpu.vector_store %arg13[%swap3A_348, %swap3A_349], %get3A_347 {strides = array<i32>} : memref<16x1000xf32, #tpu.memory_space<vmem>>, vector<16xf32>,
        %get3A_351 = arith.index_cast %add3A_159 : i32 to index
        %get3A_352 = arith.constant 512 : index
        %get3A_353 = tpu.vector_load %arg11[%get3A_351, %get3A_352] {strides = array<i32>} : memref<32x1024xf32, #tpu.memory_space<vmem>>, vector<16xf32>,
        %swap3A_354 = arith.index_cast %scan3A_157 : i32 to index
        %swap3A_355 = arith.constant 512 : index
        %swap3A_356 = tpu.vector_load %arg13[%swap3A_354, %swap3A_355] {strides = array<i32>} : memref<16x1000xf32, #tpu.memory_space<vmem>>, vector<16xf32>,
        tpu.vector_store %arg13[%swap3A_354, %swap3A_355], %get3A_353 {strides = array<i32>} : memref<16x1000xf32, #tpu.memory_space<vmem>>, vector<16xf32>,
        %get3A_357 = arith.index_cast %add3A_159 : i32 to index
        %get3A_358 = arith.constant 528 : index
        %get3A_359 = tpu.vector_load %arg11[%get3A_357, %get3A_358] {strides = array<i32>} : memref<32x1024xf32, #tpu.memory_space<vmem>>, vector<16xf32>,
        %swap3A_360 = arith.index_cast %scan3A_157 : i32 to index
        %swap3A_361 = arith.constant 528 : index
        %swap3A_362 = tpu.vector_load %arg13[%swap3A_360, %swap3A_361] {strides = array<i32>} : memref<16x1000xf32, #tpu.memory_space<vmem>>, vector<16xf32>,
        tpu.vector_store %arg13[%swap3A_360, %swap3A_361], %get3A_359 {strides = array<i32>} : memref<16x1000xf32, #tpu.memory_space<vmem>>, vector<16xf32>,
        %get3A_363 = arith.index_cast %add3A_159 : i32 to index
        %get3A_364 = arith.constant 544 : index
        %get3A_365 = tpu.vector_load %arg11[%get3A_363, %get3A_364] {strides = array<i32>} : memref<32x1024xf32, #tpu.memory_space<vmem>>, vector<16xf32>,
        %swap3A_366 = arith.index_cast %scan3A_157 : i32 to index
        %swap3A_367 = arith.constant 544 : index
        %swap3A_368 = tpu.vector_load %arg13[%swap3A_366, %swap3A_367] {strides = array<i32>} : memref<16x1000xf32, #tpu.memory_space<vmem>>, vector<16xf32>,
        tpu.vector_store %arg13[%swap3A_366, %swap3A_367], %get3A_365 {strides = array<i32>} : memref<16x1000xf32, #tpu.memory_space<vmem>>, vector<16xf32>,
        %get3A_369 = arith.index_cast %add3A_159 : i32 to index
        %get3A_370 = arith.constant 560 : index
        %get3A_371 = tpu.vector_load %arg11[%get3A_369, %get3A_370] {strides = array<i32>} : memref<32x1024xf32, #tpu.memory_space<vmem>>, vector<16xf32>,
        %swap3A_372 = arith.index_cast %scan3A_157 : i32 to index
        %swap3A_373 = arith.constant 560 : index
        %swap3A_374 = tpu.vector_load %arg13[%swap3A_372, %swap3A_373] {strides = array<i32>} : memref<16x1000xf32, #tpu.memory_space<vmem>>, vector<16xf32>,
        tpu.vector_store %arg13[%swap3A_372, %swap3A_373], %get3A_371 {strides = array<i32>} : memref<16x1000xf32, #tpu.memory_space<vmem>>, vector<16xf32>,
        %get3A_375 = arith.index_cast %add3A_159 : i32 to index
        %get3A_376 = arith.constant 576 : index
        %get3A_377 = tpu.vector_load %arg11[%get3A_375, %get3A_376] {strides = array<i32>} : memref<32x1024xf32, #tpu.memory_space<vmem>>, vector<16xf32>,
        %swap3A_378 = arith.index_cast %scan3A_157 : i32 to index
        %swap3A_379 = arith.constant 576 : index
        %swap3A_380 = tpu.vector_load %arg13[%swap3A_378, %swap3A_379] {strides = array<i32>} : memref<16x1000xf32, #tpu.memory_space<vmem>>, vector<16xf32>,
        tpu.vector_store %arg13[%swap3A_378, %swap3A_379], %get3A_377 {strides = array<i32>} : memref<16x1000xf32, #tpu.memory_space<vmem>>, vector<16xf32>,
        %get3A_381 = arith.index_cast %add3A_159 : i32 to index
        %get3A_382 = arith.constant 592 : index
        %get3A_383 = tpu.vector_load %arg11[%get3A_381, %get3A_382] {strides = array<i32>} : memref<32x1024xf32, #tpu.memory_space<vmem>>, vector<16xf32>,
        %swap3A_384 = arith.index_cast %scan3A_157 : i32 to index
        %swap3A_385 = arith.constant 592 : index
        %swap3A_386 = tpu.vector_load %arg13[%swap3A_384, %swap3A_385] {strides = array<i32>} : memref<16x1000xf32, #tpu.memory_space<vmem>>, vector<16xf32>,
        tpu.vector_store %arg13[%swap3A_384, %swap3A_385], %get3A_383 {strides = array<i32>} : memref<16x1000xf32, #tpu.memory_space<vmem>>, vector<16xf32>,
        %get3A_387 = arith.index_cast %add3A_159 : i32 to index
        %get3A_388 = arith.constant 608 : index
        %get3A_389 = tpu.vector_load %arg11[%get3A_387, %get3A_388] {strides = array<i32>} : memref<32x1024xf32, #tpu.memory_space<vmem>>, vector<16xf32>,
        %swap3A_390 = arith.index_cast %scan3A_157 : i32 to index
        %swap3A_391 = arith.constant 608 : index
        %swap3A_392 = tpu.vector_load %arg13[%swap3A_390, %swap3A_391] {strides = array<i32>} : memref<16x1000xf32, #tpu.memory_space<vmem>>, vector<16xf32>,
        tpu.vector_store %arg13[%swap3A_390, %swap3A_391], %get3A_389 {strides = array<i32>} : memref<16x1000xf32, #tpu.memory_space<vmem>>, vector<16xf32>,
        %get3A_393 = arith.index_cast %add3A_159 : i32 to index
        %get3A_394 = arith.constant 624 : index
        %get3A_395 = tpu.vector_load %arg11[%get3A_393, %get3A_394] {strides = array<i32>} : memref<32x1024xf32, #tpu.memory_space<vmem>>, vector<16xf32>,
        %swap3A_396 = arith.index_cast %scan3A_157 : i32 to index
        %swap3A_397 = arith.constant 624 : index
        %swap3A_398 = tpu.vector_load %arg13[%swap3A_396, %swap3A_397] {strides = array<i32>} : memref<16x1000xf32, #tpu.memory_space<vmem>>, vector<16xf32>,
        tpu.vector_store %arg13[%swap3A_396, %swap3A_397], %get3A_395 {strides = array<i32>} : memref<16x1000xf32, #tpu.memory_space<vmem>>, vector<16xf32>,
        %get3A_399 = arith.index_cast %add3A_159 : i32 to index
        %get3A_400 = arith.constant 640 : index
        %get3A_401 = tpu.vector_load %arg11[%get3A_399, %get3A_400] {strides = array<i32>} : memref<32x1024xf32, #tpu.memory_space<vmem>>, vector<16xf32>,
        %swap3A_402 = arith.index_cast %scan3A_157 : i32 to index
        %swap3A_403 = arith.constant 640 : index
        %swap3A_404 = tpu.vector_load %arg13[%swap3A_402, %swap3A_403] {strides = array<i32>} : memref<16x1000xf32, #tpu.memory_space<vmem>>, vector<16xf32>,
        tpu.vector_store %arg13[%swap3A_402, %swap3A_403], %get3A_401 {strides = array<i32>} : memref<16x1000xf32, #tpu.memory_space<vmem>>, vector<16xf32>,
        %get3A_405 = arith.index_cast %add3A_159 : i32 to index
        %get3A_406 = arith.constant 656 : index
        %get3A_407 = tpu.vector_load %arg11[%get3A_405, %get3A_406] {strides = array<i32>} : memref<32x1024xf32, #tpu.memory_space<vmem>>, vector<16xf32>,
        %swap3A_408 = arith.index_cast %scan3A_157 : i32 to index
        %swap3A_409 = arith.constant 656 : index
        %swap3A_410 = tpu.vector_load %arg13[%swap3A_408, %swap3A_409] {strides = array<i32>} : memref<16x1000xf32, #tpu.memory_space<vmem>>, vector<16xf32>,
        tpu.vector_store %arg13[%swap3A_408, %swap3A_409], %get3A_407 {strides = array<i32>} : memref<16x1000xf32, #tpu.memory_space<vmem>>, vector<16xf32>,
        %get3A_411 = arith.index_cast %add3A_159 : i32 to index
        %get3A_412 = arith.constant 672 : index
        %get3A_413 = tpu.vector_load %arg11[%get3A_411, %get3A_412] {strides = array<i32>} : memref<32x1024xf32, #tpu.memory_space<vmem>>, vector<16xf32>,
        %swap3A_414 = arith.index_cast %scan3A_157 : i32 to index
        %swap3A_415 = arith.constant 672 : index
        %swap3A_416 = tpu.vector_load %arg13[%swap3A_414, %swap3A_415] {strides = array<i32>} : memref<16x1000xf32, #tpu.memory_space<vmem>>, vector<16xf32>,
        tpu.vector_store %arg13[%swap3A_414, %swap3A_415], %get3A_413 {strides = array<i32>} : memref<16x1000xf32, #tpu.memory_space<vmem>>, vector<16xf32>,
        %get3A_417 = arith.index_cast %add3A_159 : i32 to index
        %get3A_418 = arith.constant 688 : index
        %get3A_419 = tpu.vector_load %arg11[%get3A_417, %get3A_418] {strides = array<i32>} : memref<32x1024xf32, #tpu.memory_space<vmem>>, vector<16xf32>,
        %swap3A_420 = arith.index_cast %scan3A_157 : i32 to index
        %swap3A_421 = arith.constant 688 : index
        %swap3A_422 = tpu.vector_load %arg13[%swap3A_420, %swap3A_421] {strides = array<i32>} : memref<16x1000xf32, #tpu.memory_space<vmem>>, vector<16xf32>,
        tpu.vector_store %arg13[%swap3A_420, %swap3A_421], %get3A_419 {strides = array<i32>} : memref<16x1000xf32, #tpu.memory_space<vmem>>, vector<16xf32>,
        %get3A_423 = arith.index_cast %add3A_159 : i32 to index
        %get3A_424 = arith.constant 704 : index
        %get3A_425 = tpu.vector_load %arg11[%get3A_423, %get3A_424] {strides = array<i32>} : memref<32x1024xf32, #tpu.memory_space<vmem>>, vector<16xf32>,
        %swap3A_426 = arith.index_cast %scan3A_157 : i32 to index
        %swap3A_427 = arith.constant 704 : index
        %swap3A_428 = tpu.vector_load %arg13[%swap3A_426, %swap3A_427] {strides = array<i32>} : memref<16x1000xf32, #tpu.memory_space<vmem>>, vector<16xf32>,
        tpu.vector_store %arg13[%swap3A_426, %swap3A_427], %get3A_425 {strides = array<i32>} : memref<16x1000xf32, #tpu.memory_space<vmem>>, vector<16xf32>,
        %get3A_429 = arith.index_cast %add3A_159 : i32 to index
        %get3A_430 = arith.constant 720 : index
        %get3A_431 = tpu.vector_load %arg11[%get3A_429, %get3A_430] {strides = array<i32>} : memref<32x1024xf32, #tpu.memory_space<vmem>>, vector<16xf32>,
        %swap3A_432 = arith.index_cast %scan3A_157 : i32 to index
        %swap3A_433 = arith.constant 720 : index
        %swap3A_434 = tpu.vector_load %arg13[%swap3A_432, %swap3A_433] {strides = array<i32>} : memref<16x1000xf32, #tpu.memory_space<vmem>>, vector<16xf32>,
        tpu.vector_store %arg13[%swap3A_432, %swap3A_433], %get3A_431 {strides = array<i32>} : memref<16x1000xf32, #tpu.memory_space<vmem>>, vector<16xf32>,
        %get3A_435 = arith.index_cast %add3A_159 : i32 to index
        %get3A_436 = arith.constant 736 : index
        %get3A_437 = tpu.vector_load %arg11[%get3A_435, %get3A_436] {strides = array<i32>} : memref<32x1024xf32, #tpu.memory_space<vmem>>, vector<16xf32>,
        %swap3A_438 = arith.index_cast %scan3A_157 : i32 to index
        %swap3A_439 = arith.constant 736 : index
        %swap3A_440 = tpu.vector_load %arg13[%swap3A_438, %swap3A_439] {strides = array<i32>} : memref<16x1000xf32, #tpu.memory_space<vmem>>, vector<16xf32>,
        tpu.vector_store %arg13[%swap3A_438, %swap3A_439], %get3A_437 {strides = array<i32>} : memref<16x1000xf32, #tpu.memory_space<vmem>>, vector<16xf32>,
        %get3A_441 = arith.index_cast %add3A_159 : i32 to index
        %get3A_442 = arith.constant 752 : index
        %get3A_443 = tpu.vector_load %arg11[%get3A_441, %get3A_442] {strides = array<i32>} : memref<32x1024xf32, #tpu.memory_space<vmem>>, vector<16xf32>,
        %swap3A_444 = arith.index_cast %scan3A_157 : i32 to index
        %swap3A_445 = arith.constant 752 : index
        %swap3A_446 = tpu.vector_load %arg13[%swap3A_444, %swap3A_445] {strides = array<i32>} : memref<16x1000xf32, #tpu.memory_space<vmem>>, vector<16xf32>,
        tpu.vector_store %arg13[%swap3A_444, %swap3A_445], %get3A_443 {strides = array<i32>} : memref<16x1000xf32, #tpu.memory_space<vmem>>, vector<16xf32>,
        %get3A_447 = arith.index_cast %add3A_159 : i32 to index
        %get3A_448 = arith.constant 768 : index
        %get3A_449 = tpu.vector_load %arg11[%get3A_447, %get3A_448] {strides = array<i32>} : memref<32x1024xf32, #tpu.memory_space<vmem>>, vector<16xf32>,
        %swap3A_450 = arith.index_cast %scan3A_157 : i32 to index
        %swap3A_451 = arith.constant 768 : index
        %swap3A_452 = tpu.vector_load %arg13[%swap3A_450, %swap3A_451] {strides = array<i32>} : memref<16x1000xf32, #tpu.memory_space<vmem>>, vector<16xf32>,
        tpu.vector_store %arg13[%swap3A_450, %swap3A_451], %get3A_449 {strides = array<i32>} : memref<16x1000xf32, #tpu.memory_space<vmem>>, vector<16xf32>,
        %get3A_453 = arith.index_cast %add3A_159 : i32 to index
        %get3A_454 = arith.constant 784 : index
        %get3A_455 = tpu.vector_load %arg11[%get3A_453, %get3A_454] {strides = array<i32>} : memref<32x1024xf32, #tpu.memory_space<vmem>>, vector<16xf32>,
        %swap3A_456 = arith.index_cast %scan3A_157 : i32 to index
        %swap3A_457 = arith.constant 784 : index
        %swap3A_458 = tpu.vector_load %arg13[%swap3A_456, %swap3A_457] {strides = array<i32>} : memref<16x1000xf32, #tpu.memory_space<vmem>>, vector<16xf32>,
        tpu.vector_store %arg13[%swap3A_456, %swap3A_457], %get3A_455 {strides = array<i32>} : memref<16x1000xf32, #tpu.memory_space<vmem>>, vector<16xf32>,
        %get3A_459 = arith.index_cast %add3A_159 : i32 to index
        %get3A_460 = arith.constant 800 : index
        %get3A_461 = tpu.vector_load %arg11[%get3A_459, %get3A_460] {strides = array<i32>} : memref<32x1024xf32, #tpu.memory_space<vmem>>, vector<16xf32>,
        %swap3A_462 = arith.index_cast %scan3A_157 : i32 to index
        %swap3A_463 = arith.constant 800 : index
        %swap3A_464 = tpu.vector_load %arg13[%swap3A_462, %swap3A_463] {strides = array<i32>} : memref<16x1000xf32, #tpu.memory_space<vmem>>, vector<16xf32>,
        tpu.vector_store %arg13[%swap3A_462, %swap3A_463], %get3A_461 {strides = array<i32>} : memref<16x1000xf32, #tpu.memory_space<vmem>>, vector<16xf32>,
        %get3A_465 = arith.index_cast %add3A_159 : i32 to index
        %get3A_466 = arith.constant 816 : index
        %get3A_467 = tpu.vector_load %arg11[%get3A_465, %get3A_466] {strides = array<i32>} : memref<32x1024xf32, #tpu.memory_space<vmem>>, vector<16xf32>,
        %swap3A_468 = arith.index_cast %scan3A_157 : i32 to index
        %swap3A_469 = arith.constant 816 : index
        %swap3A_470 = tpu.vector_load %arg13[%swap3A_468, %swap3A_469] {strides = array<i32>} : memref<16x1000xf32, #tpu.memory_space<vmem>>, vector<16xf32>,
        tpu.vector_store %arg13[%swap3A_468, %swap3A_469], %get3A_467 {strides = array<i32>} : memref<16x1000xf32, #tpu.memory_space<vmem>>, vector<16xf32>,
        %get3A_471 = arith.index_cast %add3A_159 : i32 to index
        %get3A_472 = arith.constant 832 : index
        %get3A_473 = tpu.vector_load %arg11[%get3A_471, %get3A_472] {strides = array<i32>} : memref<32x1024xf32, #tpu.memory_space<vmem>>, vector<16xf32>,
        %swap3A_474 = arith.index_cast %scan3A_157 : i32 to index
        %swap3A_475 = arith.constant 832 : index
        %swap3A_476 = tpu.vector_load %arg13[%swap3A_474, %swap3A_475] {strides = array<i32>} : memref<16x1000xf32, #tpu.memory_space<vmem>>, vector<16xf32>,
        tpu.vector_store %arg13[%swap3A_474, %swap3A_475], %get3A_473 {strides = array<i32>} : memref<16x1000xf32, #tpu.memory_space<vmem>>, vector<16xf32>,
        %get3A_477 = arith.index_cast %add3A_159 : i32 to index
        %get3A_478 = arith.constant 848 : index
        %get3A_479 = tpu.vector_load %arg11[%get3A_477, %get3A_478] {strides = array<i32>} : memref<32x1024xf32, #tpu.memory_space<vmem>>, vector<16xf32>,
        %swap3A_480 = arith.index_cast %scan3A_157 : i32 to index
        %swap3A_481 = arith.constant 848 : index
        %swap3A_482 = tpu.vector_load %arg13[%swap3A_480, %swap3A_481] {strides = array<i32>} : memref<16x1000xf32, #tpu.memory_space<vmem>>, vector<16xf32>,
        tpu.vector_store %arg13[%swap3A_480, %swap3A_481], %get3A_479 {strides = array<i32>} : memref<16x1000xf32, #tpu.memory_space<vmem>>, vector<16xf32>,
        %get3A_483 = arith.index_cast %add3A_159 : i32 to index
        %get3A_484 = arith.constant 864 : index
        %get3A_485 = tpu.vector_load %arg11[%get3A_483, %get3A_484] {strides = array<i32>} : memref<32x1024xf32, #tpu.memory_space<vmem>>, vector<16xf32>,
        %swap3A_486 = arith.index_cast %scan3A_157 : i32 to index
        %swap3A_487 = arith.constant 864 : index
        %swap3A_488 = tpu.vector_load %arg13[%swap3A_486, %swap3A_487] {strides = array<i32>} : memref<16x1000xf32, #tpu.memory_space<vmem>>, vector<16xf32>,
        tpu.vector_store %arg13[%swap3A_486, %swap3A_487], %get3A_485 {strides = array<i32>} : memref<16x1000xf32, #tpu.memory_space<vmem>>, vector<16xf32>,
        %get3A_489 = arith.index_cast %add3A_159 : i32 to index
        %get3A_490 = arith.constant 880 : index
        %get3A_491 = tpu.vector_load %arg11[%get3A_489, %get3A_490] {strides = array<i32>} : memref<32x1024xf32, #tpu.memory_space<vmem>>, vector<16xf32>,
        %swap3A_492 = arith.index_cast %scan3A_157 : i32 to index
        %swap3A_493 = arith.constant 880 : index
        %swap3A_494 = tpu.vector_load %arg13[%swap3A_492, %swap3A_493] {strides = array<i32>} : memref<16x1000xf32, #tpu.memory_space<vmem>>, vector<16xf32>,
        tpu.vector_store %arg13[%swap3A_492, %swap3A_493], %get3A_491 {strides = array<i32>} : memref<16x1000xf32, #tpu.memory_space<vmem>>, vector<16xf32>,
        %get3A_495 = arith.index_cast %add3A_159 : i32 to index
        %get3A_496 = arith.constant 896 : index
        %get3A_497 = tpu.vector_load %arg11[%get3A_495, %get3A_496] {strides = array<i32>} : memref<32x1024xf32, #tpu.memory_space<vmem>>, vector<16xf32>,
        %swap3A_498 = arith.index_cast %scan3A_157 : i32 to index
        %swap3A_499 = arith.constant 896 : index
        %swap3A_500 = tpu.vector_load %arg13[%swap3A_498, %swap3A_499] {strides = array<i32>} : memref<16x1000xf32, #tpu.memory_space<vmem>>, vector<16xf32>,
        tpu.vector_store %arg13[%swap3A_498, %swap3A_499], %get3A_497 {strides = array<i32>} : memref<16x1000xf32, #tpu.memory_space<vmem>>, vector<16xf32>,
        %get3A_501 = arith.index_cast %add3A_159 : i32 to index
        %get3A_502 = arith.constant 912 : index
        %get3A_503 = tpu.vector_load %arg11[%get3A_501, %get3A_502] {strides = array<i32>} : memref<32x1024xf32, #tpu.memory_space<vmem>>, vector<16xf32>,
        %swap3A_504 = arith.index_cast %scan3A_157 : i32 to index
        %swap3A_505 = arith.constant 912 : index
        %swap3A_506 = tpu.vector_load %arg13[%swap3A_504, %swap3A_505] {strides = array<i32>} : memref<16x1000xf32, #tpu.memory_space<vmem>>, vector<16xf32>,
        tpu.vector_store %arg13[%swap3A_504, %swap3A_505], %get3A_503 {strides = array<i32>} : memref<16x1000xf32, #tpu.memory_space<vmem>>, vector<16xf32>,
        %get3A_507 = arith.index_cast %add3A_159 : i32 to index
        %get3A_508 = arith.constant 928 : index
        %get3A_509 = tpu.vector_load %arg11[%get3A_507, %get3A_508] {strides = array<i32>} : memref<32x1024xf32, #tpu.memory_space<vmem>>, vector<16xf32>,
        %swap3A_510 = arith.index_cast %scan3A_157 : i32 to index
        %swap3A_511 = arith.constant 928 : index
        %swap3A_512 = tpu.vector_load %arg13[%swap3A_510, %swap3A_511] {strides = array<i32>} : memref<16x1000xf32, #tpu.memory_space<vmem>>, vector<16xf32>,
        tpu.vector_store %arg13[%swap3A_510, %swap3A_511], %get3A_509 {strides = array<i32>} : memref<16x1000xf32, #tpu.memory_space<vmem>>, vector<16xf32>,
        %get3A_513 = arith.index_cast %add3A_159 : i32 to index
        %get3A_514 = arith.constant 944 : index
        %get3A_515 = tpu.vector_load %arg11[%get3A_513, %get3A_514] {strides = array<i32>} : memref<32x1024xf32, #tpu.memory_space<vmem>>, vector<16xf32>,
        %swap3A_516 = arith.index_cast %scan3A_157 : i32 to index
        %swap3A_517 = arith.constant 944 : index
        %swap3A_518 = tpu.vector_load %arg13[%swap3A_516, %swap3A_517] {strides = array<i32>} : memref<16x1000xf32, #tpu.memory_space<vmem>>, vector<16xf32>,
        tpu.vector_store %arg13[%swap3A_516, %swap3A_517], %get3A_515 {strides = array<i32>} : memref<16x1000xf32, #tpu.memory_space<vmem>>, vector<16xf32>,
        %get3A_519 = arith.index_cast %add3A_159 : i32 to index
        %get3A_520 = arith.constant 960 : index
        %get3A_521 = tpu.vector_load %arg11[%get3A_519, %get3A_520] {strides = array<i32>} : memref<32x1024xf32, #tpu.memory_space<vmem>>, vector<16xf32>,
        %swap3A_522 = arith.index_cast %scan3A_157 : i32 to index
        %swap3A_523 = arith.constant 960 : index
        %swap3A_524 = tpu.vector_load %arg13[%swap3A_522, %swap3A_523] {strides = array<i32>} : memref<16x1000xf32, #tpu.memory_space<vmem>>, vector<16xf32>,
        tpu.vector_store %arg13[%swap3A_522, %swap3A_523], %get3A_521 {strides = array<i32>} : memref<16x1000xf32, #tpu.memory_space<vmem>>, vector<16xf32>,
        %get3A_525 = arith.index_cast %add3A_159 : i32 to index
        %get3A_526 = arith.constant 976 : index
        %get3A_527 = tpu.vector_load %arg11[%get3A_525, %get3A_526] {strides = array<i32>} : memref<32x1024xf32, #tpu.memory_space<vmem>>, vector<16xf32>,
        %swap3A_528 = arith.index_cast %scan3A_157 : i32 to index
        %swap3A_529 = arith.constant 976 : index
        %swap3A_530 = tpu.vector_load %arg13[%swap3A_528, %swap3A_529] {strides = array<i32>} : memref<16x1000xf32, #tpu.memory_space<vmem>>, vector<16xf32>,
        tpu.vector_store %arg13[%swap3A_528, %swap3A_529], %get3A_527 {strides = array<i32>} : memref<16x1000xf32, #tpu.memory_space<vmem>>, vector<16xf32>,
        %broadcast_in_dim3A_531 = vector.broadcast %add3A_159 : i32 to vector<16xi32>
        %broadcast_in_dim3A_532 = vector.broadcast %scan3A_157 : i32 to vector<16xi32>
        %add3A_533 = arith.constant 992 : i32
        %add3A_534 = vector.broadcast %add3A_533 : i32 to vector<16xi32>
        %add3A_535 = arith.addi %add3A_534, %iota3A : vector<16xi32>
        %lt3A_536 = arith.constant 8 : i32
        %lt3A_537 = vector.broadcast %lt3A_536 : i32 to vector<16xi32>
        %lt3A_538 = arith.cmpi slt, %iota3A, %lt3A_537 : vector<16xi32>
        %gather3A = tpu.vector_load_idx %arg11[%broadcast_in_dim3A_531, %add3A_535] masked %lt3A_538 : memref<32x1024xf32, #tpu.memory_space<vmem>>[vector<16xi32>, vector<16xi32>], vector<16xf32>, vector<16xi1>
        tpu.vector_store_idx %arg13[%broadcast_in_dim3A_532, %add3A_535], %gather3A masked %lt3A_538 : memref<16x1000xf32, #tpu.memory_space<vmem>>[vector<16xi32>, vector<16xi32>], vector<16xf32>, vector<16xi1>
      }
      %scan3A_62 = arith.constant 16 : i32
      %mul3A_63 = arith.constant 32 : i32
      %mul3A_64 = arith.muli %add3A_34, %mul3A_63 : i32
      %add3A_65 = arith.addi %mul3A_2, %mul3A_64 : i32
      %add3A_66 = arith.constant 0 : i32
      %add3A_67 = arith.addi %add3A_65, %add3A_66 : i32
      %dma_start3A_68 = arith.constant 0 : i32
      %dma_start3A_69 = tpu.memref_slice %arg6[%add3A_67, %dma_start3A_68] : memref<51200x1000xf32, #tpu.memory_space<hbm>> -> memref<16x1000xf32, #tpu.memory_space<hbm>>
      %dma_start3A_70 = arith.constant 0 : i32
      %dma_start3A_71 = tpu.memref_slice %arg6[%add3A_67, %dma_start3A_70] : memref<51200x1000xf32, #tpu.memory_space<hbm>> -> memref<16x1000xf32, #tpu.memory_space<hbm>>
      tpu.enqueue_dma source(%arg13 : memref<16x1000xf32, #tpu.memory_space<vmem>>) target(%dma_start3A_71 : memref<16x1000xf32, #tpu.memory_space<hbm>>) target_semaphore(%arg18 : memref<!tpu.dma_semaphore, #tpu.memory_space<semaphore_mem>>)
      %gt3A_72 = arith.constant 0 : i32
      %gt3A_73 = arith.cmpi sgt, %add3A_34, %gt3A_72 : i32
      %convert_element_type3A_74 = arith.extui %gt3A_73 : i1 to i32
      %cond3A_75 = arith.constant 0 : i32
      %cond3A_76 = arith.cmpi ne, %convert_element_type3A_74, %cond3A_75 : i32
      scf.if %cond3A_76 {
        %sub3A = arith.constant 1 : i32
        %sub3A_157 = arith.subi %add3A_34, %sub3A : i32
        %mul3A_158 = arith.constant 32 : i32
        %mul3A_159 = arith.muli %sub3A_157, %mul3A_158 : i32
        %add3A_160 = arith.addi %mul3A_2, %mul3A_159 : i32
        %add3A_161 = arith.constant 16 : i32
        %add3A_162 = arith.addi %add3A_160, %add3A_161 : i32
        %dma_wait3A_163 = arith.constant 0 : i32
        %dma_wait3A_164 = tpu.memref_slice %arg6[%add3A_162, %dma_wait3A_163] : memref<51200x1000xf32, #tpu.memory_space<hbm>> -> memref<16x1000xf32, #tpu.memory_space<hbm>>
        %dma_wait3A_165 = arith.constant 0 : i32
        %dma_wait3A_166 = tpu.memref_slice %arg6[%add3A_162, %dma_wait3A_165] : memref<51200x1000xf32, #tpu.memory_space<hbm>> -> memref<16x1000xf32, #tpu.memory_space<hbm>>
        tpu.wait_dma2 semaphore(%arg19 : memref<!tpu.dma_semaphore, #tpu.memory_space<semaphore_mem>>) src(%arg14 : memref<16x1000xf32, #tpu.memory_space<vmem>>) dst(%dma_wait3A_166 : memref<16x1000xf32, #tpu.memory_space<hbm>>)
      } else {
      }
      %scan3A_77 = arith.constant 0 : i32
      %scan3A_78 = arith.constant 0 : i32
      %scan3A_79 = arith.constant 16 : i32
      %scan3A_80 = arith.addi %scan3A_78, %scan3A_79 : i32
      %scan3A_81 = arith.constant 1 : i32
      scf.for %scan3A_157 = %scan3A_78 to %scan3A_80 step %scan3A_81  : i32 {
        %add3A_158 = arith.constant 16 : i32
        %add3A_159 = arith.addi %add3A_158, %scan3A_157 : i32
        %get3A = arith.index_cast %add3A_159 : i32 to index
        %get3A_160 = arith.constant 0 : index
        %get3A_161 = tpu.vector_load %arg11[%get3A, %get3A_160] {strides = array<i32>} : memref<32x1024xf32, #tpu.memory_space<vmem>>, vector<16xf32>,
        %swap3A_162 = arith.index_cast %scan3A_157 : i32 to index
        %swap3A_163 = arith.constant 0 : index
        %swap3A_164 = tpu.vector_load %arg14[%swap3A_162, %swap3A_163] {strides = array<i32>} : memref<16x1000xf32, #tpu.memory_space<vmem>>, vector<16xf32>,
        tpu.vector_store %arg14[%swap3A_162, %swap3A_163], %get3A_161 {strides = array<i32>} : memref<16x1000xf32, #tpu.memory_space<vmem>>, vector<16xf32>,
        %get3A_165 = arith.index_cast %add3A_159 : i32 to index
        %get3A_166 = arith.constant 16 : index
        %get3A_167 = tpu.vector_load %arg11[%get3A_165, %get3A_166] {strides = array<i32>} : memref<32x1024xf32, #tpu.memory_space<vmem>>, vector<16xf32>,
        %swap3A_168 = arith.index_cast %scan3A_157 : i32 to index
        %swap3A_169 = arith.constant 16 : index
        %swap3A_170 = tpu.vector_load %arg14[%swap3A_168, %swap3A_169] {strides = array<i32>} : memref<16x1000xf32, #tpu.memory_space<vmem>>, vector<16xf32>,
        tpu.vector_store %arg14[%swap3A_168, %swap3A_169], %get3A_167 {strides = array<i32>} : memref<16x1000xf32, #tpu.memory_space<vmem>>, vector<16xf32>,
        %get3A_171 = arith.index_cast %add3A_159 : i32 to index
        %get3A_172 = arith.constant 32 : index
        %get3A_173 = tpu.vector_load %arg11[%get3A_171, %get3A_172] {strides = array<i32>} : memref<32x1024xf32, #tpu.memory_space<vmem>>, vector<16xf32>,
        %swap3A_174 = arith.index_cast %scan3A_157 : i32 to index
        %swap3A_175 = arith.constant 32 : index
        %swap3A_176 = tpu.vector_load %arg14[%swap3A_174, %swap3A_175] {strides = array<i32>} : memref<16x1000xf32, #tpu.memory_space<vmem>>, vector<16xf32>,
        tpu.vector_store %arg14[%swap3A_174, %swap3A_175], %get3A_173 {strides = array<i32>} : memref<16x1000xf32, #tpu.memory_space<vmem>>, vector<16xf32>,
        %get3A_177 = arith.index_cast %add3A_159 : i32 to index
        %get3A_178 = arith.constant 48 : index
        %get3A_179 = tpu.vector_load %arg11[%get3A_177, %get3A_178] {strides = array<i32>} : memref<32x1024xf32, #tpu.memory_space<vmem>>, vector<16xf32>,
        %swap3A_180 = arith.index_cast %scan3A_157 : i32 to index
        %swap3A_181 = arith.constant 48 : index
        %swap3A_182 = tpu.vector_load %arg14[%swap3A_180, %swap3A_181] {strides = array<i32>} : memref<16x1000xf32, #tpu.memory_space<vmem>>, vector<16xf32>,
        tpu.vector_store %arg14[%swap3A_180, %swap3A_181], %get3A_179 {strides = array<i32>} : memref<16x1000xf32, #tpu.memory_space<vmem>>, vector<16xf32>,
        %get3A_183 = arith.index_cast %add3A_159 : i32 to index
        %get3A_184 = arith.constant 64 : index
        %get3A_185 = tpu.vector_load %arg11[%get3A_183, %get3A_184] {strides = array<i32>} : memref<32x1024xf32, #tpu.memory_space<vmem>>, vector<16xf32>,
        %swap3A_186 = arith.index_cast %scan3A_157 : i32 to index
        %swap3A_187 = arith.constant 64 : index
        %swap3A_188 = tpu.vector_load %arg14[%swap3A_186, %swap3A_187] {strides = array<i32>} : memref<16x1000xf32, #tpu.memory_space<vmem>>, vector<16xf32>,
        tpu.vector_store %arg14[%swap3A_186, %swap3A_187], %get3A_185 {strides = array<i32>} : memref<16x1000xf32, #tpu.memory_space<vmem>>, vector<16xf32>,
        %get3A_189 = arith.index_cast %add3A_159 : i32 to index
        %get3A_190 = arith.constant 80 : index
        %get3A_191 = tpu.vector_load %arg11[%get3A_189, %get3A_190] {strides = array<i32>} : memref<32x1024xf32, #tpu.memory_space<vmem>>, vector<16xf32>,
        %swap3A_192 = arith.index_cast %scan3A_157 : i32 to index
        %swap3A_193 = arith.constant 80 : index
        %swap3A_194 = tpu.vector_load %arg14[%swap3A_192, %swap3A_193] {strides = array<i32>} : memref<16x1000xf32, #tpu.memory_space<vmem>>, vector<16xf32>,
        tpu.vector_store %arg14[%swap3A_192, %swap3A_193], %get3A_191 {strides = array<i32>} : memref<16x1000xf32, #tpu.memory_space<vmem>>, vector<16xf32>,
        %get3A_195 = arith.index_cast %add3A_159 : i32 to index
        %get3A_196 = arith.constant 96 : index
        %get3A_197 = tpu.vector_load %arg11[%get3A_195, %get3A_196] {strides = array<i32>} : memref<32x1024xf32, #tpu.memory_space<vmem>>, vector<16xf32>,
        %swap3A_198 = arith.index_cast %scan3A_157 : i32 to index
        %swap3A_199 = arith.constant 96 : index
        %swap3A_200 = tpu.vector_load %arg14[%swap3A_198, %swap3A_199] {strides = array<i32>} : memref<16x1000xf32, #tpu.memory_space<vmem>>, vector<16xf32>,
        tpu.vector_store %arg14[%swap3A_198, %swap3A_199], %get3A_197 {strides = array<i32>} : memref<16x1000xf32, #tpu.memory_space<vmem>>, vector<16xf32>,
        %get3A_201 = arith.index_cast %add3A_159 : i32 to index
        %get3A_202 = arith.constant 112 : index
        %get3A_203 = tpu.vector_load %arg11[%get3A_201, %get3A_202] {strides = array<i32>} : memref<32x1024xf32, #tpu.memory_space<vmem>>, vector<16xf32>,
        %swap3A_204 = arith.index_cast %scan3A_157 : i32 to index
        %swap3A_205 = arith.constant 112 : index
        %swap3A_206 = tpu.vector_load %arg14[%swap3A_204, %swap3A_205] {strides = array<i32>} : memref<16x1000xf32, #tpu.memory_space<vmem>>, vector<16xf32>,
        tpu.vector_store %arg14[%swap3A_204, %swap3A_205], %get3A_203 {strides = array<i32>} : memref<16x1000xf32, #tpu.memory_space<vmem>>, vector<16xf32>,
        %get3A_207 = arith.index_cast %add3A_159 : i32 to index
        %get3A_208 = arith.constant 128 : index
        %get3A_209 = tpu.vector_load %arg11[%get3A_207, %get3A_208] {strides = array<i32>} : memref<32x1024xf32, #tpu.memory_space<vmem>>, vector<16xf32>,
        %swap3A_210 = arith.index_cast %scan3A_157 : i32 to index
        %swap3A_211 = arith.constant 128 : index
        %swap3A_212 = tpu.vector_load %arg14[%swap3A_210, %swap3A_211] {strides = array<i32>} : memref<16x1000xf32, #tpu.memory_space<vmem>>, vector<16xf32>,
        tpu.vector_store %arg14[%swap3A_210, %swap3A_211], %get3A_209 {strides = array<i32>} : memref<16x1000xf32, #tpu.memory_space<vmem>>, vector<16xf32>,
        %get3A_213 = arith.index_cast %add3A_159 : i32 to index
        %get3A_214 = arith.constant 144 : index
        %get3A_215 = tpu.vector_load %arg11[%get3A_213, %get3A_214] {strides = array<i32>} : memref<32x1024xf32, #tpu.memory_space<vmem>>, vector<16xf32>,
        %swap3A_216 = arith.index_cast %scan3A_157 : i32 to index
        %swap3A_217 = arith.constant 144 : index
        %swap3A_218 = tpu.vector_load %arg14[%swap3A_216, %swap3A_217] {strides = array<i32>} : memref<16x1000xf32, #tpu.memory_space<vmem>>, vector<16xf32>,
        tpu.vector_store %arg14[%swap3A_216, %swap3A_217], %get3A_215 {strides = array<i32>} : memref<16x1000xf32, #tpu.memory_space<vmem>>, vector<16xf32>,
        %get3A_219 = arith.index_cast %add3A_159 : i32 to index
        %get3A_220 = arith.constant 160 : index
        %get3A_221 = tpu.vector_load %arg11[%get3A_219, %get3A_220] {strides = array<i32>} : memref<32x1024xf32, #tpu.memory_space<vmem>>, vector<16xf32>,
        %swap3A_222 = arith.index_cast %scan3A_157 : i32 to index
        %swap3A_223 = arith.constant 160 : index
        %swap3A_224 = tpu.vector_load %arg14[%swap3A_222, %swap3A_223] {strides = array<i32>} : memref<16x1000xf32, #tpu.memory_space<vmem>>, vector<16xf32>,
        tpu.vector_store %arg14[%swap3A_222, %swap3A_223], %get3A_221 {strides = array<i32>} : memref<16x1000xf32, #tpu.memory_space<vmem>>, vector<16xf32>,
        %get3A_225 = arith.index_cast %add3A_159 : i32 to index
        %get3A_226 = arith.constant 176 : index
        %get3A_227 = tpu.vector_load %arg11[%get3A_225, %get3A_226] {strides = array<i32>} : memref<32x1024xf32, #tpu.memory_space<vmem>>, vector<16xf32>,
        %swap3A_228 = arith.index_cast %scan3A_157 : i32 to index
        %swap3A_229 = arith.constant 176 : index
        %swap3A_230 = tpu.vector_load %arg14[%swap3A_228, %swap3A_229] {strides = array<i32>} : memref<16x1000xf32, #tpu.memory_space<vmem>>, vector<16xf32>,
        tpu.vector_store %arg14[%swap3A_228, %swap3A_229], %get3A_227 {strides = array<i32>} : memref<16x1000xf32, #tpu.memory_space<vmem>>, vector<16xf32>,
        %get3A_231 = arith.index_cast %add3A_159 : i32 to index
        %get3A_232 = arith.constant 192 : index
        %get3A_233 = tpu.vector_load %arg11[%get3A_231, %get3A_232] {strides = array<i32>} : memref<32x1024xf32, #tpu.memory_space<vmem>>, vector<16xf32>,
        %swap3A_234 = arith.index_cast %scan3A_157 : i32 to index
        %swap3A_235 = arith.constant 192 : index
        %swap3A_236 = tpu.vector_load %arg14[%swap3A_234, %swap3A_235] {strides = array<i32>} : memref<16x1000xf32, #tpu.memory_space<vmem>>, vector<16xf32>,
        tpu.vector_store %arg14[%swap3A_234, %swap3A_235], %get3A_233 {strides = array<i32>} : memref<16x1000xf32, #tpu.memory_space<vmem>>, vector<16xf32>,
        %get3A_237 = arith.index_cast %add3A_159 : i32 to index
        %get3A_238 = arith.constant 208 : index
        %get3A_239 = tpu.vector_load %arg11[%get3A_237, %get3A_238] {strides = array<i32>} : memref<32x1024xf32, #tpu.memory_space<vmem>>, vector<16xf32>,
        %swap3A_240 = arith.index_cast %scan3A_157 : i32 to index
        %swap3A_241 = arith.constant 208 : index
        %swap3A_242 = tpu.vector_load %arg14[%swap3A_240, %swap3A_241] {strides = array<i32>} : memref<16x1000xf32, #tpu.memory_space<vmem>>, vector<16xf32>,
        tpu.vector_store %arg14[%swap3A_240, %swap3A_241], %get3A_239 {strides = array<i32>} : memref<16x1000xf32, #tpu.memory_space<vmem>>, vector<16xf32>,
        %get3A_243 = arith.index_cast %add3A_159 : i32 to index
        %get3A_244 = arith.constant 224 : index
        %get3A_245 = tpu.vector_load %arg11[%get3A_243, %get3A_244] {strides = array<i32>} : memref<32x1024xf32, #tpu.memory_space<vmem>>, vector<16xf32>,
        %swap3A_246 = arith.index_cast %scan3A_157 : i32 to index
        %swap3A_247 = arith.constant 224 : index
        %swap3A_248 = tpu.vector_load %arg14[%swap3A_246, %swap3A_247] {strides = array<i32>} : memref<16x1000xf32, #tpu.memory_space<vmem>>, vector<16xf32>,
        tpu.vector_store %arg14[%swap3A_246, %swap3A_247], %get3A_245 {strides = array<i32>} : memref<16x1000xf32, #tpu.memory_space<vmem>>, vector<16xf32>,
        %get3A_249 = arith.index_cast %add3A_159 : i32 to index
        %get3A_250 = arith.constant 240 : index
        %get3A_251 = tpu.vector_load %arg11[%get3A_249, %get3A_250] {strides = array<i32>} : memref<32x1024xf32, #tpu.memory_space<vmem>>, vector<16xf32>,
        %swap3A_252 = arith.index_cast %scan3A_157 : i32 to index
        %swap3A_253 = arith.constant 240 : index
        %swap3A_254 = tpu.vector_load %arg14[%swap3A_252, %swap3A_253] {strides = array<i32>} : memref<16x1000xf32, #tpu.memory_space<vmem>>, vector<16xf32>,
        tpu.vector_store %arg14[%swap3A_252, %swap3A_253], %get3A_251 {strides = array<i32>} : memref<16x1000xf32, #tpu.memory_space<vmem>>, vector<16xf32>,
        %get3A_255 = arith.index_cast %add3A_159 : i32 to index
        %get3A_256 = arith.constant 256 : index
        %get3A_257 = tpu.vector_load %arg11[%get3A_255, %get3A_256] {strides = array<i32>} : memref<32x1024xf32, #tpu.memory_space<vmem>>, vector<16xf32>,
        %swap3A_258 = arith.index_cast %scan3A_157 : i32 to index
        %swap3A_259 = arith.constant 256 : index
        %swap3A_260 = tpu.vector_load %arg14[%swap3A_258, %swap3A_259] {strides = array<i32>} : memref<16x1000xf32, #tpu.memory_space<vmem>>, vector<16xf32>,
        tpu.vector_store %arg14[%swap3A_258, %swap3A_259], %get3A_257 {strides = array<i32>} : memref<16x1000xf32, #tpu.memory_space<vmem>>, vector<16xf32>,
        %get3A_261 = arith.index_cast %add3A_159 : i32 to index
        %get3A_262 = arith.constant 272 : index
        %get3A_263 = tpu.vector_load %arg11[%get3A_261, %get3A_262] {strides = array<i32>} : memref<32x1024xf32, #tpu.memory_space<vmem>>, vector<16xf32>,
        %swap3A_264 = arith.index_cast %scan3A_157 : i32 to index
        %swap3A_265 = arith.constant 272 : index
        %swap3A_266 = tpu.vector_load %arg14[%swap3A_264, %swap3A_265] {strides = array<i32>} : memref<16x1000xf32, #tpu.memory_space<vmem>>, vector<16xf32>,
        tpu.vector_store %arg14[%swap3A_264, %swap3A_265], %get3A_263 {strides = array<i32>} : memref<16x1000xf32, #tpu.memory_space<vmem>>, vector<16xf32>,
        %get3A_267 = arith.index_cast %add3A_159 : i32 to index
        %get3A_268 = arith.constant 288 : index
        %get3A_269 = tpu.vector_load %arg11[%get3A_267, %get3A_268] {strides = array<i32>} : memref<32x1024xf32, #tpu.memory_space<vmem>>, vector<16xf32>,
        %swap3A_270 = arith.index_cast %scan3A_157 : i32 to index
        %swap3A_271 = arith.constant 288 : index
        %swap3A_272 = tpu.vector_load %arg14[%swap3A_270, %swap3A_271] {strides = array<i32>} : memref<16x1000xf32, #tpu.memory_space<vmem>>, vector<16xf32>,
        tpu.vector_store %arg14[%swap3A_270, %swap3A_271], %get3A_269 {strides = array<i32>} : memref<16x1000xf32, #tpu.memory_space<vmem>>, vector<16xf32>,
        %get3A_273 = arith.index_cast %add3A_159 : i32 to index
        %get3A_274 = arith.constant 304 : index
        %get3A_275 = tpu.vector_load %arg11[%get3A_273, %get3A_274] {strides = array<i32>} : memref<32x1024xf32, #tpu.memory_space<vmem>>, vector<16xf32>,
        %swap3A_276 = arith.index_cast %scan3A_157 : i32 to index
        %swap3A_277 = arith.constant 304 : index
        %swap3A_278 = tpu.vector_load %arg14[%swap3A_276, %swap3A_277] {strides = array<i32>} : memref<16x1000xf32, #tpu.memory_space<vmem>>, vector<16xf32>,
        tpu.vector_store %arg14[%swap3A_276, %swap3A_277], %get3A_275 {strides = array<i32>} : memref<16x1000xf32, #tpu.memory_space<vmem>>, vector<16xf32>,
        %get3A_279 = arith.index_cast %add3A_159 : i32 to index
        %get3A_280 = arith.constant 320 : index
        %get3A_281 = tpu.vector_load %arg11[%get3A_279, %get3A_280] {strides = array<i32>} : memref<32x1024xf32, #tpu.memory_space<vmem>>, vector<16xf32>,
        %swap3A_282 = arith.index_cast %scan3A_157 : i32 to index
        %swap3A_283 = arith.constant 320 : index
        %swap3A_284 = tpu.vector_load %arg14[%swap3A_282, %swap3A_283] {strides = array<i32>} : memref<16x1000xf32, #tpu.memory_space<vmem>>, vector<16xf32>,
        tpu.vector_store %arg14[%swap3A_282, %swap3A_283], %get3A_281 {strides = array<i32>} : memref<16x1000xf32, #tpu.memory_space<vmem>>, vector<16xf32>,
        %get3A_285 = arith.index_cast %add3A_159 : i32 to index
        %get3A_286 = arith.constant 336 : index
        %get3A_287 = tpu.vector_load %arg11[%get3A_285, %get3A_286] {strides = array<i32>} : memref<32x1024xf32, #tpu.memory_space<vmem>>, vector<16xf32>,
        %swap3A_288 = arith.index_cast %scan3A_157 : i32 to index
        %swap3A_289 = arith.constant 336 : index
        %swap3A_290 = tpu.vector_load %arg14[%swap3A_288, %swap3A_289] {strides = array<i32>} : memref<16x1000xf32, #tpu.memory_space<vmem>>, vector<16xf32>,
        tpu.vector_store %arg14[%swap3A_288, %swap3A_289], %get3A_287 {strides = array<i32>} : memref<16x1000xf32, #tpu.memory_space<vmem>>, vector<16xf32>,
        %get3A_291 = arith.index_cast %add3A_159 : i32 to index
        %get3A_292 = arith.constant 352 : index
        %get3A_293 = tpu.vector_load %arg11[%get3A_291, %get3A_292] {strides = array<i32>} : memref<32x1024xf32, #tpu.memory_space<vmem>>, vector<16xf32>,
        %swap3A_294 = arith.index_cast %scan3A_157 : i32 to index
        %swap3A_295 = arith.constant 352 : index
        %swap3A_296 = tpu.vector_load %arg14[%swap3A_294, %swap3A_295] {strides = array<i32>} : memref<16x1000xf32, #tpu.memory_space<vmem>>, vector<16xf32>,
        tpu.vector_store %arg14[%swap3A_294, %swap3A_295], %get3A_293 {strides = array<i32>} : memref<16x1000xf32, #tpu.memory_space<vmem>>, vector<16xf32>,
        %get3A_297 = arith.index_cast %add3A_159 : i32 to index
        %get3A_298 = arith.constant 368 : index
        %get3A_299 = tpu.vector_load %arg11[%get3A_297, %get3A_298] {strides = array<i32>} : memref<32x1024xf32, #tpu.memory_space<vmem>>, vector<16xf32>,
        %swap3A_300 = arith.index_cast %scan3A_157 : i32 to index
        %swap3A_301 = arith.constant 368 : index
        %swap3A_302 = tpu.vector_load %arg14[%swap3A_300, %swap3A_301] {strides = array<i32>} : memref<16x1000xf32, #tpu.memory_space<vmem>>, vector<16xf32>,
        tpu.vector_store %arg14[%swap3A_300, %swap3A_301], %get3A_299 {strides = array<i32>} : memref<16x1000xf32, #tpu.memory_space<vmem>>, vector<16xf32>,
        %get3A_303 = arith.index_cast %add3A_159 : i32 to index
        %get3A_304 = arith.constant 384 : index
        %get3A_305 = tpu.vector_load %arg11[%get3A_303, %get3A_304] {strides = array<i32>} : memref<32x1024xf32, #tpu.memory_space<vmem>>, vector<16xf32>,
        %swap3A_306 = arith.index_cast %scan3A_157 : i32 to index
        %swap3A_307 = arith.constant 384 : index
        %swap3A_308 = tpu.vector_load %arg14[%swap3A_306, %swap3A_307] {strides = array<i32>} : memref<16x1000xf32, #tpu.memory_space<vmem>>, vector<16xf32>,
        tpu.vector_store %arg14[%swap3A_306, %swap3A_307], %get3A_305 {strides = array<i32>} : memref<16x1000xf32, #tpu.memory_space<vmem>>, vector<16xf32>,
        %get3A_309 = arith.index_cast %add3A_159 : i32 to index
        %get3A_310 = arith.constant 400 : index
        %get3A_311 = tpu.vector_load %arg11[%get3A_309, %get3A_310] {strides = array<i32>} : memref<32x1024xf32, #tpu.memory_space<vmem>>, vector<16xf32>,
        %swap3A_312 = arith.index_cast %scan3A_157 : i32 to index
        %swap3A_313 = arith.constant 400 : index
        %swap3A_314 = tpu.vector_load %arg14[%swap3A_312, %swap3A_313] {strides = array<i32>} : memref<16x1000xf32, #tpu.memory_space<vmem>>, vector<16xf32>,
        tpu.vector_store %arg14[%swap3A_312, %swap3A_313], %get3A_311 {strides = array<i32>} : memref<16x1000xf32, #tpu.memory_space<vmem>>, vector<16xf32>,
        %get3A_315 = arith.index_cast %add3A_159 : i32 to index
        %get3A_316 = arith.constant 416 : index
        %get3A_317 = tpu.vector_load %arg11[%get3A_315, %get3A_316] {strides = array<i32>} : memref<32x1024xf32, #tpu.memory_space<vmem>>, vector<16xf32>,
        %swap3A_318 = arith.index_cast %scan3A_157 : i32 to index
        %swap3A_319 = arith.constant 416 : index
        %swap3A_320 = tpu.vector_load %arg14[%swap3A_318, %swap3A_319] {strides = array<i32>} : memref<16x1000xf32, #tpu.memory_space<vmem>>, vector<16xf32>,
        tpu.vector_store %arg14[%swap3A_318, %swap3A_319], %get3A_317 {strides = array<i32>} : memref<16x1000xf32, #tpu.memory_space<vmem>>, vector<16xf32>,
        %get3A_321 = arith.index_cast %add3A_159 : i32 to index
        %get3A_322 = arith.constant 432 : index
        %get3A_323 = tpu.vector_load %arg11[%get3A_321, %get3A_322] {strides = array<i32>} : memref<32x1024xf32, #tpu.memory_space<vmem>>, vector<16xf32>,
        %swap3A_324 = arith.index_cast %scan3A_157 : i32 to index
        %swap3A_325 = arith.constant 432 : index
        %swap3A_326 = tpu.vector_load %arg14[%swap3A_324, %swap3A_325] {strides = array<i32>} : memref<16x1000xf32, #tpu.memory_space<vmem>>, vector<16xf32>,
        tpu.vector_store %arg14[%swap3A_324, %swap3A_325], %get3A_323 {strides = array<i32>} : memref<16x1000xf32, #tpu.memory_space<vmem>>, vector<16xf32>,
        %get3A_327 = arith.index_cast %add3A_159 : i32 to index
        %get3A_328 = arith.constant 448 : index
        %get3A_329 = tpu.vector_load %arg11[%get3A_327, %get3A_328] {strides = array<i32>} : memref<32x1024xf32, #tpu.memory_space<vmem>>, vector<16xf32>,
        %swap3A_330 = arith.index_cast %scan3A_157 : i32 to index
        %swap3A_331 = arith.constant 448 : index
        %swap3A_332 = tpu.vector_load %arg14[%swap3A_330, %swap3A_331] {strides = array<i32>} : memref<16x1000xf32, #tpu.memory_space<vmem>>, vector<16xf32>,
        tpu.vector_store %arg14[%swap3A_330, %swap3A_331], %get3A_329 {strides = array<i32>} : memref<16x1000xf32, #tpu.memory_space<vmem>>, vector<16xf32>,
        %get3A_333 = arith.index_cast %add3A_159 : i32 to index
        %get3A_334 = arith.constant 464 : index
        %get3A_335 = tpu.vector_load %arg11[%get3A_333, %get3A_334] {strides = array<i32>} : memref<32x1024xf32, #tpu.memory_space<vmem>>, vector<16xf32>,
        %swap3A_336 = arith.index_cast %scan3A_157 : i32 to index
        %swap3A_337 = arith.constant 464 : index
        %swap3A_338 = tpu.vector_load %arg14[%swap3A_336, %swap3A_337] {strides = array<i32>} : memref<16x1000xf32, #tpu.memory_space<vmem>>, vector<16xf32>,
        tpu.vector_store %arg14[%swap3A_336, %swap3A_337], %get3A_335 {strides = array<i32>} : memref<16x1000xf32, #tpu.memory_space<vmem>>, vector<16xf32>,
        %get3A_339 = arith.index_cast %add3A_159 : i32 to index
        %get3A_340 = arith.constant 480 : index
        %get3A_341 = tpu.vector_load %arg11[%get3A_339, %get3A_340] {strides = array<i32>} : memref<32x1024xf32, #tpu.memory_space<vmem>>, vector<16xf32>,
        %swap3A_342 = arith.index_cast %scan3A_157 : i32 to index
        %swap3A_343 = arith.constant 480 : index
        %swap3A_344 = tpu.vector_load %arg14[%swap3A_342, %swap3A_343] {strides = array<i32>} : memref<16x1000xf32, #tpu.memory_space<vmem>>, vector<16xf32>,
        tpu.vector_store %arg14[%swap3A_342, %swap3A_343], %get3A_341 {strides = array<i32>} : memref<16x1000xf32, #tpu.memory_space<vmem>>, vector<16xf32>,
        %get3A_345 = arith.index_cast %add3A_159 : i32 to index
        %get3A_346 = arith.constant 496 : index
        %get3A_347 = tpu.vector_load %arg11[%get3A_345, %get3A_346] {strides = array<i32>} : memref<32x1024xf32, #tpu.memory_space<vmem>>, vector<16xf32>,
        %swap3A_348 = arith.index_cast %scan3A_157 : i32 to index
        %swap3A_349 = arith.constant 496 : index
        %swap3A_350 = tpu.vector_load %arg14[%swap3A_348, %swap3A_349] {strides = array<i32>} : memref<16x1000xf32, #tpu.memory_space<vmem>>, vector<16xf32>,
        tpu.vector_store %arg14[%swap3A_348, %swap3A_349], %get3A_347 {strides = array<i32>} : memref<16x1000xf32, #tpu.memory_space<vmem>>, vector<16xf32>,
        %get3A_351 = arith.index_cast %add3A_159 : i32 to index
        %get3A_352 = arith.constant 512 : index
        %get3A_353 = tpu.vector_load %arg11[%get3A_351, %get3A_352] {strides = array<i32>} : memref<32x1024xf32, #tpu.memory_space<vmem>>, vector<16xf32>,
        %swap3A_354 = arith.index_cast %scan3A_157 : i32 to index
        %swap3A_355 = arith.constant 512 : index
        %swap3A_356 = tpu.vector_load %arg14[%swap3A_354, %swap3A_355] {strides = array<i32>} : memref<16x1000xf32, #tpu.memory_space<vmem>>, vector<16xf32>,
        tpu.vector_store %arg14[%swap3A_354, %swap3A_355], %get3A_353 {strides = array<i32>} : memref<16x1000xf32, #tpu.memory_space<vmem>>, vector<16xf32>,
        %get3A_357 = arith.index_cast %add3A_159 : i32 to index
        %get3A_358 = arith.constant 528 : index
        %get3A_359 = tpu.vector_load %arg11[%get3A_357, %get3A_358] {strides = array<i32>} : memref<32x1024xf32, #tpu.memory_space<vmem>>, vector<16xf32>,
        %swap3A_360 = arith.index_cast %scan3A_157 : i32 to index
        %swap3A_361 = arith.constant 528 : index
        %swap3A_362 = tpu.vector_load %arg14[%swap3A_360, %swap3A_361] {strides = array<i32>} : memref<16x1000xf32, #tpu.memory_space<vmem>>, vector<16xf32>,
        tpu.vector_store %arg14[%swap3A_360, %swap3A_361], %get3A_359 {strides = array<i32>} : memref<16x1000xf32, #tpu.memory_space<vmem>>, vector<16xf32>,
        %get3A_363 = arith.index_cast %add3A_159 : i32 to index
        %get3A_364 = arith.constant 544 : index
        %get3A_365 = tpu.vector_load %arg11[%get3A_363, %get3A_364] {strides = array<i32>} : memref<32x1024xf32, #tpu.memory_space<vmem>>, vector<16xf32>,
        %swap3A_366 = arith.index_cast %scan3A_157 : i32 to index
        %swap3A_367 = arith.constant 544 : index
        %swap3A_368 = tpu.vector_load %arg14[%swap3A_366, %swap3A_367] {strides = array<i32>} : memref<16x1000xf32, #tpu.memory_space<vmem>>, vector<16xf32>,
        tpu.vector_store %arg14[%swap3A_366, %swap3A_367], %get3A_365 {strides = array<i32>} : memref<16x1000xf32, #tpu.memory_space<vmem>>, vector<16xf32>,
        %get3A_369 = arith.index_cast %add3A_159 : i32 to index
        %get3A_370 = arith.constant 560 : index
        %get3A_371 = tpu.vector_load %arg11[%get3A_369, %get3A_370] {strides = array<i32>} : memref<32x1024xf32, #tpu.memory_space<vmem>>, vector<16xf32>,
        %swap3A_372 = arith.index_cast %scan3A_157 : i32 to index
        %swap3A_373 = arith.constant 560 : index
        %swap3A_374 = tpu.vector_load %arg14[%swap3A_372, %swap3A_373] {strides = array<i32>} : memref<16x1000xf32, #tpu.memory_space<vmem>>, vector<16xf32>,
        tpu.vector_store %arg14[%swap3A_372, %swap3A_373], %get3A_371 {strides = array<i32>} : memref<16x1000xf32, #tpu.memory_space<vmem>>, vector<16xf32>,
        %get3A_375 = arith.index_cast %add3A_159 : i32 to index
        %get3A_376 = arith.constant 576 : index
        %get3A_377 = tpu.vector_load %arg11[%get3A_375, %get3A_376] {strides = array<i32>} : memref<32x1024xf32, #tpu.memory_space<vmem>>, vector<16xf32>,
        %swap3A_378 = arith.index_cast %scan3A_157 : i32 to index
        %swap3A_379 = arith.constant 576 : index
        %swap3A_380 = tpu.vector_load %arg14[%swap3A_378, %swap3A_379] {strides = array<i32>} : memref<16x1000xf32, #tpu.memory_space<vmem>>, vector<16xf32>,
        tpu.vector_store %arg14[%swap3A_378, %swap3A_379], %get3A_377 {strides = array<i32>} : memref<16x1000xf32, #tpu.memory_space<vmem>>, vector<16xf32>,
        %get3A_381 = arith.index_cast %add3A_159 : i32 to index
        %get3A_382 = arith.constant 592 : index
        %get3A_383 = tpu.vector_load %arg11[%get3A_381, %get3A_382] {strides = array<i32>} : memref<32x1024xf32, #tpu.memory_space<vmem>>, vector<16xf32>,
        %swap3A_384 = arith.index_cast %scan3A_157 : i32 to index
        %swap3A_385 = arith.constant 592 : index
        %swap3A_386 = tpu.vector_load %arg14[%swap3A_384, %swap3A_385] {strides = array<i32>} : memref<16x1000xf32, #tpu.memory_space<vmem>>, vector<16xf32>,
        tpu.vector_store %arg14[%swap3A_384, %swap3A_385], %get3A_383 {strides = array<i32>} : memref<16x1000xf32, #tpu.memory_space<vmem>>, vector<16xf32>,
        %get3A_387 = arith.index_cast %add3A_159 : i32 to index
        %get3A_388 = arith.constant 608 : index
        %get3A_389 = tpu.vector_load %arg11[%get3A_387, %get3A_388] {strides = array<i32>} : memref<32x1024xf32, #tpu.memory_space<vmem>>, vector<16xf32>,
        %swap3A_390 = arith.index_cast %scan3A_157 : i32 to index
        %swap3A_391 = arith.constant 608 : index
        %swap3A_392 = tpu.vector_load %arg14[%swap3A_390, %swap3A_391] {strides = array<i32>} : memref<16x1000xf32, #tpu.memory_space<vmem>>, vector<16xf32>,
        tpu.vector_store %arg14[%swap3A_390, %swap3A_391], %get3A_389 {strides = array<i32>} : memref<16x1000xf32, #tpu.memory_space<vmem>>, vector<16xf32>,
        %get3A_393 = arith.index_cast %add3A_159 : i32 to index
        %get3A_394 = arith.constant 624 : index
        %get3A_395 = tpu.vector_load %arg11[%get3A_393, %get3A_394] {strides = array<i32>} : memref<32x1024xf32, #tpu.memory_space<vmem>>, vector<16xf32>,
        %swap3A_396 = arith.index_cast %scan3A_157 : i32 to index
        %swap3A_397 = arith.constant 624 : index
        %swap3A_398 = tpu.vector_load %arg14[%swap3A_396, %swap3A_397] {strides = array<i32>} : memref<16x1000xf32, #tpu.memory_space<vmem>>, vector<16xf32>,
        tpu.vector_store %arg14[%swap3A_396, %swap3A_397], %get3A_395 {strides = array<i32>} : memref<16x1000xf32, #tpu.memory_space<vmem>>, vector<16xf32>,
        %get3A_399 = arith.index_cast %add3A_159 : i32 to index
        %get3A_400 = arith.constant 640 : index
        %get3A_401 = tpu.vector_load %arg11[%get3A_399, %get3A_400] {strides = array<i32>} : memref<32x1024xf32, #tpu.memory_space<vmem>>, vector<16xf32>,
        %swap3A_402 = arith.index_cast %scan3A_157 : i32 to index
        %swap3A_403 = arith.constant 640 : index
        %swap3A_404 = tpu.vector_load %arg14[%swap3A_402, %swap3A_403] {strides = array<i32>} : memref<16x1000xf32, #tpu.memory_space<vmem>>, vector<16xf32>,
        tpu.vector_store %arg14[%swap3A_402, %swap3A_403], %get3A_401 {strides = array<i32>} : memref<16x1000xf32, #tpu.memory_space<vmem>>, vector<16xf32>,
        %get3A_405 = arith.index_cast %add3A_159 : i32 to index
        %get3A_406 = arith.constant 656 : index
        %get3A_407 = tpu.vector_load %arg11[%get3A_405, %get3A_406] {strides = array<i32>} : memref<32x1024xf32, #tpu.memory_space<vmem>>, vector<16xf32>,
        %swap3A_408 = arith.index_cast %scan3A_157 : i32 to index
        %swap3A_409 = arith.constant 656 : index
        %swap3A_410 = tpu.vector_load %arg14[%swap3A_408, %swap3A_409] {strides = array<i32>} : memref<16x1000xf32, #tpu.memory_space<vmem>>, vector<16xf32>,
        tpu.vector_store %arg14[%swap3A_408, %swap3A_409], %get3A_407 {strides = array<i32>} : memref<16x1000xf32, #tpu.memory_space<vmem>>, vector<16xf32>,
        %get3A_411 = arith.index_cast %add3A_159 : i32 to index
        %get3A_412 = arith.constant 672 : index
        %get3A_413 = tpu.vector_load %arg11[%get3A_411, %get3A_412] {strides = array<i32>} : memref<32x1024xf32, #tpu.memory_space<vmem>>, vector<16xf32>,
        %swap3A_414 = arith.index_cast %scan3A_157 : i32 to index
        %swap3A_415 = arith.constant 672 : index
        %swap3A_416 = tpu.vector_load %arg14[%swap3A_414, %swap3A_415] {strides = array<i32>} : memref<16x1000xf32, #tpu.memory_space<vmem>>, vector<16xf32>,
        tpu.vector_store %arg14[%swap3A_414, %swap3A_415], %get3A_413 {strides = array<i32>} : memref<16x1000xf32, #tpu.memory_space<vmem>>, vector<16xf32>,
        %get3A_417 = arith.index_cast %add3A_159 : i32 to index
        %get3A_418 = arith.constant 688 : index
        %get3A_419 = tpu.vector_load %arg11[%get3A_417, %get3A_418] {strides = array<i32>} : memref<32x1024xf32, #tpu.memory_space<vmem>>, vector<16xf32>,
        %swap3A_420 = arith.index_cast %scan3A_157 : i32 to index
        %swap3A_421 = arith.constant 688 : index
        %swap3A_422 = tpu.vector_load %arg14[%swap3A_420, %swap3A_421] {strides = array<i32>} : memref<16x1000xf32, #tpu.memory_space<vmem>>, vector<16xf32>,
        tpu.vector_store %arg14[%swap3A_420, %swap3A_421], %get3A_419 {strides = array<i32>} : memref<16x1000xf32, #tpu.memory_space<vmem>>, vector<16xf32>,
        %get3A_423 = arith.index_cast %add3A_159 : i32 to index
        %get3A_424 = arith.constant 704 : index
        %get3A_425 = tpu.vector_load %arg11[%get3A_423, %get3A_424] {strides = array<i32>} : memref<32x1024xf32, #tpu.memory_space<vmem>>, vector<16xf32>,
        %swap3A_426 = arith.index_cast %scan3A_157 : i32 to index
        %swap3A_427 = arith.constant 704 : index
        %swap3A_428 = tpu.vector_load %arg14[%swap3A_426, %swap3A_427] {strides = array<i32>} : memref<16x1000xf32, #tpu.memory_space<vmem>>, vector<16xf32>,
        tpu.vector_store %arg14[%swap3A_426, %swap3A_427], %get3A_425 {strides = array<i32>} : memref<16x1000xf32, #tpu.memory_space<vmem>>, vector<16xf32>,
        %get3A_429 = arith.index_cast %add3A_159 : i32 to index
        %get3A_430 = arith.constant 720 : index
        %get3A_431 = tpu.vector_load %arg11[%get3A_429, %get3A_430] {strides = array<i32>} : memref<32x1024xf32, #tpu.memory_space<vmem>>, vector<16xf32>,
        %swap3A_432 = arith.index_cast %scan3A_157 : i32 to index
        %swap3A_433 = arith.constant 720 : index
        %swap3A_434 = tpu.vector_load %arg14[%swap3A_432, %swap3A_433] {strides = array<i32>} : memref<16x1000xf32, #tpu.memory_space<vmem>>, vector<16xf32>,
        tpu.vector_store %arg14[%swap3A_432, %swap3A_433], %get3A_431 {strides = array<i32>} : memref<16x1000xf32, #tpu.memory_space<vmem>>, vector<16xf32>,
        %get3A_435 = arith.index_cast %add3A_159 : i32 to index
        %get3A_436 = arith.constant 736 : index
        %get3A_437 = tpu.vector_load %arg11[%get3A_435, %get3A_436] {strides = array<i32>} : memref<32x1024xf32, #tpu.memory_space<vmem>>, vector<16xf32>,
        %swap3A_438 = arith.index_cast %scan3A_157 : i32 to index
        %swap3A_439 = arith.constant 736 : index
        %swap3A_440 = tpu.vector_load %arg14[%swap3A_438, %swap3A_439] {strides = array<i32>} : memref<16x1000xf32, #tpu.memory_space<vmem>>, vector<16xf32>,
        tpu.vector_store %arg14[%swap3A_438, %swap3A_439], %get3A_437 {strides = array<i32>} : memref<16x1000xf32, #tpu.memory_space<vmem>>, vector<16xf32>,
        %get3A_441 = arith.index_cast %add3A_159 : i32 to index
        %get3A_442 = arith.constant 752 : index
        %get3A_443 = tpu.vector_load %arg11[%get3A_441, %get3A_442] {strides = array<i32>} : memref<32x1024xf32, #tpu.memory_space<vmem>>, vector<16xf32>,
        %swap3A_444 = arith.index_cast %scan3A_157 : i32 to index
        %swap3A_445 = arith.constant 752 : index
        %swap3A_446 = tpu.vector_load %arg14[%swap3A_444, %swap3A_445] {strides = array<i32>} : memref<16x1000xf32, #tpu.memory_space<vmem>>, vector<16xf32>,
        tpu.vector_store %arg14[%swap3A_444, %swap3A_445], %get3A_443 {strides = array<i32>} : memref<16x1000xf32, #tpu.memory_space<vmem>>, vector<16xf32>,
        %get3A_447 = arith.index_cast %add3A_159 : i32 to index
        %get3A_448 = arith.constant 768 : index
        %get3A_449 = tpu.vector_load %arg11[%get3A_447, %get3A_448] {strides = array<i32>} : memref<32x1024xf32, #tpu.memory_space<vmem>>, vector<16xf32>,
        %swap3A_450 = arith.index_cast %scan3A_157 : i32 to index
        %swap3A_451 = arith.constant 768 : index
        %swap3A_452 = tpu.vector_load %arg14[%swap3A_450, %swap3A_451] {strides = array<i32>} : memref<16x1000xf32, #tpu.memory_space<vmem>>, vector<16xf32>,
        tpu.vector_store %arg14[%swap3A_450, %swap3A_451], %get3A_449 {strides = array<i32>} : memref<16x1000xf32, #tpu.memory_space<vmem>>, vector<16xf32>,
        %get3A_453 = arith.index_cast %add3A_159 : i32 to index
        %get3A_454 = arith.constant 784 : index
        %get3A_455 = tpu.vector_load %arg11[%get3A_453, %get3A_454] {strides = array<i32>} : memref<32x1024xf32, #tpu.memory_space<vmem>>, vector<16xf32>,
        %swap3A_456 = arith.index_cast %scan3A_157 : i32 to index
        %swap3A_457 = arith.constant 784 : index
        %swap3A_458 = tpu.vector_load %arg14[%swap3A_456, %swap3A_457] {strides = array<i32>} : memref<16x1000xf32, #tpu.memory_space<vmem>>, vector<16xf32>,
        tpu.vector_store %arg14[%swap3A_456, %swap3A_457], %get3A_455 {strides = array<i32>} : memref<16x1000xf32, #tpu.memory_space<vmem>>, vector<16xf32>,
        %get3A_459 = arith.index_cast %add3A_159 : i32 to index
        %get3A_460 = arith.constant 800 : index
        %get3A_461 = tpu.vector_load %arg11[%get3A_459, %get3A_460] {strides = array<i32>} : memref<32x1024xf32, #tpu.memory_space<vmem>>, vector<16xf32>,
        %swap3A_462 = arith.index_cast %scan3A_157 : i32 to index
        %swap3A_463 = arith.constant 800 : index
        %swap3A_464 = tpu.vector_load %arg14[%swap3A_462, %swap3A_463] {strides = array<i32>} : memref<16x1000xf32, #tpu.memory_space<vmem>>, vector<16xf32>,
        tpu.vector_store %arg14[%swap3A_462, %swap3A_463], %get3A_461 {strides = array<i32>} : memref<16x1000xf32, #tpu.memory_space<vmem>>, vector<16xf32>,
        %get3A_465 = arith.index_cast %add3A_159 : i32 to index
        %get3A_466 = arith.constant 816 : index
        %get3A_467 = tpu.vector_load %arg11[%get3A_465, %get3A_466] {strides = array<i32>} : memref<32x1024xf32, #tpu.memory_space<vmem>>, vector<16xf32>,
        %swap3A_468 = arith.index_cast %scan3A_157 : i32 to index
        %swap3A_469 = arith.constant 816 : index
        %swap3A_470 = tpu.vector_load %arg14[%swap3A_468, %swap3A_469] {strides = array<i32>} : memref<16x1000xf32, #tpu.memory_space<vmem>>, vector<16xf32>,
        tpu.vector_store %arg14[%swap3A_468, %swap3A_469], %get3A_467 {strides = array<i32>} : memref<16x1000xf32, #tpu.memory_space<vmem>>, vector<16xf32>,
        %get3A_471 = arith.index_cast %add3A_159 : i32 to index
        %get3A_472 = arith.constant 832 : index
        %get3A_473 = tpu.vector_load %arg11[%get3A_471, %get3A_472] {strides = array<i32>} : memref<32x1024xf32, #tpu.memory_space<vmem>>, vector<16xf32>,
        %swap3A_474 = arith.index_cast %scan3A_157 : i32 to index
        %swap3A_475 = arith.constant 832 : index
        %swap3A_476 = tpu.vector_load %arg14[%swap3A_474, %swap3A_475] {strides = array<i32>} : memref<16x1000xf32, #tpu.memory_space<vmem>>, vector<16xf32>,
        tpu.vector_store %arg14[%swap3A_474, %swap3A_475], %get3A_473 {strides = array<i32>} : memref<16x1000xf32, #tpu.memory_space<vmem>>, vector<16xf32>,
        %get3A_477 = arith.index_cast %add3A_159 : i32 to index
        %get3A_478 = arith.constant 848 : index
        %get3A_479 = tpu.vector_load %arg11[%get3A_477, %get3A_478] {strides = array<i32>} : memref<32x1024xf32, #tpu.memory_space<vmem>>, vector<16xf32>,
        %swap3A_480 = arith.index_cast %scan3A_157 : i32 to index
        %swap3A_481 = arith.constant 848 : index
        %swap3A_482 = tpu.vector_load %arg14[%swap3A_480, %swap3A_481] {strides = array<i32>} : memref<16x1000xf32, #tpu.memory_space<vmem>>, vector<16xf32>,
        tpu.vector_store %arg14[%swap3A_480, %swap3A_481], %get3A_479 {strides = array<i32>} : memref<16x1000xf32, #tpu.memory_space<vmem>>, vector<16xf32>,
        %get3A_483 = arith.index_cast %add3A_159 : i32 to index
        %get3A_484 = arith.constant 864 : index
        %get3A_485 = tpu.vector_load %arg11[%get3A_483, %get3A_484] {strides = array<i32>} : memref<32x1024xf32, #tpu.memory_space<vmem>>, vector<16xf32>,
        %swap3A_486 = arith.index_cast %scan3A_157 : i32 to index
        %swap3A_487 = arith.constant 864 : index
        %swap3A_488 = tpu.vector_load %arg14[%swap3A_486, %swap3A_487] {strides = array<i32>} : memref<16x1000xf32, #tpu.memory_space<vmem>>, vector<16xf32>,
        tpu.vector_store %arg14[%swap3A_486, %swap3A_487], %get3A_485 {strides = array<i32>} : memref<16x1000xf32, #tpu.memory_space<vmem>>, vector<16xf32>,
        %get3A_489 = arith.index_cast %add3A_159 : i32 to index
        %get3A_490 = arith.constant 880 : index
        %get3A_491 = tpu.vector_load %arg11[%get3A_489, %get3A_490] {strides = array<i32>} : memref<32x1024xf32, #tpu.memory_space<vmem>>, vector<16xf32>,
        %swap3A_492 = arith.index_cast %scan3A_157 : i32 to index
        %swap3A_493 = arith.constant 880 : index
        %swap3A_494 = tpu.vector_load %arg14[%swap3A_492, %swap3A_493] {strides = array<i32>} : memref<16x1000xf32, #tpu.memory_space<vmem>>, vector<16xf32>,
        tpu.vector_store %arg14[%swap3A_492, %swap3A_493], %get3A_491 {strides = array<i32>} : memref<16x1000xf32, #tpu.memory_space<vmem>>, vector<16xf32>,
        %get3A_495 = arith.index_cast %add3A_159 : i32 to index
        %get3A_496 = arith.constant 896 : index
        %get3A_497 = tpu.vector_load %arg11[%get3A_495, %get3A_496] {strides = array<i32>} : memref<32x1024xf32, #tpu.memory_space<vmem>>, vector<16xf32>,
        %swap3A_498 = arith.index_cast %scan3A_157 : i32 to index
        %swap3A_499 = arith.constant 896 : index
        %swap3A_500 = tpu.vector_load %arg14[%swap3A_498, %swap3A_499] {strides = array<i32>} : memref<16x1000xf32, #tpu.memory_space<vmem>>, vector<16xf32>,
        tpu.vector_store %arg14[%swap3A_498, %swap3A_499], %get3A_497 {strides = array<i32>} : memref<16x1000xf32, #tpu.memory_space<vmem>>, vector<16xf32>,
        %get3A_501 = arith.index_cast %add3A_159 : i32 to index
        %get3A_502 = arith.constant 912 : index
        %get3A_503 = tpu.vector_load %arg11[%get3A_501, %get3A_502] {strides = array<i32>} : memref<32x1024xf32, #tpu.memory_space<vmem>>, vector<16xf32>,
        %swap3A_504 = arith.index_cast %scan3A_157 : i32 to index
        %swap3A_505 = arith.constant 912 : index
        %swap3A_506 = tpu.vector_load %arg14[%swap3A_504, %swap3A_505] {strides = array<i32>} : memref<16x1000xf32, #tpu.memory_space<vmem>>, vector<16xf32>,
        tpu.vector_store %arg14[%swap3A_504, %swap3A_505], %get3A_503 {strides = array<i32>} : memref<16x1000xf32, #tpu.memory_space<vmem>>, vector<16xf32>,
        %get3A_507 = arith.index_cast %add3A_159 : i32 to index
        %get3A_508 = arith.constant 928 : index
        %get3A_509 = tpu.vector_load %arg11[%get3A_507, %get3A_508] {strides = array<i32>} : memref<32x1024xf32, #tpu.memory_space<vmem>>, vector<16xf32>,
        %swap3A_510 = arith.index_cast %scan3A_157 : i32 to index
        %swap3A_511 = arith.constant 928 : index
        %swap3A_512 = tpu.vector_load %arg14[%swap3A_510, %swap3A_511] {strides = array<i32>} : memref<16x1000xf32, #tpu.memory_space<vmem>>, vector<16xf32>,
        tpu.vector_store %arg14[%swap3A_510, %swap3A_511], %get3A_509 {strides = array<i32>} : memref<16x1000xf32, #tpu.memory_space<vmem>>, vector<16xf32>,
        %get3A_513 = arith.index_cast %add3A_159 : i32 to index
        %get3A_514 = arith.constant 944 : index
        %get3A_515 = tpu.vector_load %arg11[%get3A_513, %get3A_514] {strides = array<i32>} : memref<32x1024xf32, #tpu.memory_space<vmem>>, vector<16xf32>,
        %swap3A_516 = arith.index_cast %scan3A_157 : i32 to index
        %swap3A_517 = arith.constant 944 : index
        %swap3A_518 = tpu.vector_load %arg14[%swap3A_516, %swap3A_517] {strides = array<i32>} : memref<16x1000xf32, #tpu.memory_space<vmem>>, vector<16xf32>,
        tpu.vector_store %arg14[%swap3A_516, %swap3A_517], %get3A_515 {strides = array<i32>} : memref<16x1000xf32, #tpu.memory_space<vmem>>, vector<16xf32>,
        %get3A_519 = arith.index_cast %add3A_159 : i32 to index
        %get3A_520 = arith.constant 960 : index
        %get3A_521 = tpu.vector_load %arg11[%get3A_519, %get3A_520] {strides = array<i32>} : memref<32x1024xf32, #tpu.memory_space<vmem>>, vector<16xf32>,
        %swap3A_522 = arith.index_cast %scan3A_157 : i32 to index
        %swap3A_523 = arith.constant 960 : index
        %swap3A_524 = tpu.vector_load %arg14[%swap3A_522, %swap3A_523] {strides = array<i32>} : memref<16x1000xf32, #tpu.memory_space<vmem>>, vector<16xf32>,
        tpu.vector_store %arg14[%swap3A_522, %swap3A_523], %get3A_521 {strides = array<i32>} : memref<16x1000xf32, #tpu.memory_space<vmem>>, vector<16xf32>,
        %get3A_525 = arith.index_cast %add3A_159 : i32 to index
        %get3A_526 = arith.constant 976 : index
        %get3A_527 = tpu.vector_load %arg11[%get3A_525, %get3A_526] {strides = array<i32>} : memref<32x1024xf32, #tpu.memory_space<vmem>>, vector<16xf32>,
        %swap3A_528 = arith.index_cast %scan3A_157 : i32 to index
        %swap3A_529 = arith.constant 976 : index
        %swap3A_530 = tpu.vector_load %arg14[%swap3A_528, %swap3A_529] {strides = array<i32>} : memref<16x1000xf32, #tpu.memory_space<vmem>>, vector<16xf32>,
        tpu.vector_store %arg14[%swap3A_528, %swap3A_529], %get3A_527 {strides = array<i32>} : memref<16x1000xf32, #tpu.memory_space<vmem>>, vector<16xf32>,
        %broadcast_in_dim3A_531 = vector.broadcast %add3A_159 : i32 to vector<16xi32>
        %broadcast_in_dim3A_532 = vector.broadcast %scan3A_157 : i32 to vector<16xi32>
        %add3A_533 = arith.constant 992 : i32
        %add3A_534 = vector.broadcast %add3A_533 : i32 to vector<16xi32>
        %add3A_535 = arith.addi %add3A_534, %iota3A : vector<16xi32>
        %lt3A_536 = arith.constant 8 : i32
        %lt3A_537 = vector.broadcast %lt3A_536 : i32 to vector<16xi32>
        %lt3A_538 = arith.cmpi slt, %iota3A, %lt3A_537 : vector<16xi32>
        %gather3A = tpu.vector_load_idx %arg11[%broadcast_in_dim3A_531, %add3A_535] masked %lt3A_538 : memref<32x1024xf32, #tpu.memory_space<vmem>>[vector<16xi32>, vector<16xi32>], vector<16xf32>, vector<16xi1>
        tpu.vector_store_idx %arg14[%broadcast_in_dim3A_532, %add3A_535], %gather3A masked %lt3A_538 : memref<16x1000xf32, #tpu.memory_space<vmem>>[vector<16xi32>, vector<16xi32>], vector<16xf32>, vector<16xi1>
      }
      %scan3A_82 = arith.constant 16 : i32
      %mul3A_83 = arith.constant 32 : i32
      %mul3A_84 = arith.muli %add3A_34, %mul3A_83 : i32
      %add3A_85 = arith.addi %mul3A_2, %mul3A_84 : i32
      %add3A_86 = arith.constant 16 : i32
      %add3A_87 = arith.addi %add3A_85, %add3A_86 : i32
      %dma_start3A_88 = arith.constant 0 : i32
      %dma_start3A_89 = tpu.memref_slice %arg6[%add3A_87, %dma_start3A_88] : memref<51200x1000xf32, #tpu.memory_space<hbm>> -> memref<16x1000xf32, #tpu.memory_space<hbm>>
      %dma_start3A_90 = arith.constant 0 : i32
      %dma_start3A_91 = tpu.memref_slice %arg6[%add3A_87, %dma_start3A_90] : memref<51200x1000xf32, #tpu.memory_space<hbm>> -> memref<16x1000xf32, #tpu.memory_space<hbm>>
      tpu.enqueue_dma source(%arg14 : memref<16x1000xf32, #tpu.memory_space<vmem>>) target(%dma_start3A_91 : memref<16x1000xf32, #tpu.memory_space<hbm>>) target_semaphore(%arg19 : memref<!tpu.dma_semaphore, #tpu.memory_space<semaphore_mem>>)
      %mul3A_92 = arith.constant 2 : i32
      %mul3A_93 = arith.muli %scan3A_29, %mul3A_92 : i32
      %add3A_94 = arith.constant 1 : i32
      %add3A_95 = arith.addi %mul3A_93, %add3A_94 : i32
      %add3A_96 = arith.constant 1 : i32
      %add3A_97 = arith.addi %add3A_95, %add3A_96 : i32
      %lt3A_98 = arith.constant 50 : i32
      %lt3A_99 = arith.cmpi slt, %add3A_97, %lt3A_98 : i32
      %convert_element_type3A_100 = arith.extui %lt3A_99 : i1 to i32
      %cond3A_101 = arith.constant 0 : i32
      %cond3A_102 = arith.cmpi ne, %convert_element_type3A_100, %cond3A_101 : i32
      scf.if %cond3A_102 {
        %add3A_157 = arith.constant 1 : i32
        %add3A_158 = arith.addi %add3A_95, %add3A_157 : i32
        %mul3A_159 = arith.constant 32 : i32
        %mul3A_160 = arith.muli %add3A_158, %mul3A_159 : i32
        %dma_start3A_161 = tpu.memref_slice %arg8[%mul3A_160] : memref<1600xi32, #tpu.memory_space<vmem>> -> memref<32xi32, #tpu.memory_space<vmem>>
        %dma_start3A_162 = arith.constant 0 : i32
        %dma_start3A_163 = arith.constant 0 : i32
        %dma_start3A_164 = tpu.memref_slice %arg2[%dma_start3A_162, %dma_start3A_163] : memref<1000x1024xf32, #tpu.memory_space<hbm>> -> memref<1000x1024xf32, #tpu.memory_space<hbm>>
        tpu.enqueue_indirect_dma source(%dma_start3A_164 : memref<1000x1024xf32, #tpu.memory_space<hbm>>) target(%arg11 : memref<32x1024xf32, #tpu.memory_space<vmem>>) offsets(%dma_start3A_161 : memref<32xi32, #tpu.memory_space<vmem>>) semaphore(%arg16 : memref<!tpu.dma_semaphore, #tpu.memory_space<semaphore_mem>>)
      } else {
      }
      %mul3A_103 = arith.constant 32 : i32
      %mul3A_104 = arith.muli %add3A_95, %mul3A_103 : i32
      %dma_wait3A_105 = tpu.memref_slice %arg8[%mul3A_104] : memref<1600xi32, #tpu.memory_space<vmem>> -> memref<32xi32, #tpu.memory_space<vmem>>
      %dma_wait3A_106 = arith.constant 0 : i32
      %dma_wait3A_107 = arith.constant 0 : i32
      %dma_wait3A_108 = tpu.memref_slice %arg2[%dma_wait3A_106, %dma_wait3A_107] : memref<1000x1024xf32, #tpu.memory_space<hbm>> -> memref<1000x1024xf32, #tpu.memory_space<hbm>>
      tpu.wait_indirect_dma semaphore(%arg17 : memref<!tpu.dma_semaphore, #tpu.memory_space<semaphore_mem>>) src(%dma_wait3A_108 : memref<1000x1024xf32, #tpu.memory_space<hbm>>) dst(%arg12 : memref<32x1024xf32, #tpu.memory_space<vmem>>)
      %mul3A_109 = arith.constant 32 : i32
      %mul3A_110 = arith.muli %add3A_95, %mul3A_109 : i32
      %scan3A_111 = arith.constant 0 : i32
      %scan3A_112 = arith.constant 2 : i32
      %scan3A_113 = arith.addi %scan3A_111, %scan3A_112 : i32
      %scan3A_114 = arith.constant 1 : i32
      %scan3A_115 = scf.for %scan3A_157 = %scan3A_111 to %scan3A_113 step %scan3A_114 iter_args(%scan3A_158 = %scan3A_51) -> (vector<16xf32>)  : i32 {
        %mul3A_159 = arith.constant 16 : i32
        %mul3A_160 = arith.muli %scan3A_157, %mul3A_159 : i32
        %add3A_161 = vector.broadcast %mul3A_160 : i32 to vector<16xi32>
        %add3A_162 = arith.addi %iota3A, %add3A_161 : vector<16xi32>
        %add3A_163 = arith.addi %mul3A_110, %mul3A_160 : i32
        %get3A = arith.index_cast %add3A_163 : i32 to index
        %get3A_164 = tpu.vector_load %arg9[%get3A] {strides = array<i32>} : memref<1600xi32, #tpu.memory_space<vmem>>, vector<16xi32>,
        %add3A_165 = arith.addi %mul3A_110, %mul3A_160 : i32
        %get3A_166 = arith.index_cast %add3A_165 : i32 to index
        %get3A_167 = tpu.vector_load %arg8[%get3A_166] {strides = array<i32>} : memref<1600xi32, #tpu.memory_space<vmem>>, vector<16xi32>,
        %gather3A = tpu.vector_load_idx %arg10[%get3A_167] : memref<1000xf32, #tpu.memory_space<vmem>>[vector<16xi32>], vector<16xf32>,
        %gather3A_168 = tpu.vector_load_idx %arg12[%add3A_162, %get3A_164] : memref<32x1024xf32, #tpu.memory_space<vmem>>[vector<16xi32>, vector<16xi32>], vector<16xf32>,
        %add3A_169 = arith.addf %scan3A_158, %gather3A : vector<16xf32>
        %sub3A = arith.subf %add3A_169, %gather3A_168 : vector<16xf32>
        scf.yield %sub3A : vector<16xf32>
      }
      %scan3A_116 = arith.constant 2 : i32
      %gt3A_117 = arith.constant 0 : i32
      %gt3A_118 = arith.cmpi sgt, %add3A_95, %gt3A_117 : i32
      %convert_element_type3A_119 = arith.extui %gt3A_118 : i1 to i32
      %cond3A_120 = arith.constant 0 : i32
      %cond3A_121 = arith.cmpi ne, %convert_element_type3A_119, %cond3A_120 : i32
      scf.if %cond3A_121 {
        %sub3A = arith.constant 1 : i32
        %sub3A_157 = arith.subi %add3A_95, %sub3A : i32
        %mul3A_158 = arith.constant 32 : i32
        %mul3A_159 = arith.muli %sub3A_157, %mul3A_158 : i32
        %add3A_160 = arith.addi %mul3A_2, %mul3A_159 : i32
        %add3A_161 = arith.constant 0 : i32
        %add3A_162 = arith.addi %add3A_160, %add3A_161 : i32
        %dma_wait3A_163 = arith.constant 0 : i32
        %dma_wait3A_164 = tpu.memref_slice %arg6[%add3A_162, %dma_wait3A_163] : memref<51200x1000xf32, #tpu.memory_space<hbm>> -> memref<16x1000xf32, #tpu.memory_space<hbm>>
        %dma_wait3A_165 = arith.constant 0 : i32
        %dma_wait3A_166 = tpu.memref_slice %arg6[%add3A_162, %dma_wait3A_165] : memref<51200x1000xf32, #tpu.memory_space<hbm>> -> memref<16x1000xf32, #tpu.memory_space<hbm>>
        tpu.wait_dma2 semaphore(%arg18 : memref<!tpu.dma_semaphore, #tpu.memory_space<semaphore_mem>>) src(%arg13 : memref<16x1000xf32, #tpu.memory_space<vmem>>) dst(%dma_wait3A_166 : memref<16x1000xf32, #tpu.memory_space<hbm>>)
      } else {
      }
      %scan3A_122 = arith.constant 0 : i32
      %scan3A_123 = arith.constant 0 : i32
      %scan3A_124 = arith.constant 16 : i32
      %scan3A_125 = arith.addi %scan3A_123, %scan3A_124 : i32
      %scan3A_126 = arith.constant 1 : i32
      scf.for %scan3A_157 = %scan3A_123 to %scan3A_125 step %scan3A_126  : i32 {
        %add3A_158 = arith.constant 0 : i32
        %add3A_159 = arith.addi %add3A_158, %scan3A_157 : i32
        %get3A = arith.index_cast %add3A_159 : i32 to index
        %get3A_160 = arith.constant 0 : index
        %get3A_161 = tpu.vector_load %arg12[%get3A, %get3A_160] {strides = array<i32>} : memref<32x1024xf32, #tpu.memory_space<vmem>>, vector<16xf32>,
        %swap3A_162 = arith.index_cast %scan3A_157 : i32 to index
        %swap3A_163 = arith.constant 0 : index
        %swap3A_164 = tpu.vector_load %arg13[%swap3A_162, %swap3A_163] {strides = array<i32>} : memref<16x1000xf32, #tpu.memory_space<vmem>>, vector<16xf32>,
        tpu.vector_store %arg13[%swap3A_162, %swap3A_163], %get3A_161 {strides = array<i32>} : memref<16x1000xf32, #tpu.memory_space<vmem>>, vector<16xf32>,
        %get3A_165 = arith.index_cast %add3A_159 : i32 to index
        %get3A_166 = arith.constant 16 : index
        %get3A_167 = tpu.vector_load %arg12[%get3A_165, %get3A_166] {strides = array<i32>} : memref<32x1024xf32, #tpu.memory_space<vmem>>, vector<16xf32>,
        %swap3A_168 = arith.index_cast %scan3A_157 : i32 to index
        %swap3A_169 = arith.constant 16 : index
        %swap3A_170 = tpu.vector_load %arg13[%swap3A_168, %swap3A_169] {strides = array<i32>} : memref<16x1000xf32, #tpu.memory_space<vmem>>, vector<16xf32>,
        tpu.vector_store %arg13[%swap3A_168, %swap3A_169], %get3A_167 {strides = array<i32>} : memref<16x1000xf32, #tpu.memory_space<vmem>>, vector<16xf32>,
        %get3A_171 = arith.index_cast %add3A_159 : i32 to index
        %get3A_172 = arith.constant 32 : index
        %get3A_173 = tpu.vector_load %arg12[%get3A_171, %get3A_172] {strides = array<i32>} : memref<32x1024xf32, #tpu.memory_space<vmem>>, vector<16xf32>,
        %swap3A_174 = arith.index_cast %scan3A_157 : i32 to index
        %swap3A_175 = arith.constant 32 : index
        %swap3A_176 = tpu.vector_load %arg13[%swap3A_174, %swap3A_175] {strides = array<i32>} : memref<16x1000xf32, #tpu.memory_space<vmem>>, vector<16xf32>,
        tpu.vector_store %arg13[%swap3A_174, %swap3A_175], %get3A_173 {strides = array<i32>} : memref<16x1000xf32, #tpu.memory_space<vmem>>, vector<16xf32>,
        %get3A_177 = arith.index_cast %add3A_159 : i32 to index
        %get3A_178 = arith.constant 48 : index
        %get3A_179 = tpu.vector_load %arg12[%get3A_177, %get3A_178] {strides = array<i32>} : memref<32x1024xf32, #tpu.memory_space<vmem>>, vector<16xf32>,
        %swap3A_180 = arith.index_cast %scan3A_157 : i32 to index
        %swap3A_181 = arith.constant 48 : index
        %swap3A_182 = tpu.vector_load %arg13[%swap3A_180, %swap3A_181] {strides = array<i32>} : memref<16x1000xf32, #tpu.memory_space<vmem>>, vector<16xf32>,
        tpu.vector_store %arg13[%swap3A_180, %swap3A_181], %get3A_179 {strides = array<i32>} : memref<16x1000xf32, #tpu.memory_space<vmem>>, vector<16xf32>,
        %get3A_183 = arith.index_cast %add3A_159 : i32 to index
        %get3A_184 = arith.constant 64 : index
        %get3A_185 = tpu.vector_load %arg12[%get3A_183, %get3A_184] {strides = array<i32>} : memref<32x1024xf32, #tpu.memory_space<vmem>>, vector<16xf32>,
        %swap3A_186 = arith.index_cast %scan3A_157 : i32 to index
        %swap3A_187 = arith.constant 64 : index
        %swap3A_188 = tpu.vector_load %arg13[%swap3A_186, %swap3A_187] {strides = array<i32>} : memref<16x1000xf32, #tpu.memory_space<vmem>>, vector<16xf32>,
        tpu.vector_store %arg13[%swap3A_186, %swap3A_187], %get3A_185 {strides = array<i32>} : memref<16x1000xf32, #tpu.memory_space<vmem>>, vector<16xf32>,
        %get3A_189 = arith.index_cast %add3A_159 : i32 to index
        %get3A_190 = arith.constant 80 : index
        %get3A_191 = tpu.vector_load %arg12[%get3A_189, %get3A_190] {strides = array<i32>} : memref<32x1024xf32, #tpu.memory_space<vmem>>, vector<16xf32>,
        %swap3A_192 = arith.index_cast %scan3A_157 : i32 to index
        %swap3A_193 = arith.constant 80 : index
        %swap3A_194 = tpu.vector_load %arg13[%swap3A_192, %swap3A_193] {strides = array<i32>} : memref<16x1000xf32, #tpu.memory_space<vmem>>, vector<16xf32>,
        tpu.vector_store %arg13[%swap3A_192, %swap3A_193], %get3A_191 {strides = array<i32>} : memref<16x1000xf32, #tpu.memory_space<vmem>>, vector<16xf32>,
        %get3A_195 = arith.index_cast %add3A_159 : i32 to index
        %get3A_196 = arith.constant 96 : index
        %get3A_197 = tpu.vector_load %arg12[%get3A_195, %get3A_196] {strides = array<i32>} : memref<32x1024xf32, #tpu.memory_space<vmem>>, vector<16xf32>,
        %swap3A_198 = arith.index_cast %scan3A_157 : i32 to index
        %swap3A_199 = arith.constant 96 : index
        %swap3A_200 = tpu.vector_load %arg13[%swap3A_198, %swap3A_199] {strides = array<i32>} : memref<16x1000xf32, #tpu.memory_space<vmem>>, vector<16xf32>,
        tpu.vector_store %arg13[%swap3A_198, %swap3A_199], %get3A_197 {strides = array<i32>} : memref<16x1000xf32, #tpu.memory_space<vmem>>, vector<16xf32>,
        %get3A_201 = arith.index_cast %add3A_159 : i32 to index
        %get3A_202 = arith.constant 112 : index
        %get3A_203 = tpu.vector_load %arg12[%get3A_201, %get3A_202] {strides = array<i32>} : memref<32x1024xf32, #tpu.memory_space<vmem>>, vector<16xf32>,
        %swap3A_204 = arith.index_cast %scan3A_157 : i32 to index
        %swap3A_205 = arith.constant 112 : index
        %swap3A_206 = tpu.vector_load %arg13[%swap3A_204, %swap3A_205] {strides = array<i32>} : memref<16x1000xf32, #tpu.memory_space<vmem>>, vector<16xf32>,
        tpu.vector_store %arg13[%swap3A_204, %swap3A_205], %get3A_203 {strides = array<i32>} : memref<16x1000xf32, #tpu.memory_space<vmem>>, vector<16xf32>,
        %get3A_207 = arith.index_cast %add3A_159 : i32 to index
        %get3A_208 = arith.constant 128 : index
        %get3A_209 = tpu.vector_load %arg12[%get3A_207, %get3A_208] {strides = array<i32>} : memref<32x1024xf32, #tpu.memory_space<vmem>>, vector<16xf32>,
        %swap3A_210 = arith.index_cast %scan3A_157 : i32 to index
        %swap3A_211 = arith.constant 128 : index
        %swap3A_212 = tpu.vector_load %arg13[%swap3A_210, %swap3A_211] {strides = array<i32>} : memref<16x1000xf32, #tpu.memory_space<vmem>>, vector<16xf32>,
        tpu.vector_store %arg13[%swap3A_210, %swap3A_211], %get3A_209 {strides = array<i32>} : memref<16x1000xf32, #tpu.memory_space<vmem>>, vector<16xf32>,
        %get3A_213 = arith.index_cast %add3A_159 : i32 to index
        %get3A_214 = arith.constant 144 : index
        %get3A_215 = tpu.vector_load %arg12[%get3A_213, %get3A_214] {strides = array<i32>} : memref<32x1024xf32, #tpu.memory_space<vmem>>, vector<16xf32>,
        %swap3A_216 = arith.index_cast %scan3A_157 : i32 to index
        %swap3A_217 = arith.constant 144 : index
        %swap3A_218 = tpu.vector_load %arg13[%swap3A_216, %swap3A_217] {strides = array<i32>} : memref<16x1000xf32, #tpu.memory_space<vmem>>, vector<16xf32>,
        tpu.vector_store %arg13[%swap3A_216, %swap3A_217], %get3A_215 {strides = array<i32>} : memref<16x1000xf32, #tpu.memory_space<vmem>>, vector<16xf32>,
        %get3A_219 = arith.index_cast %add3A_159 : i32 to index
        %get3A_220 = arith.constant 160 : index
        %get3A_221 = tpu.vector_load %arg12[%get3A_219, %get3A_220] {strides = array<i32>} : memref<32x1024xf32, #tpu.memory_space<vmem>>, vector<16xf32>,
        %swap3A_222 = arith.index_cast %scan3A_157 : i32 to index
        %swap3A_223 = arith.constant 160 : index
        %swap3A_224 = tpu.vector_load %arg13[%swap3A_222, %swap3A_223] {strides = array<i32>} : memref<16x1000xf32, #tpu.memory_space<vmem>>, vector<16xf32>,
        tpu.vector_store %arg13[%swap3A_222, %swap3A_223], %get3A_221 {strides = array<i32>} : memref<16x1000xf32, #tpu.memory_space<vmem>>, vector<16xf32>,
        %get3A_225 = arith.index_cast %add3A_159 : i32 to index
        %get3A_226 = arith.constant 176 : index
        %get3A_227 = tpu.vector_load %arg12[%get3A_225, %get3A_226] {strides = array<i32>} : memref<32x1024xf32, #tpu.memory_space<vmem>>, vector<16xf32>,
        %swap3A_228 = arith.index_cast %scan3A_157 : i32 to index
        %swap3A_229 = arith.constant 176 : index
        %swap3A_230 = tpu.vector_load %arg13[%swap3A_228, %swap3A_229] {strides = array<i32>} : memref<16x1000xf32, #tpu.memory_space<vmem>>, vector<16xf32>,
        tpu.vector_store %arg13[%swap3A_228, %swap3A_229], %get3A_227 {strides = array<i32>} : memref<16x1000xf32, #tpu.memory_space<vmem>>, vector<16xf32>,
        %get3A_231 = arith.index_cast %add3A_159 : i32 to index
        %get3A_232 = arith.constant 192 : index
        %get3A_233 = tpu.vector_load %arg12[%get3A_231, %get3A_232] {strides = array<i32>} : memref<32x1024xf32, #tpu.memory_space<vmem>>, vector<16xf32>,
        %swap3A_234 = arith.index_cast %scan3A_157 : i32 to index
        %swap3A_235 = arith.constant 192 : index
        %swap3A_236 = tpu.vector_load %arg13[%swap3A_234, %swap3A_235] {strides = array<i32>} : memref<16x1000xf32, #tpu.memory_space<vmem>>, vector<16xf32>,
        tpu.vector_store %arg13[%swap3A_234, %swap3A_235], %get3A_233 {strides = array<i32>} : memref<16x1000xf32, #tpu.memory_space<vmem>>, vector<16xf32>,
        %get3A_237 = arith.index_cast %add3A_159 : i32 to index
        %get3A_238 = arith.constant 208 : index
        %get3A_239 = tpu.vector_load %arg12[%get3A_237, %get3A_238] {strides = array<i32>} : memref<32x1024xf32, #tpu.memory_space<vmem>>, vector<16xf32>,
        %swap3A_240 = arith.index_cast %scan3A_157 : i32 to index
        %swap3A_241 = arith.constant 208 : index
        %swap3A_242 = tpu.vector_load %arg13[%swap3A_240, %swap3A_241] {strides = array<i32>} : memref<16x1000xf32, #tpu.memory_space<vmem>>, vector<16xf32>,
        tpu.vector_store %arg13[%swap3A_240, %swap3A_241], %get3A_239 {strides = array<i32>} : memref<16x1000xf32, #tpu.memory_space<vmem>>, vector<16xf32>,
        %get3A_243 = arith.index_cast %add3A_159 : i32 to index
        %get3A_244 = arith.constant 224 : index
        %get3A_245 = tpu.vector_load %arg12[%get3A_243, %get3A_244] {strides = array<i32>} : memref<32x1024xf32, #tpu.memory_space<vmem>>, vector<16xf32>,
        %swap3A_246 = arith.index_cast %scan3A_157 : i32 to index
        %swap3A_247 = arith.constant 224 : index
        %swap3A_248 = tpu.vector_load %arg13[%swap3A_246, %swap3A_247] {strides = array<i32>} : memref<16x1000xf32, #tpu.memory_space<vmem>>, vector<16xf32>,
        tpu.vector_store %arg13[%swap3A_246, %swap3A_247], %get3A_245 {strides = array<i32>} : memref<16x1000xf32, #tpu.memory_space<vmem>>, vector<16xf32>,
        %get3A_249 = arith.index_cast %add3A_159 : i32 to index
        %get3A_250 = arith.constant 240 : index
        %get3A_251 = tpu.vector_load %arg12[%get3A_249, %get3A_250] {strides = array<i32>} : memref<32x1024xf32, #tpu.memory_space<vmem>>, vector<16xf32>,
        %swap3A_252 = arith.index_cast %scan3A_157 : i32 to index
        %swap3A_253 = arith.constant 240 : index
        %swap3A_254 = tpu.vector_load %arg13[%swap3A_252, %swap3A_253] {strides = array<i32>} : memref<16x1000xf32, #tpu.memory_space<vmem>>, vector<16xf32>,
        tpu.vector_store %arg13[%swap3A_252, %swap3A_253], %get3A_251 {strides = array<i32>} : memref<16x1000xf32, #tpu.memory_space<vmem>>, vector<16xf32>,
        %get3A_255 = arith.index_cast %add3A_159 : i32 to index
        %get3A_256 = arith.constant 256 : index
        %get3A_257 = tpu.vector_load %arg12[%get3A_255, %get3A_256] {strides = array<i32>} : memref<32x1024xf32, #tpu.memory_space<vmem>>, vector<16xf32>,
        %swap3A_258 = arith.index_cast %scan3A_157 : i32 to index
        %swap3A_259 = arith.constant 256 : index
        %swap3A_260 = tpu.vector_load %arg13[%swap3A_258, %swap3A_259] {strides = array<i32>} : memref<16x1000xf32, #tpu.memory_space<vmem>>, vector<16xf32>,
        tpu.vector_store %arg13[%swap3A_258, %swap3A_259], %get3A_257 {strides = array<i32>} : memref<16x1000xf32, #tpu.memory_space<vmem>>, vector<16xf32>,
        %get3A_261 = arith.index_cast %add3A_159 : i32 to index
        %get3A_262 = arith.constant 272 : index
        %get3A_263 = tpu.vector_load %arg12[%get3A_261, %get3A_262] {strides = array<i32>} : memref<32x1024xf32, #tpu.memory_space<vmem>>, vector<16xf32>,
        %swap3A_264 = arith.index_cast %scan3A_157 : i32 to index
        %swap3A_265 = arith.constant 272 : index
        %swap3A_266 = tpu.vector_load %arg13[%swap3A_264, %swap3A_265] {strides = array<i32>} : memref<16x1000xf32, #tpu.memory_space<vmem>>, vector<16xf32>,
        tpu.vector_store %arg13[%swap3A_264, %swap3A_265], %get3A_263 {strides = array<i32>} : memref<16x1000xf32, #tpu.memory_space<vmem>>, vector<16xf32>,
        %get3A_267 = arith.index_cast %add3A_159 : i32 to index
        %get3A_268 = arith.constant 288 : index
        %get3A_269 = tpu.vector_load %arg12[%get3A_267, %get3A_268] {strides = array<i32>} : memref<32x1024xf32, #tpu.memory_space<vmem>>, vector<16xf32>,
        %swap3A_270 = arith.index_cast %scan3A_157 : i32 to index
        %swap3A_271 = arith.constant 288 : index
        %swap3A_272 = tpu.vector_load %arg13[%swap3A_270, %swap3A_271] {strides = array<i32>} : memref<16x1000xf32, #tpu.memory_space<vmem>>, vector<16xf32>,
        tpu.vector_store %arg13[%swap3A_270, %swap3A_271], %get3A_269 {strides = array<i32>} : memref<16x1000xf32, #tpu.memory_space<vmem>>, vector<16xf32>,
        %get3A_273 = arith.index_cast %add3A_159 : i32 to index
        %get3A_274 = arith.constant 304 : index
        %get3A_275 = tpu.vector_load %arg12[%get3A_273, %get3A_274] {strides = array<i32>} : memref<32x1024xf32, #tpu.memory_space<vmem>>, vector<16xf32>,
        %swap3A_276 = arith.index_cast %scan3A_157 : i32 to index
        %swap3A_277 = arith.constant 304 : index
        %swap3A_278 = tpu.vector_load %arg13[%swap3A_276, %swap3A_277] {strides = array<i32>} : memref<16x1000xf32, #tpu.memory_space<vmem>>, vector<16xf32>,
        tpu.vector_store %arg13[%swap3A_276, %swap3A_277], %get3A_275 {strides = array<i32>} : memref<16x1000xf32, #tpu.memory_space<vmem>>, vector<16xf32>,
        %get3A_279 = arith.index_cast %add3A_159 : i32 to index
        %get3A_280 = arith.constant 320 : index
        %get3A_281 = tpu.vector_load %arg12[%get3A_279, %get3A_280] {strides = array<i32>} : memref<32x1024xf32, #tpu.memory_space<vmem>>, vector<16xf32>,
        %swap3A_282 = arith.index_cast %scan3A_157 : i32 to index
        %swap3A_283 = arith.constant 320 : index
        %swap3A_284 = tpu.vector_load %arg13[%swap3A_282, %swap3A_283] {strides = array<i32>} : memref<16x1000xf32, #tpu.memory_space<vmem>>, vector<16xf32>,
        tpu.vector_store %arg13[%swap3A_282, %swap3A_283], %get3A_281 {strides = array<i32>} : memref<16x1000xf32, #tpu.memory_space<vmem>>, vector<16xf32>,
        %get3A_285 = arith.index_cast %add3A_159 : i32 to index
        %get3A_286 = arith.constant 336 : index
        %get3A_287 = tpu.vector_load %arg12[%get3A_285, %get3A_286] {strides = array<i32>} : memref<32x1024xf32, #tpu.memory_space<vmem>>, vector<16xf32>,
        %swap3A_288 = arith.index_cast %scan3A_157 : i32 to index
        %swap3A_289 = arith.constant 336 : index
        %swap3A_290 = tpu.vector_load %arg13[%swap3A_288, %swap3A_289] {strides = array<i32>} : memref<16x1000xf32, #tpu.memory_space<vmem>>, vector<16xf32>,
        tpu.vector_store %arg13[%swap3A_288, %swap3A_289], %get3A_287 {strides = array<i32>} : memref<16x1000xf32, #tpu.memory_space<vmem>>, vector<16xf32>,
        %get3A_291 = arith.index_cast %add3A_159 : i32 to index
        %get3A_292 = arith.constant 352 : index
        %get3A_293 = tpu.vector_load %arg12[%get3A_291, %get3A_292] {strides = array<i32>} : memref<32x1024xf32, #tpu.memory_space<vmem>>, vector<16xf32>,
        %swap3A_294 = arith.index_cast %scan3A_157 : i32 to index
        %swap3A_295 = arith.constant 352 : index
        %swap3A_296 = tpu.vector_load %arg13[%swap3A_294, %swap3A_295] {strides = array<i32>} : memref<16x1000xf32, #tpu.memory_space<vmem>>, vector<16xf32>,
        tpu.vector_store %arg13[%swap3A_294, %swap3A_295], %get3A_293 {strides = array<i32>} : memref<16x1000xf32, #tpu.memory_space<vmem>>, vector<16xf32>,
        %get3A_297 = arith.index_cast %add3A_159 : i32 to index
        %get3A_298 = arith.constant 368 : index
        %get3A_299 = tpu.vector_load %arg12[%get3A_297, %get3A_298] {strides = array<i32>} : memref<32x1024xf32, #tpu.memory_space<vmem>>, vector<16xf32>,
        %swap3A_300 = arith.index_cast %scan3A_157 : i32 to index
        %swap3A_301 = arith.constant 368 : index
        %swap3A_302 = tpu.vector_load %arg13[%swap3A_300, %swap3A_301] {strides = array<i32>} : memref<16x1000xf32, #tpu.memory_space<vmem>>, vector<16xf32>,
        tpu.vector_store %arg13[%swap3A_300, %swap3A_301], %get3A_299 {strides = array<i32>} : memref<16x1000xf32, #tpu.memory_space<vmem>>, vector<16xf32>,
        %get3A_303 = arith.index_cast %add3A_159 : i32 to index
        %get3A_304 = arith.constant 384 : index
        %get3A_305 = tpu.vector_load %arg12[%get3A_303, %get3A_304] {strides = array<i32>} : memref<32x1024xf32, #tpu.memory_space<vmem>>, vector<16xf32>,
        %swap3A_306 = arith.index_cast %scan3A_157 : i32 to index
        %swap3A_307 = arith.constant 384 : index
        %swap3A_308 = tpu.vector_load %arg13[%swap3A_306, %swap3A_307] {strides = array<i32>} : memref<16x1000xf32, #tpu.memory_space<vmem>>, vector<16xf32>,
        tpu.vector_store %arg13[%swap3A_306, %swap3A_307], %get3A_305 {strides = array<i32>} : memref<16x1000xf32, #tpu.memory_space<vmem>>, vector<16xf32>,
        %get3A_309 = arith.index_cast %add3A_159 : i32 to index
        %get3A_310 = arith.constant 400 : index
        %get3A_311 = tpu.vector_load %arg12[%get3A_309, %get3A_310] {strides = array<i32>} : memref<32x1024xf32, #tpu.memory_space<vmem>>, vector<16xf32>,
        %swap3A_312 = arith.index_cast %scan3A_157 : i32 to index
        %swap3A_313 = arith.constant 400 : index
        %swap3A_314 = tpu.vector_load %arg13[%swap3A_312, %swap3A_313] {strides = array<i32>} : memref<16x1000xf32, #tpu.memory_space<vmem>>, vector<16xf32>,
        tpu.vector_store %arg13[%swap3A_312, %swap3A_313], %get3A_311 {strides = array<i32>} : memref<16x1000xf32, #tpu.memory_space<vmem>>, vector<16xf32>,
        %get3A_315 = arith.index_cast %add3A_159 : i32 to index
        %get3A_316 = arith.constant 416 : index
        %get3A_317 = tpu.vector_load %arg12[%get3A_315, %get3A_316] {strides = array<i32>} : memref<32x1024xf32, #tpu.memory_space<vmem>>, vector<16xf32>,
        %swap3A_318 = arith.index_cast %scan3A_157 : i32 to index
        %swap3A_319 = arith.constant 416 : index
        %swap3A_320 = tpu.vector_load %arg13[%swap3A_318, %swap3A_319] {strides = array<i32>} : memref<16x1000xf32, #tpu.memory_space<vmem>>, vector<16xf32>,
        tpu.vector_store %arg13[%swap3A_318, %swap3A_319], %get3A_317 {strides = array<i32>} : memref<16x1000xf32, #tpu.memory_space<vmem>>, vector<16xf32>,
        %get3A_321 = arith.index_cast %add3A_159 : i32 to index
        %get3A_322 = arith.constant 432 : index
        %get3A_323 = tpu.vector_load %arg12[%get3A_321, %get3A_322] {strides = array<i32>} : memref<32x1024xf32, #tpu.memory_space<vmem>>, vector<16xf32>,
        %swap3A_324 = arith.index_cast %scan3A_157 : i32 to index
        %swap3A_325 = arith.constant 432 : index
        %swap3A_326 = tpu.vector_load %arg13[%swap3A_324, %swap3A_325] {strides = array<i32>} : memref<16x1000xf32, #tpu.memory_space<vmem>>, vector<16xf32>,
        tpu.vector_store %arg13[%swap3A_324, %swap3A_325], %get3A_323 {strides = array<i32>} : memref<16x1000xf32, #tpu.memory_space<vmem>>, vector<16xf32>,
        %get3A_327 = arith.index_cast %add3A_159 : i32 to index
        %get3A_328 = arith.constant 448 : index
        %get3A_329 = tpu.vector_load %arg12[%get3A_327, %get3A_328] {strides = array<i32>} : memref<32x1024xf32, #tpu.memory_space<vmem>>, vector<16xf32>,
        %swap3A_330 = arith.index_cast %scan3A_157 : i32 to index
        %swap3A_331 = arith.constant 448 : index
        %swap3A_332 = tpu.vector_load %arg13[%swap3A_330, %swap3A_331] {strides = array<i32>} : memref<16x1000xf32, #tpu.memory_space<vmem>>, vector<16xf32>,
        tpu.vector_store %arg13[%swap3A_330, %swap3A_331], %get3A_329 {strides = array<i32>} : memref<16x1000xf32, #tpu.memory_space<vmem>>, vector<16xf32>,
        %get3A_333 = arith.index_cast %add3A_159 : i32 to index
        %get3A_334 = arith.constant 464 : index
        %get3A_335 = tpu.vector_load %arg12[%get3A_333, %get3A_334] {strides = array<i32>} : memref<32x1024xf32, #tpu.memory_space<vmem>>, vector<16xf32>,
        %swap3A_336 = arith.index_cast %scan3A_157 : i32 to index
        %swap3A_337 = arith.constant 464 : index
        %swap3A_338 = tpu.vector_load %arg13[%swap3A_336, %swap3A_337] {strides = array<i32>} : memref<16x1000xf32, #tpu.memory_space<vmem>>, vector<16xf32>,
        tpu.vector_store %arg13[%swap3A_336, %swap3A_337], %get3A_335 {strides = array<i32>} : memref<16x1000xf32, #tpu.memory_space<vmem>>, vector<16xf32>,
        %get3A_339 = arith.index_cast %add3A_159 : i32 to index
        %get3A_340 = arith.constant 480 : index
        %get3A_341 = tpu.vector_load %arg12[%get3A_339, %get3A_340] {strides = array<i32>} : memref<32x1024xf32, #tpu.memory_space<vmem>>, vector<16xf32>,
        %swap3A_342 = arith.index_cast %scan3A_157 : i32 to index
        %swap3A_343 = arith.constant 480 : index
        %swap3A_344 = tpu.vector_load %arg13[%swap3A_342, %swap3A_343] {strides = array<i32>} : memref<16x1000xf32, #tpu.memory_space<vmem>>, vector<16xf32>,
        tpu.vector_store %arg13[%swap3A_342, %swap3A_343], %get3A_341 {strides = array<i32>} : memref<16x1000xf32, #tpu.memory_space<vmem>>, vector<16xf32>,
        %get3A_345 = arith.index_cast %add3A_159 : i32 to index
        %get3A_346 = arith.constant 496 : index
        %get3A_347 = tpu.vector_load %arg12[%get3A_345, %get3A_346] {strides = array<i32>} : memref<32x1024xf32, #tpu.memory_space<vmem>>, vector<16xf32>,
        %swap3A_348 = arith.index_cast %scan3A_157 : i32 to index
        %swap3A_349 = arith.constant 496 : index
        %swap3A_350 = tpu.vector_load %arg13[%swap3A_348, %swap3A_349] {strides = array<i32>} : memref<16x1000xf32, #tpu.memory_space<vmem>>, vector<16xf32>,
        tpu.vector_store %arg13[%swap3A_348, %swap3A_349], %get3A_347 {strides = array<i32>} : memref<16x1000xf32, #tpu.memory_space<vmem>>, vector<16xf32>,
        %get3A_351 = arith.index_cast %add3A_159 : i32 to index
        %get3A_352 = arith.constant 512 : index
        %get3A_353 = tpu.vector_load %arg12[%get3A_351, %get3A_352] {strides = array<i32>} : memref<32x1024xf32, #tpu.memory_space<vmem>>, vector<16xf32>,
        %swap3A_354 = arith.index_cast %scan3A_157 : i32 to index
        %swap3A_355 = arith.constant 512 : index
        %swap3A_356 = tpu.vector_load %arg13[%swap3A_354, %swap3A_355] {strides = array<i32>} : memref<16x1000xf32, #tpu.memory_space<vmem>>, vector<16xf32>,
        tpu.vector_store %arg13[%swap3A_354, %swap3A_355], %get3A_353 {strides = array<i32>} : memref<16x1000xf32, #tpu.memory_space<vmem>>, vector<16xf32>,
        %get3A_357 = arith.index_cast %add3A_159 : i32 to index
        %get3A_358 = arith.constant 528 : index
        %get3A_359 = tpu.vector_load %arg12[%get3A_357, %get3A_358] {strides = array<i32>} : memref<32x1024xf32, #tpu.memory_space<vmem>>, vector<16xf32>,
        %swap3A_360 = arith.index_cast %scan3A_157 : i32 to index
        %swap3A_361 = arith.constant 528 : index
        %swap3A_362 = tpu.vector_load %arg13[%swap3A_360, %swap3A_361] {strides = array<i32>} : memref<16x1000xf32, #tpu.memory_space<vmem>>, vector<16xf32>,
        tpu.vector_store %arg13[%swap3A_360, %swap3A_361], %get3A_359 {strides = array<i32>} : memref<16x1000xf32, #tpu.memory_space<vmem>>, vector<16xf32>,
        %get3A_363 = arith.index_cast %add3A_159 : i32 to index
        %get3A_364 = arith.constant 544 : index
        %get3A_365 = tpu.vector_load %arg12[%get3A_363, %get3A_364] {strides = array<i32>} : memref<32x1024xf32, #tpu.memory_space<vmem>>, vector<16xf32>,
        %swap3A_366 = arith.index_cast %scan3A_157 : i32 to index
        %swap3A_367 = arith.constant 544 : index
        %swap3A_368 = tpu.vector_load %arg13[%swap3A_366, %swap3A_367] {strides = array<i32>} : memref<16x1000xf32, #tpu.memory_space<vmem>>, vector<16xf32>,
        tpu.vector_store %arg13[%swap3A_366, %swap3A_367], %get3A_365 {strides = array<i32>} : memref<16x1000xf32, #tpu.memory_space<vmem>>, vector<16xf32>,
        %get3A_369 = arith.index_cast %add3A_159 : i32 to index
        %get3A_370 = arith.constant 560 : index
        %get3A_371 = tpu.vector_load %arg12[%get3A_369, %get3A_370] {strides = array<i32>} : memref<32x1024xf32, #tpu.memory_space<vmem>>, vector<16xf32>,
        %swap3A_372 = arith.index_cast %scan3A_157 : i32 to index
        %swap3A_373 = arith.constant 560 : index
        %swap3A_374 = tpu.vector_load %arg13[%swap3A_372, %swap3A_373] {strides = array<i32>} : memref<16x1000xf32, #tpu.memory_space<vmem>>, vector<16xf32>,
        tpu.vector_store %arg13[%swap3A_372, %swap3A_373], %get3A_371 {strides = array<i32>} : memref<16x1000xf32, #tpu.memory_space<vmem>>, vector<16xf32>,
        %get3A_375 = arith.index_cast %add3A_159 : i32 to index
        %get3A_376 = arith.constant 576 : index
        %get3A_377 = tpu.vector_load %arg12[%get3A_375, %get3A_376] {strides = array<i32>} : memref<32x1024xf32, #tpu.memory_space<vmem>>, vector<16xf32>,
        %swap3A_378 = arith.index_cast %scan3A_157 : i32 to index
        %swap3A_379 = arith.constant 576 : index
        %swap3A_380 = tpu.vector_load %arg13[%swap3A_378, %swap3A_379] {strides = array<i32>} : memref<16x1000xf32, #tpu.memory_space<vmem>>, vector<16xf32>,
        tpu.vector_store %arg13[%swap3A_378, %swap3A_379], %get3A_377 {strides = array<i32>} : memref<16x1000xf32, #tpu.memory_space<vmem>>, vector<16xf32>,
        %get3A_381 = arith.index_cast %add3A_159 : i32 to index
        %get3A_382 = arith.constant 592 : index
        %get3A_383 = tpu.vector_load %arg12[%get3A_381, %get3A_382] {strides = array<i32>} : memref<32x1024xf32, #tpu.memory_space<vmem>>, vector<16xf32>,
        %swap3A_384 = arith.index_cast %scan3A_157 : i32 to index
        %swap3A_385 = arith.constant 592 : index
        %swap3A_386 = tpu.vector_load %arg13[%swap3A_384, %swap3A_385] {strides = array<i32>} : memref<16x1000xf32, #tpu.memory_space<vmem>>, vector<16xf32>,
        tpu.vector_store %arg13[%swap3A_384, %swap3A_385], %get3A_383 {strides = array<i32>} : memref<16x1000xf32, #tpu.memory_space<vmem>>, vector<16xf32>,
        %get3A_387 = arith.index_cast %add3A_159 : i32 to index
        %get3A_388 = arith.constant 608 : index
        %get3A_389 = tpu.vector_load %arg12[%get3A_387, %get3A_388] {strides = array<i32>} : memref<32x1024xf32, #tpu.memory_space<vmem>>, vector<16xf32>,
        %swap3A_390 = arith.index_cast %scan3A_157 : i32 to index
        %swap3A_391 = arith.constant 608 : index
        %swap3A_392 = tpu.vector_load %arg13[%swap3A_390, %swap3A_391] {strides = array<i32>} : memref<16x1000xf32, #tpu.memory_space<vmem>>, vector<16xf32>,
        tpu.vector_store %arg13[%swap3A_390, %swap3A_391], %get3A_389 {strides = array<i32>} : memref<16x1000xf32, #tpu.memory_space<vmem>>, vector<16xf32>,
        %get3A_393 = arith.index_cast %add3A_159 : i32 to index
        %get3A_394 = arith.constant 624 : index
        %get3A_395 = tpu.vector_load %arg12[%get3A_393, %get3A_394] {strides = array<i32>} : memref<32x1024xf32, #tpu.memory_space<vmem>>, vector<16xf32>,
        %swap3A_396 = arith.index_cast %scan3A_157 : i32 to index
        %swap3A_397 = arith.constant 624 : index
        %swap3A_398 = tpu.vector_load %arg13[%swap3A_396, %swap3A_397] {strides = array<i32>} : memref<16x1000xf32, #tpu.memory_space<vmem>>, vector<16xf32>,
        tpu.vector_store %arg13[%swap3A_396, %swap3A_397], %get3A_395 {strides = array<i32>} : memref<16x1000xf32, #tpu.memory_space<vmem>>, vector<16xf32>,
        %get3A_399 = arith.index_cast %add3A_159 : i32 to index
        %get3A_400 = arith.constant 640 : index
        %get3A_401 = tpu.vector_load %arg12[%get3A_399, %get3A_400] {strides = array<i32>} : memref<32x1024xf32, #tpu.memory_space<vmem>>, vector<16xf32>,
        %swap3A_402 = arith.index_cast %scan3A_157 : i32 to index
        %swap3A_403 = arith.constant 640 : index
        %swap3A_404 = tpu.vector_load %arg13[%swap3A_402, %swap3A_403] {strides = array<i32>} : memref<16x1000xf32, #tpu.memory_space<vmem>>, vector<16xf32>,
        tpu.vector_store %arg13[%swap3A_402, %swap3A_403], %get3A_401 {strides = array<i32>} : memref<16x1000xf32, #tpu.memory_space<vmem>>, vector<16xf32>,
        %get3A_405 = arith.index_cast %add3A_159 : i32 to index
        %get3A_406 = arith.constant 656 : index
        %get3A_407 = tpu.vector_load %arg12[%get3A_405, %get3A_406] {strides = array<i32>} : memref<32x1024xf32, #tpu.memory_space<vmem>>, vector<16xf32>,
        %swap3A_408 = arith.index_cast %scan3A_157 : i32 to index
        %swap3A_409 = arith.constant 656 : index
        %swap3A_410 = tpu.vector_load %arg13[%swap3A_408, %swap3A_409] {strides = array<i32>} : memref<16x1000xf32, #tpu.memory_space<vmem>>, vector<16xf32>,
        tpu.vector_store %arg13[%swap3A_408, %swap3A_409], %get3A_407 {strides = array<i32>} : memref<16x1000xf32, #tpu.memory_space<vmem>>, vector<16xf32>,
        %get3A_411 = arith.index_cast %add3A_159 : i32 to index
        %get3A_412 = arith.constant 672 : index
        %get3A_413 = tpu.vector_load %arg12[%get3A_411, %get3A_412] {strides = array<i32>} : memref<32x1024xf32, #tpu.memory_space<vmem>>, vector<16xf32>,
        %swap3A_414 = arith.index_cast %scan3A_157 : i32 to index
        %swap3A_415 = arith.constant 672 : index
        %swap3A_416 = tpu.vector_load %arg13[%swap3A_414, %swap3A_415] {strides = array<i32>} : memref<16x1000xf32, #tpu.memory_space<vmem>>, vector<16xf32>,
        tpu.vector_store %arg13[%swap3A_414, %swap3A_415], %get3A_413 {strides = array<i32>} : memref<16x1000xf32, #tpu.memory_space<vmem>>, vector<16xf32>,
        %get3A_417 = arith.index_cast %add3A_159 : i32 to index
        %get3A_418 = arith.constant 688 : index
        %get3A_419 = tpu.vector_load %arg12[%get3A_417, %get3A_418] {strides = array<i32>} : memref<32x1024xf32, #tpu.memory_space<vmem>>, vector<16xf32>,
        %swap3A_420 = arith.index_cast %scan3A_157 : i32 to index
        %swap3A_421 = arith.constant 688 : index
        %swap3A_422 = tpu.vector_load %arg13[%swap3A_420, %swap3A_421] {strides = array<i32>} : memref<16x1000xf32, #tpu.memory_space<vmem>>, vector<16xf32>,
        tpu.vector_store %arg13[%swap3A_420, %swap3A_421], %get3A_419 {strides = array<i32>} : memref<16x1000xf32, #tpu.memory_space<vmem>>, vector<16xf32>,
        %get3A_423 = arith.index_cast %add3A_159 : i32 to index
        %get3A_424 = arith.constant 704 : index
        %get3A_425 = tpu.vector_load %arg12[%get3A_423, %get3A_424] {strides = array<i32>} : memref<32x1024xf32, #tpu.memory_space<vmem>>, vector<16xf32>,
        %swap3A_426 = arith.index_cast %scan3A_157 : i32 to index
        %swap3A_427 = arith.constant 704 : index
        %swap3A_428 = tpu.vector_load %arg13[%swap3A_426, %swap3A_427] {strides = array<i32>} : memref<16x1000xf32, #tpu.memory_space<vmem>>, vector<16xf32>,
        tpu.vector_store %arg13[%swap3A_426, %swap3A_427], %get3A_425 {strides = array<i32>} : memref<16x1000xf32, #tpu.memory_space<vmem>>, vector<16xf32>,
        %get3A_429 = arith.index_cast %add3A_159 : i32 to index
        %get3A_430 = arith.constant 720 : index
        %get3A_431 = tpu.vector_load %arg12[%get3A_429, %get3A_430] {strides = array<i32>} : memref<32x1024xf32, #tpu.memory_space<vmem>>, vector<16xf32>,
        %swap3A_432 = arith.index_cast %scan3A_157 : i32 to index
        %swap3A_433 = arith.constant 720 : index
        %swap3A_434 = tpu.vector_load %arg13[%swap3A_432, %swap3A_433] {strides = array<i32>} : memref<16x1000xf32, #tpu.memory_space<vmem>>, vector<16xf32>,
        tpu.vector_store %arg13[%swap3A_432, %swap3A_433], %get3A_431 {strides = array<i32>} : memref<16x1000xf32, #tpu.memory_space<vmem>>, vector<16xf32>,
        %get3A_435 = arith.index_cast %add3A_159 : i32 to index
        %get3A_436 = arith.constant 736 : index
        %get3A_437 = tpu.vector_load %arg12[%get3A_435, %get3A_436] {strides = array<i32>} : memref<32x1024xf32, #tpu.memory_space<vmem>>, vector<16xf32>,
        %swap3A_438 = arith.index_cast %scan3A_157 : i32 to index
        %swap3A_439 = arith.constant 736 : index
        %swap3A_440 = tpu.vector_load %arg13[%swap3A_438, %swap3A_439] {strides = array<i32>} : memref<16x1000xf32, #tpu.memory_space<vmem>>, vector<16xf32>,
        tpu.vector_store %arg13[%swap3A_438, %swap3A_439], %get3A_437 {strides = array<i32>} : memref<16x1000xf32, #tpu.memory_space<vmem>>, vector<16xf32>,
        %get3A_441 = arith.index_cast %add3A_159 : i32 to index
        %get3A_442 = arith.constant 752 : index
        %get3A_443 = tpu.vector_load %arg12[%get3A_441, %get3A_442] {strides = array<i32>} : memref<32x1024xf32, #tpu.memory_space<vmem>>, vector<16xf32>,
        %swap3A_444 = arith.index_cast %scan3A_157 : i32 to index
        %swap3A_445 = arith.constant 752 : index
        %swap3A_446 = tpu.vector_load %arg13[%swap3A_444, %swap3A_445] {strides = array<i32>} : memref<16x1000xf32, #tpu.memory_space<vmem>>, vector<16xf32>,
        tpu.vector_store %arg13[%swap3A_444, %swap3A_445], %get3A_443 {strides = array<i32>} : memref<16x1000xf32, #tpu.memory_space<vmem>>, vector<16xf32>,
        %get3A_447 = arith.index_cast %add3A_159 : i32 to index
        %get3A_448 = arith.constant 768 : index
        %get3A_449 = tpu.vector_load %arg12[%get3A_447, %get3A_448] {strides = array<i32>} : memref<32x1024xf32, #tpu.memory_space<vmem>>, vector<16xf32>,
        %swap3A_450 = arith.index_cast %scan3A_157 : i32 to index
        %swap3A_451 = arith.constant 768 : index
        %swap3A_452 = tpu.vector_load %arg13[%swap3A_450, %swap3A_451] {strides = array<i32>} : memref<16x1000xf32, #tpu.memory_space<vmem>>, vector<16xf32>,
        tpu.vector_store %arg13[%swap3A_450, %swap3A_451], %get3A_449 {strides = array<i32>} : memref<16x1000xf32, #tpu.memory_space<vmem>>, vector<16xf32>,
        %get3A_453 = arith.index_cast %add3A_159 : i32 to index
        %get3A_454 = arith.constant 784 : index
        %get3A_455 = tpu.vector_load %arg12[%get3A_453, %get3A_454] {strides = array<i32>} : memref<32x1024xf32, #tpu.memory_space<vmem>>, vector<16xf32>,
        %swap3A_456 = arith.index_cast %scan3A_157 : i32 to index
        %swap3A_457 = arith.constant 784 : index
        %swap3A_458 = tpu.vector_load %arg13[%swap3A_456, %swap3A_457] {strides = array<i32>} : memref<16x1000xf32, #tpu.memory_space<vmem>>, vector<16xf32>,
        tpu.vector_store %arg13[%swap3A_456, %swap3A_457], %get3A_455 {strides = array<i32>} : memref<16x1000xf32, #tpu.memory_space<vmem>>, vector<16xf32>,
        %get3A_459 = arith.index_cast %add3A_159 : i32 to index
        %get3A_460 = arith.constant 800 : index
        %get3A_461 = tpu.vector_load %arg12[%get3A_459, %get3A_460] {strides = array<i32>} : memref<32x1024xf32, #tpu.memory_space<vmem>>, vector<16xf32>,
        %swap3A_462 = arith.index_cast %scan3A_157 : i32 to index
        %swap3A_463 = arith.constant 800 : index
        %swap3A_464 = tpu.vector_load %arg13[%swap3A_462, %swap3A_463] {strides = array<i32>} : memref<16x1000xf32, #tpu.memory_space<vmem>>, vector<16xf32>,
        tpu.vector_store %arg13[%swap3A_462, %swap3A_463], %get3A_461 {strides = array<i32>} : memref<16x1000xf32, #tpu.memory_space<vmem>>, vector<16xf32>,
        %get3A_465 = arith.index_cast %add3A_159 : i32 to index
        %get3A_466 = arith.constant 816 : index
        %get3A_467 = tpu.vector_load %arg12[%get3A_465, %get3A_466] {strides = array<i32>} : memref<32x1024xf32, #tpu.memory_space<vmem>>, vector<16xf32>,
        %swap3A_468 = arith.index_cast %scan3A_157 : i32 to index
        %swap3A_469 = arith.constant 816 : index
        %swap3A_470 = tpu.vector_load %arg13[%swap3A_468, %swap3A_469] {strides = array<i32>} : memref<16x1000xf32, #tpu.memory_space<vmem>>, vector<16xf32>,
        tpu.vector_store %arg13[%swap3A_468, %swap3A_469], %get3A_467 {strides = array<i32>} : memref<16x1000xf32, #tpu.memory_space<vmem>>, vector<16xf32>,
        %get3A_471 = arith.index_cast %add3A_159 : i32 to index
        %get3A_472 = arith.constant 832 : index
        %get3A_473 = tpu.vector_load %arg12[%get3A_471, %get3A_472] {strides = array<i32>} : memref<32x1024xf32, #tpu.memory_space<vmem>>, vector<16xf32>,
        %swap3A_474 = arith.index_cast %scan3A_157 : i32 to index
        %swap3A_475 = arith.constant 832 : index
        %swap3A_476 = tpu.vector_load %arg13[%swap3A_474, %swap3A_475] {strides = array<i32>} : memref<16x1000xf32, #tpu.memory_space<vmem>>, vector<16xf32>,
        tpu.vector_store %arg13[%swap3A_474, %swap3A_475], %get3A_473 {strides = array<i32>} : memref<16x1000xf32, #tpu.memory_space<vmem>>, vector<16xf32>,
        %get3A_477 = arith.index_cast %add3A_159 : i32 to index
        %get3A_478 = arith.constant 848 : index
        %get3A_479 = tpu.vector_load %arg12[%get3A_477, %get3A_478] {strides = array<i32>} : memref<32x1024xf32, #tpu.memory_space<vmem>>, vector<16xf32>,
        %swap3A_480 = arith.index_cast %scan3A_157 : i32 to index
        %swap3A_481 = arith.constant 848 : index
        %swap3A_482 = tpu.vector_load %arg13[%swap3A_480, %swap3A_481] {strides = array<i32>} : memref<16x1000xf32, #tpu.memory_space<vmem>>, vector<16xf32>,
        tpu.vector_store %arg13[%swap3A_480, %swap3A_481], %get3A_479 {strides = array<i32>} : memref<16x1000xf32, #tpu.memory_space<vmem>>, vector<16xf32>,
        %get3A_483 = arith.index_cast %add3A_159 : i32 to index
        %get3A_484 = arith.constant 864 : index
        %get3A_485 = tpu.vector_load %arg12[%get3A_483, %get3A_484] {strides = array<i32>} : memref<32x1024xf32, #tpu.memory_space<vmem>>, vector<16xf32>,
        %swap3A_486 = arith.index_cast %scan3A_157 : i32 to index
        %swap3A_487 = arith.constant 864 : index
        %swap3A_488 = tpu.vector_load %arg13[%swap3A_486, %swap3A_487] {strides = array<i32>} : memref<16x1000xf32, #tpu.memory_space<vmem>>, vector<16xf32>,
        tpu.vector_store %arg13[%swap3A_486, %swap3A_487], %get3A_485 {strides = array<i32>} : memref<16x1000xf32, #tpu.memory_space<vmem>>, vector<16xf32>,
        %get3A_489 = arith.index_cast %add3A_159 : i32 to index
        %get3A_490 = arith.constant 880 : index
        %get3A_491 = tpu.vector_load %arg12[%get3A_489, %get3A_490] {strides = array<i32>} : memref<32x1024xf32, #tpu.memory_space<vmem>>, vector<16xf32>,
        %swap3A_492 = arith.index_cast %scan3A_157 : i32 to index
        %swap3A_493 = arith.constant 880 : index
        %swap3A_494 = tpu.vector_load %arg13[%swap3A_492, %swap3A_493] {strides = array<i32>} : memref<16x1000xf32, #tpu.memory_space<vmem>>, vector<16xf32>,
        tpu.vector_store %arg13[%swap3A_492, %swap3A_493], %get3A_491 {strides = array<i32>} : memref<16x1000xf32, #tpu.memory_space<vmem>>, vector<16xf32>,
        %get3A_495 = arith.index_cast %add3A_159 : i32 to index
        %get3A_496 = arith.constant 896 : index
        %get3A_497 = tpu.vector_load %arg12[%get3A_495, %get3A_496] {strides = array<i32>} : memref<32x1024xf32, #tpu.memory_space<vmem>>, vector<16xf32>,
        %swap3A_498 = arith.index_cast %scan3A_157 : i32 to index
        %swap3A_499 = arith.constant 896 : index
        %swap3A_500 = tpu.vector_load %arg13[%swap3A_498, %swap3A_499] {strides = array<i32>} : memref<16x1000xf32, #tpu.memory_space<vmem>>, vector<16xf32>,
        tpu.vector_store %arg13[%swap3A_498, %swap3A_499], %get3A_497 {strides = array<i32>} : memref<16x1000xf32, #tpu.memory_space<vmem>>, vector<16xf32>,
        %get3A_501 = arith.index_cast %add3A_159 : i32 to index
        %get3A_502 = arith.constant 912 : index
        %get3A_503 = tpu.vector_load %arg12[%get3A_501, %get3A_502] {strides = array<i32>} : memref<32x1024xf32, #tpu.memory_space<vmem>>, vector<16xf32>,
        %swap3A_504 = arith.index_cast %scan3A_157 : i32 to index
        %swap3A_505 = arith.constant 912 : index
        %swap3A_506 = tpu.vector_load %arg13[%swap3A_504, %swap3A_505] {strides = array<i32>} : memref<16x1000xf32, #tpu.memory_space<vmem>>, vector<16xf32>,
        tpu.vector_store %arg13[%swap3A_504, %swap3A_505], %get3A_503 {strides = array<i32>} : memref<16x1000xf32, #tpu.memory_space<vmem>>, vector<16xf32>,
        %get3A_507 = arith.index_cast %add3A_159 : i32 to index
        %get3A_508 = arith.constant 928 : index
        %get3A_509 = tpu.vector_load %arg12[%get3A_507, %get3A_508] {strides = array<i32>} : memref<32x1024xf32, #tpu.memory_space<vmem>>, vector<16xf32>,
        %swap3A_510 = arith.index_cast %scan3A_157 : i32 to index
        %swap3A_511 = arith.constant 928 : index
        %swap3A_512 = tpu.vector_load %arg13[%swap3A_510, %swap3A_511] {strides = array<i32>} : memref<16x1000xf32, #tpu.memory_space<vmem>>, vector<16xf32>,
        tpu.vector_store %arg13[%swap3A_510, %swap3A_511], %get3A_509 {strides = array<i32>} : memref<16x1000xf32, #tpu.memory_space<vmem>>, vector<16xf32>,
        %get3A_513 = arith.index_cast %add3A_159 : i32 to index
        %get3A_514 = arith.constant 944 : index
        %get3A_515 = tpu.vector_load %arg12[%get3A_513, %get3A_514] {strides = array<i32>} : memref<32x1024xf32, #tpu.memory_space<vmem>>, vector<16xf32>,
        %swap3A_516 = arith.index_cast %scan3A_157 : i32 to index
        %swap3A_517 = arith.constant 944 : index
        %swap3A_518 = tpu.vector_load %arg13[%swap3A_516, %swap3A_517] {strides = array<i32>} : memref<16x1000xf32, #tpu.memory_space<vmem>>, vector<16xf32>,
        tpu.vector_store %arg13[%swap3A_516, %swap3A_517], %get3A_515 {strides = array<i32>} : memref<16x1000xf32, #tpu.memory_space<vmem>>, vector<16xf32>,
        %get3A_519 = arith.index_cast %add3A_159 : i32 to index
        %get3A_520 = arith.constant 960 : index
        %get3A_521 = tpu.vector_load %arg12[%get3A_519, %get3A_520] {strides = array<i32>} : memref<32x1024xf32, #tpu.memory_space<vmem>>, vector<16xf32>,
        %swap3A_522 = arith.index_cast %scan3A_157 : i32 to index
        %swap3A_523 = arith.constant 960 : index
        %swap3A_524 = tpu.vector_load %arg13[%swap3A_522, %swap3A_523] {strides = array<i32>} : memref<16x1000xf32, #tpu.memory_space<vmem>>, vector<16xf32>,
        tpu.vector_store %arg13[%swap3A_522, %swap3A_523], %get3A_521 {strides = array<i32>} : memref<16x1000xf32, #tpu.memory_space<vmem>>, vector<16xf32>,
        %get3A_525 = arith.index_cast %add3A_159 : i32 to index
        %get3A_526 = arith.constant 976 : index
        %get3A_527 = tpu.vector_load %arg12[%get3A_525, %get3A_526] {strides = array<i32>} : memref<32x1024xf32, #tpu.memory_space<vmem>>, vector<16xf32>,
        %swap3A_528 = arith.index_cast %scan3A_157 : i32 to index
        %swap3A_529 = arith.constant 976 : index
        %swap3A_530 = tpu.vector_load %arg13[%swap3A_528, %swap3A_529] {strides = array<i32>} : memref<16x1000xf32, #tpu.memory_space<vmem>>, vector<16xf32>,
        tpu.vector_store %arg13[%swap3A_528, %swap3A_529], %get3A_527 {strides = array<i32>} : memref<16x1000xf32, #tpu.memory_space<vmem>>, vector<16xf32>,
        %broadcast_in_dim3A_531 = vector.broadcast %add3A_159 : i32 to vector<16xi32>
        %broadcast_in_dim3A_532 = vector.broadcast %scan3A_157 : i32 to vector<16xi32>
        %add3A_533 = arith.constant 992 : i32
        %add3A_534 = vector.broadcast %add3A_533 : i32 to vector<16xi32>
        %add3A_535 = arith.addi %add3A_534, %iota3A : vector<16xi32>
        %lt3A_536 = arith.constant 8 : i32
        %lt3A_537 = vector.broadcast %lt3A_536 : i32 to vector<16xi32>
        %lt3A_538 = arith.cmpi slt, %iota3A, %lt3A_537 : vector<16xi32>
        %gather3A = tpu.vector_load_idx %arg12[%broadcast_in_dim3A_531, %add3A_535] masked %lt3A_538 : memref<32x1024xf32, #tpu.memory_space<vmem>>[vector<16xi32>, vector<16xi32>], vector<16xf32>, vector<16xi1>
        tpu.vector_store_idx %arg13[%broadcast_in_dim3A_532, %add3A_535], %gather3A masked %lt3A_538 : memref<16x1000xf32, #tpu.memory_space<vmem>>[vector<16xi32>, vector<16xi32>], vector<16xf32>, vector<16xi1>
      }
      %scan3A_127 = arith.constant 16 : i32
      %mul3A_128 = arith.constant 32 : i32
      %mul3A_129 = arith.muli %add3A_95, %mul3A_128 : i32
      %add3A_130 = arith.addi %mul3A_2, %mul3A_129 : i32
      %add3A_131 = arith.constant 0 : i32
      %add3A_132 = arith.addi %add3A_130, %add3A_131 : i32
      %dma_start3A_133 = arith.constant 0 : i32
      %dma_start3A_134 = tpu.memref_slice %arg6[%add3A_132, %dma_start3A_133] : memref<51200x1000xf32, #tpu.memory_space<hbm>> -> memref<16x1000xf32, #tpu.memory_space<hbm>>
      %dma_start3A_135 = arith.constant 0 : i32
      %dma_start3A_136 = tpu.memref_slice %arg6[%add3A_132, %dma_start3A_135] : memref<51200x1000xf32, #tpu.memory_space<hbm>> -> memref<16x1000xf32, #tpu.memory_space<hbm>>
      tpu.enqueue_dma source(%arg13 : memref<16x1000xf32, #tpu.memory_space<vmem>>) target(%dma_start3A_136 : memref<16x1000xf32, #tpu.memory_space<hbm>>) target_semaphore(%arg18 : memref<!tpu.dma_semaphore, #tpu.memory_space<semaphore_mem>>)
      %gt3A_137 = arith.constant 0 : i32
      %gt3A_138 = arith.cmpi sgt, %add3A_95, %gt3A_137 : i32
      %convert_element_type3A_139 = arith.extui %gt3A_138 : i1 to i32
      %cond3A_140 = arith.constant 0 : i32
      %cond3A_141 = arith.cmpi ne, %convert_element_type3A_139, %cond3A_140 : i32
      scf.if %cond3A_141 {
        %sub3A = arith.constant 1 : i32
        %sub3A_157 = arith.subi %add3A_95, %sub3A : i32
        %mul3A_158 = arith.constant 32 : i32
        %mul3A_159 = arith.muli %sub3A_157, %mul3A_158 : i32
        %add3A_160 = arith.addi %mul3A_2, %mul3A_159 : i32
        %add3A_161 = arith.constant 16 : i32
        %add3A_162 = arith.addi %add3A_160, %add3A_161 : i32
        %dma_wait3A_163 = arith.constant 0 : i32
        %dma_wait3A_164 = tpu.memref_slice %arg6[%add3A_162, %dma_wait3A_163] : memref<51200x1000xf32, #tpu.memory_space<hbm>> -> memref<16x1000xf32, #tpu.memory_space<hbm>>
        %dma_wait3A_165 = arith.constant 0 : i32
        %dma_wait3A_166 = tpu.memref_slice %arg6[%add3A_162, %dma_wait3A_165] : memref<51200x1000xf32, #tpu.memory_space<hbm>> -> memref<16x1000xf32, #tpu.memory_space<hbm>>
        tpu.wait_dma2 semaphore(%arg19 : memref<!tpu.dma_semaphore, #tpu.memory_space<semaphore_mem>>) src(%arg14 : memref<16x1000xf32, #tpu.memory_space<vmem>>) dst(%dma_wait3A_166 : memref<16x1000xf32, #tpu.memory_space<hbm>>)
      } else {
      }
      %scan3A_142 = arith.constant 0 : i32
      %scan3A_143 = arith.constant 0 : i32
      %scan3A_144 = arith.constant 16 : i32
      %scan3A_145 = arith.addi %scan3A_143, %scan3A_144 : i32
      %scan3A_146 = arith.constant 1 : i32
      scf.for %scan3A_157 = %scan3A_143 to %scan3A_145 step %scan3A_146  : i32 {
        %add3A_158 = arith.constant 16 : i32
        %add3A_159 = arith.addi %add3A_158, %scan3A_157 : i32
        %get3A = arith.index_cast %add3A_159 : i32 to index
        %get3A_160 = arith.constant 0 : index
        %get3A_161 = tpu.vector_load %arg12[%get3A, %get3A_160] {strides = array<i32>} : memref<32x1024xf32, #tpu.memory_space<vmem>>, vector<16xf32>,
        %swap3A_162 = arith.index_cast %scan3A_157 : i32 to index
        %swap3A_163 = arith.constant 0 : index
        %swap3A_164 = tpu.vector_load %arg14[%swap3A_162, %swap3A_163] {strides = array<i32>} : memref<16x1000xf32, #tpu.memory_space<vmem>>, vector<16xf32>,
        tpu.vector_store %arg14[%swap3A_162, %swap3A_163], %get3A_161 {strides = array<i32>} : memref<16x1000xf32, #tpu.memory_space<vmem>>, vector<16xf32>,
        %get3A_165 = arith.index_cast %add3A_159 : i32 to index
        %get3A_166 = arith.constant 16 : index
        %get3A_167 = tpu.vector_load %arg12[%get3A_165, %get3A_166] {strides = array<i32>} : memref<32x1024xf32, #tpu.memory_space<vmem>>, vector<16xf32>,
        %swap3A_168 = arith.index_cast %scan3A_157 : i32 to index
        %swap3A_169 = arith.constant 16 : index
        %swap3A_170 = tpu.vector_load %arg14[%swap3A_168, %swap3A_169] {strides = array<i32>} : memref<16x1000xf32, #tpu.memory_space<vmem>>, vector<16xf32>,
        tpu.vector_store %arg14[%swap3A_168, %swap3A_169], %get3A_167 {strides = array<i32>} : memref<16x1000xf32, #tpu.memory_space<vmem>>, vector<16xf32>,
        %get3A_171 = arith.index_cast %add3A_159 : i32 to index
        %get3A_172 = arith.constant 32 : index
        %get3A_173 = tpu.vector_load %arg12[%get3A_171, %get3A_172] {strides = array<i32>} : memref<32x1024xf32, #tpu.memory_space<vmem>>, vector<16xf32>,
        %swap3A_174 = arith.index_cast %scan3A_157 : i32 to index
        %swap3A_175 = arith.constant 32 : index
        %swap3A_176 = tpu.vector_load %arg14[%swap3A_174, %swap3A_175] {strides = array<i32>} : memref<16x1000xf32, #tpu.memory_space<vmem>>, vector<16xf32>,
        tpu.vector_store %arg14[%swap3A_174, %swap3A_175], %get3A_173 {strides = array<i32>} : memref<16x1000xf32, #tpu.memory_space<vmem>>, vector<16xf32>,
        %get3A_177 = arith.index_cast %add3A_159 : i32 to index
        %get3A_178 = arith.constant 48 : index
        %get3A_179 = tpu.vector_load %arg12[%get3A_177, %get3A_178] {strides = array<i32>} : memref<32x1024xf32, #tpu.memory_space<vmem>>, vector<16xf32>,
        %swap3A_180 = arith.index_cast %scan3A_157 : i32 to index
        %swap3A_181 = arith.constant 48 : index
        %swap3A_182 = tpu.vector_load %arg14[%swap3A_180, %swap3A_181] {strides = array<i32>} : memref<16x1000xf32, #tpu.memory_space<vmem>>, vector<16xf32>,
        tpu.vector_store %arg14[%swap3A_180, %swap3A_181], %get3A_179 {strides = array<i32>} : memref<16x1000xf32, #tpu.memory_space<vmem>>, vector<16xf32>,
        %get3A_183 = arith.index_cast %add3A_159 : i32 to index
        %get3A_184 = arith.constant 64 : index
        %get3A_185 = tpu.vector_load %arg12[%get3A_183, %get3A_184] {strides = array<i32>} : memref<32x1024xf32, #tpu.memory_space<vmem>>, vector<16xf32>,
        %swap3A_186 = arith.index_cast %scan3A_157 : i32 to index
        %swap3A_187 = arith.constant 64 : index
        %swap3A_188 = tpu.vector_load %arg14[%swap3A_186, %swap3A_187] {strides = array<i32>} : memref<16x1000xf32, #tpu.memory_space<vmem>>, vector<16xf32>,
        tpu.vector_store %arg14[%swap3A_186, %swap3A_187], %get3A_185 {strides = array<i32>} : memref<16x1000xf32, #tpu.memory_space<vmem>>, vector<16xf32>,
        %get3A_189 = arith.index_cast %add3A_159 : i32 to index
        %get3A_190 = arith.constant 80 : index
        %get3A_191 = tpu.vector_load %arg12[%get3A_189, %get3A_190] {strides = array<i32>} : memref<32x1024xf32, #tpu.memory_space<vmem>>, vector<16xf32>,
        %swap3A_192 = arith.index_cast %scan3A_157 : i32 to index
        %swap3A_193 = arith.constant 80 : index
        %swap3A_194 = tpu.vector_load %arg14[%swap3A_192, %swap3A_193] {strides = array<i32>} : memref<16x1000xf32, #tpu.memory_space<vmem>>, vector<16xf32>,
        tpu.vector_store %arg14[%swap3A_192, %swap3A_193], %get3A_191 {strides = array<i32>} : memref<16x1000xf32, #tpu.memory_space<vmem>>, vector<16xf32>,
        %get3A_195 = arith.index_cast %add3A_159 : i32 to index
        %get3A_196 = arith.constant 96 : index
        %get3A_197 = tpu.vector_load %arg12[%get3A_195, %get3A_196] {strides = array<i32>} : memref<32x1024xf32, #tpu.memory_space<vmem>>, vector<16xf32>,
        %swap3A_198 = arith.index_cast %scan3A_157 : i32 to index
        %swap3A_199 = arith.constant 96 : index
        %swap3A_200 = tpu.vector_load %arg14[%swap3A_198, %swap3A_199] {strides = array<i32>} : memref<16x1000xf32, #tpu.memory_space<vmem>>, vector<16xf32>,
        tpu.vector_store %arg14[%swap3A_198, %swap3A_199], %get3A_197 {strides = array<i32>} : memref<16x1000xf32, #tpu.memory_space<vmem>>, vector<16xf32>,
        %get3A_201 = arith.index_cast %add3A_159 : i32 to index
        %get3A_202 = arith.constant 112 : index
        %get3A_203 = tpu.vector_load %arg12[%get3A_201, %get3A_202] {strides = array<i32>} : memref<32x1024xf32, #tpu.memory_space<vmem>>, vector<16xf32>,
        %swap3A_204 = arith.index_cast %scan3A_157 : i32 to index
        %swap3A_205 = arith.constant 112 : index
        %swap3A_206 = tpu.vector_load %arg14[%swap3A_204, %swap3A_205] {strides = array<i32>} : memref<16x1000xf32, #tpu.memory_space<vmem>>, vector<16xf32>,
        tpu.vector_store %arg14[%swap3A_204, %swap3A_205], %get3A_203 {strides = array<i32>} : memref<16x1000xf32, #tpu.memory_space<vmem>>, vector<16xf32>,
        %get3A_207 = arith.index_cast %add3A_159 : i32 to index
        %get3A_208 = arith.constant 128 : index
        %get3A_209 = tpu.vector_load %arg12[%get3A_207, %get3A_208] {strides = array<i32>} : memref<32x1024xf32, #tpu.memory_space<vmem>>, vector<16xf32>,
        %swap3A_210 = arith.index_cast %scan3A_157 : i32 to index
        %swap3A_211 = arith.constant 128 : index
        %swap3A_212 = tpu.vector_load %arg14[%swap3A_210, %swap3A_211] {strides = array<i32>} : memref<16x1000xf32, #tpu.memory_space<vmem>>, vector<16xf32>,
        tpu.vector_store %arg14[%swap3A_210, %swap3A_211], %get3A_209 {strides = array<i32>} : memref<16x1000xf32, #tpu.memory_space<vmem>>, vector<16xf32>,
        %get3A_213 = arith.index_cast %add3A_159 : i32 to index
        %get3A_214 = arith.constant 144 : index
        %get3A_215 = tpu.vector_load %arg12[%get3A_213, %get3A_214] {strides = array<i32>} : memref<32x1024xf32, #tpu.memory_space<vmem>>, vector<16xf32>,
        %swap3A_216 = arith.index_cast %scan3A_157 : i32 to index
        %swap3A_217 = arith.constant 144 : index
        %swap3A_218 = tpu.vector_load %arg14[%swap3A_216, %swap3A_217] {strides = array<i32>} : memref<16x1000xf32, #tpu.memory_space<vmem>>, vector<16xf32>,
        tpu.vector_store %arg14[%swap3A_216, %swap3A_217], %get3A_215 {strides = array<i32>} : memref<16x1000xf32, #tpu.memory_space<vmem>>, vector<16xf32>,
        %get3A_219 = arith.index_cast %add3A_159 : i32 to index
        %get3A_220 = arith.constant 160 : index
        %get3A_221 = tpu.vector_load %arg12[%get3A_219, %get3A_220] {strides = array<i32>} : memref<32x1024xf32, #tpu.memory_space<vmem>>, vector<16xf32>,
        %swap3A_222 = arith.index_cast %scan3A_157 : i32 to index
        %swap3A_223 = arith.constant 160 : index
        %swap3A_224 = tpu.vector_load %arg14[%swap3A_222, %swap3A_223] {strides = array<i32>} : memref<16x1000xf32, #tpu.memory_space<vmem>>, vector<16xf32>,
        tpu.vector_store %arg14[%swap3A_222, %swap3A_223], %get3A_221 {strides = array<i32>} : memref<16x1000xf32, #tpu.memory_space<vmem>>, vector<16xf32>,
        %get3A_225 = arith.index_cast %add3A_159 : i32 to index
        %get3A_226 = arith.constant 176 : index
        %get3A_227 = tpu.vector_load %arg12[%get3A_225, %get3A_226] {strides = array<i32>} : memref<32x1024xf32, #tpu.memory_space<vmem>>, vector<16xf32>,
        %swap3A_228 = arith.index_cast %scan3A_157 : i32 to index
        %swap3A_229 = arith.constant 176 : index
        %swap3A_230 = tpu.vector_load %arg14[%swap3A_228, %swap3A_229] {strides = array<i32>} : memref<16x1000xf32, #tpu.memory_space<vmem>>, vector<16xf32>,
        tpu.vector_store %arg14[%swap3A_228, %swap3A_229], %get3A_227 {strides = array<i32>} : memref<16x1000xf32, #tpu.memory_space<vmem>>, vector<16xf32>,
        %get3A_231 = arith.index_cast %add3A_159 : i32 to index
        %get3A_232 = arith.constant 192 : index
        %get3A_233 = tpu.vector_load %arg12[%get3A_231, %get3A_232] {strides = array<i32>} : memref<32x1024xf32, #tpu.memory_space<vmem>>, vector<16xf32>,
        %swap3A_234 = arith.index_cast %scan3A_157 : i32 to index
        %swap3A_235 = arith.constant 192 : index
        %swap3A_236 = tpu.vector_load %arg14[%swap3A_234, %swap3A_235] {strides = array<i32>} : memref<16x1000xf32, #tpu.memory_space<vmem>>, vector<16xf32>,
        tpu.vector_store %arg14[%swap3A_234, %swap3A_235], %get3A_233 {strides = array<i32>} : memref<16x1000xf32, #tpu.memory_space<vmem>>, vector<16xf32>,
        %get3A_237 = arith.index_cast %add3A_159 : i32 to index
        %get3A_238 = arith.constant 208 : index
        %get3A_239 = tpu.vector_load %arg12[%get3A_237, %get3A_238] {strides = array<i32>} : memref<32x1024xf32, #tpu.memory_space<vmem>>, vector<16xf32>,
        %swap3A_240 = arith.index_cast %scan3A_157 : i32 to index
        %swap3A_241 = arith.constant 208 : index
        %swap3A_242 = tpu.vector_load %arg14[%swap3A_240, %swap3A_241] {strides = array<i32>} : memref<16x1000xf32, #tpu.memory_space<vmem>>, vector<16xf32>,
        tpu.vector_store %arg14[%swap3A_240, %swap3A_241], %get3A_239 {strides = array<i32>} : memref<16x1000xf32, #tpu.memory_space<vmem>>, vector<16xf32>,
        %get3A_243 = arith.index_cast %add3A_159 : i32 to index
        %get3A_244 = arith.constant 224 : index
        %get3A_245 = tpu.vector_load %arg12[%get3A_243, %get3A_244] {strides = array<i32>} : memref<32x1024xf32, #tpu.memory_space<vmem>>, vector<16xf32>,
        %swap3A_246 = arith.index_cast %scan3A_157 : i32 to index
        %swap3A_247 = arith.constant 224 : index
        %swap3A_248 = tpu.vector_load %arg14[%swap3A_246, %swap3A_247] {strides = array<i32>} : memref<16x1000xf32, #tpu.memory_space<vmem>>, vector<16xf32>,
        tpu.vector_store %arg14[%swap3A_246, %swap3A_247], %get3A_245 {strides = array<i32>} : memref<16x1000xf32, #tpu.memory_space<vmem>>, vector<16xf32>,
        %get3A_249 = arith.index_cast %add3A_159 : i32 to index
        %get3A_250 = arith.constant 240 : index
        %get3A_251 = tpu.vector_load %arg12[%get3A_249, %get3A_250] {strides = array<i32>} : memref<32x1024xf32, #tpu.memory_space<vmem>>, vector<16xf32>,
        %swap3A_252 = arith.index_cast %scan3A_157 : i32 to index
        %swap3A_253 = arith.constant 240 : index
        %swap3A_254 = tpu.vector_load %arg14[%swap3A_252, %swap3A_253] {strides = array<i32>} : memref<16x1000xf32, #tpu.memory_space<vmem>>, vector<16xf32>,
        tpu.vector_store %arg14[%swap3A_252, %swap3A_253], %get3A_251 {strides = array<i32>} : memref<16x1000xf32, #tpu.memory_space<vmem>>, vector<16xf32>,
        %get3A_255 = arith.index_cast %add3A_159 : i32 to index
        %get3A_256 = arith.constant 256 : index
        %get3A_257 = tpu.vector_load %arg12[%get3A_255, %get3A_256] {strides = array<i32>} : memref<32x1024xf32, #tpu.memory_space<vmem>>, vector<16xf32>,
        %swap3A_258 = arith.index_cast %scan3A_157 : i32 to index
        %swap3A_259 = arith.constant 256 : index
        %swap3A_260 = tpu.vector_load %arg14[%swap3A_258, %swap3A_259] {strides = array<i32>} : memref<16x1000xf32, #tpu.memory_space<vmem>>, vector<16xf32>,
        tpu.vector_store %arg14[%swap3A_258, %swap3A_259], %get3A_257 {strides = array<i32>} : memref<16x1000xf32, #tpu.memory_space<vmem>>, vector<16xf32>,
        %get3A_261 = arith.index_cast %add3A_159 : i32 to index
        %get3A_262 = arith.constant 272 : index
        %get3A_263 = tpu.vector_load %arg12[%get3A_261, %get3A_262] {strides = array<i32>} : memref<32x1024xf32, #tpu.memory_space<vmem>>, vector<16xf32>,
        %swap3A_264 = arith.index_cast %scan3A_157 : i32 to index
        %swap3A_265 = arith.constant 272 : index
        %swap3A_266 = tpu.vector_load %arg14[%swap3A_264, %swap3A_265] {strides = array<i32>} : memref<16x1000xf32, #tpu.memory_space<vmem>>, vector<16xf32>,
        tpu.vector_store %arg14[%swap3A_264, %swap3A_265], %get3A_263 {strides = array<i32>} : memref<16x1000xf32, #tpu.memory_space<vmem>>, vector<16xf32>,
        %get3A_267 = arith.index_cast %add3A_159 : i32 to index
        %get3A_268 = arith.constant 288 : index
        %get3A_269 = tpu.vector_load %arg12[%get3A_267, %get3A_268] {strides = array<i32>} : memref<32x1024xf32, #tpu.memory_space<vmem>>, vector<16xf32>,
        %swap3A_270 = arith.index_cast %scan3A_157 : i32 to index
        %swap3A_271 = arith.constant 288 : index
        %swap3A_272 = tpu.vector_load %arg14[%swap3A_270, %swap3A_271] {strides = array<i32>} : memref<16x1000xf32, #tpu.memory_space<vmem>>, vector<16xf32>,
        tpu.vector_store %arg14[%swap3A_270, %swap3A_271], %get3A_269 {strides = array<i32>} : memref<16x1000xf32, #tpu.memory_space<vmem>>, vector<16xf32>,
        %get3A_273 = arith.index_cast %add3A_159 : i32 to index
        %get3A_274 = arith.constant 304 : index
        %get3A_275 = tpu.vector_load %arg12[%get3A_273, %get3A_274] {strides = array<i32>} : memref<32x1024xf32, #tpu.memory_space<vmem>>, vector<16xf32>,
        %swap3A_276 = arith.index_cast %scan3A_157 : i32 to index
        %swap3A_277 = arith.constant 304 : index
        %swap3A_278 = tpu.vector_load %arg14[%swap3A_276, %swap3A_277] {strides = array<i32>} : memref<16x1000xf32, #tpu.memory_space<vmem>>, vector<16xf32>,
        tpu.vector_store %arg14[%swap3A_276, %swap3A_277], %get3A_275 {strides = array<i32>} : memref<16x1000xf32, #tpu.memory_space<vmem>>, vector<16xf32>,
        %get3A_279 = arith.index_cast %add3A_159 : i32 to index
        %get3A_280 = arith.constant 320 : index
        %get3A_281 = tpu.vector_load %arg12[%get3A_279, %get3A_280] {strides = array<i32>} : memref<32x1024xf32, #tpu.memory_space<vmem>>, vector<16xf32>,
        %swap3A_282 = arith.index_cast %scan3A_157 : i32 to index
        %swap3A_283 = arith.constant 320 : index
        %swap3A_284 = tpu.vector_load %arg14[%swap3A_282, %swap3A_283] {strides = array<i32>} : memref<16x1000xf32, #tpu.memory_space<vmem>>, vector<16xf32>,
        tpu.vector_store %arg14[%swap3A_282, %swap3A_283], %get3A_281 {strides = array<i32>} : memref<16x1000xf32, #tpu.memory_space<vmem>>, vector<16xf32>,
        %get3A_285 = arith.index_cast %add3A_159 : i32 to index
        %get3A_286 = arith.constant 336 : index
        %get3A_287 = tpu.vector_load %arg12[%get3A_285, %get3A_286] {strides = array<i32>} : memref<32x1024xf32, #tpu.memory_space<vmem>>, vector<16xf32>,
        %swap3A_288 = arith.index_cast %scan3A_157 : i32 to index
        %swap3A_289 = arith.constant 336 : index
        %swap3A_290 = tpu.vector_load %arg14[%swap3A_288, %swap3A_289] {strides = array<i32>} : memref<16x1000xf32, #tpu.memory_space<vmem>>, vector<16xf32>,
        tpu.vector_store %arg14[%swap3A_288, %swap3A_289], %get3A_287 {strides = array<i32>} : memref<16x1000xf32, #tpu.memory_space<vmem>>, vector<16xf32>,
        %get3A_291 = arith.index_cast %add3A_159 : i32 to index
        %get3A_292 = arith.constant 352 : index
        %get3A_293 = tpu.vector_load %arg12[%get3A_291, %get3A_292] {strides = array<i32>} : memref<32x1024xf32, #tpu.memory_space<vmem>>, vector<16xf32>,
        %swap3A_294 = arith.index_cast %scan3A_157 : i32 to index
        %swap3A_295 = arith.constant 352 : index
        %swap3A_296 = tpu.vector_load %arg14[%swap3A_294, %swap3A_295] {strides = array<i32>} : memref<16x1000xf32, #tpu.memory_space<vmem>>, vector<16xf32>,
        tpu.vector_store %arg14[%swap3A_294, %swap3A_295], %get3A_293 {strides = array<i32>} : memref<16x1000xf32, #tpu.memory_space<vmem>>, vector<16xf32>,
        %get3A_297 = arith.index_cast %add3A_159 : i32 to index
        %get3A_298 = arith.constant 368 : index
        %get3A_299 = tpu.vector_load %arg12[%get3A_297, %get3A_298] {strides = array<i32>} : memref<32x1024xf32, #tpu.memory_space<vmem>>, vector<16xf32>,
        %swap3A_300 = arith.index_cast %scan3A_157 : i32 to index
        %swap3A_301 = arith.constant 368 : index
        %swap3A_302 = tpu.vector_load %arg14[%swap3A_300, %swap3A_301] {strides = array<i32>} : memref<16x1000xf32, #tpu.memory_space<vmem>>, vector<16xf32>,
        tpu.vector_store %arg14[%swap3A_300, %swap3A_301], %get3A_299 {strides = array<i32>} : memref<16x1000xf32, #tpu.memory_space<vmem>>, vector<16xf32>,
        %get3A_303 = arith.index_cast %add3A_159 : i32 to index
        %get3A_304 = arith.constant 384 : index
        %get3A_305 = tpu.vector_load %arg12[%get3A_303, %get3A_304] {strides = array<i32>} : memref<32x1024xf32, #tpu.memory_space<vmem>>, vector<16xf32>,
        %swap3A_306 = arith.index_cast %scan3A_157 : i32 to index
        %swap3A_307 = arith.constant 384 : index
        %swap3A_308 = tpu.vector_load %arg14[%swap3A_306, %swap3A_307] {strides = array<i32>} : memref<16x1000xf32, #tpu.memory_space<vmem>>, vector<16xf32>,
        tpu.vector_store %arg14[%swap3A_306, %swap3A_307], %get3A_305 {strides = array<i32>} : memref<16x1000xf32, #tpu.memory_space<vmem>>, vector<16xf32>,
        %get3A_309 = arith.index_cast %add3A_159 : i32 to index
        %get3A_310 = arith.constant 400 : index
        %get3A_311 = tpu.vector_load %arg12[%get3A_309, %get3A_310] {strides = array<i32>} : memref<32x1024xf32, #tpu.memory_space<vmem>>, vector<16xf32>,
        %swap3A_312 = arith.index_cast %scan3A_157 : i32 to index
        %swap3A_313 = arith.constant 400 : index
        %swap3A_314 = tpu.vector_load %arg14[%swap3A_312, %swap3A_313] {strides = array<i32>} : memref<16x1000xf32, #tpu.memory_space<vmem>>, vector<16xf32>,
        tpu.vector_store %arg14[%swap3A_312, %swap3A_313], %get3A_311 {strides = array<i32>} : memref<16x1000xf32, #tpu.memory_space<vmem>>, vector<16xf32>,
        %get3A_315 = arith.index_cast %add3A_159 : i32 to index
        %get3A_316 = arith.constant 416 : index
        %get3A_317 = tpu.vector_load %arg12[%get3A_315, %get3A_316] {strides = array<i32>} : memref<32x1024xf32, #tpu.memory_space<vmem>>, vector<16xf32>,
        %swap3A_318 = arith.index_cast %scan3A_157 : i32 to index
        %swap3A_319 = arith.constant 416 : index
        %swap3A_320 = tpu.vector_load %arg14[%swap3A_318, %swap3A_319] {strides = array<i32>} : memref<16x1000xf32, #tpu.memory_space<vmem>>, vector<16xf32>,
        tpu.vector_store %arg14[%swap3A_318, %swap3A_319], %get3A_317 {strides = array<i32>} : memref<16x1000xf32, #tpu.memory_space<vmem>>, vector<16xf32>,
        %get3A_321 = arith.index_cast %add3A_159 : i32 to index
        %get3A_322 = arith.constant 432 : index
        %get3A_323 = tpu.vector_load %arg12[%get3A_321, %get3A_322] {strides = array<i32>} : memref<32x1024xf32, #tpu.memory_space<vmem>>, vector<16xf32>,
        %swap3A_324 = arith.index_cast %scan3A_157 : i32 to index
        %swap3A_325 = arith.constant 432 : index
        %swap3A_326 = tpu.vector_load %arg14[%swap3A_324, %swap3A_325] {strides = array<i32>} : memref<16x1000xf32, #tpu.memory_space<vmem>>, vector<16xf32>,
        tpu.vector_store %arg14[%swap3A_324, %swap3A_325], %get3A_323 {strides = array<i32>} : memref<16x1000xf32, #tpu.memory_space<vmem>>, vector<16xf32>,
        %get3A_327 = arith.index_cast %add3A_159 : i32 to index
        %get3A_328 = arith.constant 448 : index
        %get3A_329 = tpu.vector_load %arg12[%get3A_327, %get3A_328] {strides = array<i32>} : memref<32x1024xf32, #tpu.memory_space<vmem>>, vector<16xf32>,
        %swap3A_330 = arith.index_cast %scan3A_157 : i32 to index
        %swap3A_331 = arith.constant 448 : index
        %swap3A_332 = tpu.vector_load %arg14[%swap3A_330, %swap3A_331] {strides = array<i32>} : memref<16x1000xf32, #tpu.memory_space<vmem>>, vector<16xf32>,
        tpu.vector_store %arg14[%swap3A_330, %swap3A_331], %get3A_329 {strides = array<i32>} : memref<16x1000xf32, #tpu.memory_space<vmem>>, vector<16xf32>,
        %get3A_333 = arith.index_cast %add3A_159 : i32 to index
        %get3A_334 = arith.constant 464 : index
        %get3A_335 = tpu.vector_load %arg12[%get3A_333, %get3A_334] {strides = array<i32>} : memref<32x1024xf32, #tpu.memory_space<vmem>>, vector<16xf32>,
        %swap3A_336 = arith.index_cast %scan3A_157 : i32 to index
        %swap3A_337 = arith.constant 464 : index
        %swap3A_338 = tpu.vector_load %arg14[%swap3A_336, %swap3A_337] {strides = array<i32>} : memref<16x1000xf32, #tpu.memory_space<vmem>>, vector<16xf32>,
        tpu.vector_store %arg14[%swap3A_336, %swap3A_337], %get3A_335 {strides = array<i32>} : memref<16x1000xf32, #tpu.memory_space<vmem>>, vector<16xf32>,
        %get3A_339 = arith.index_cast %add3A_159 : i32 to index
        %get3A_340 = arith.constant 480 : index
        %get3A_341 = tpu.vector_load %arg12[%get3A_339, %get3A_340] {strides = array<i32>} : memref<32x1024xf32, #tpu.memory_space<vmem>>, vector<16xf32>,
        %swap3A_342 = arith.index_cast %scan3A_157 : i32 to index
        %swap3A_343 = arith.constant 480 : index
        %swap3A_344 = tpu.vector_load %arg14[%swap3A_342, %swap3A_343] {strides = array<i32>} : memref<16x1000xf32, #tpu.memory_space<vmem>>, vector<16xf32>,
        tpu.vector_store %arg14[%swap3A_342, %swap3A_343], %get3A_341 {strides = array<i32>} : memref<16x1000xf32, #tpu.memory_space<vmem>>, vector<16xf32>,
        %get3A_345 = arith.index_cast %add3A_159 : i32 to index
        %get3A_346 = arith.constant 496 : index
        %get3A_347 = tpu.vector_load %arg12[%get3A_345, %get3A_346] {strides = array<i32>} : memref<32x1024xf32, #tpu.memory_space<vmem>>, vector<16xf32>,
        %swap3A_348 = arith.index_cast %scan3A_157 : i32 to index
        %swap3A_349 = arith.constant 496 : index
        %swap3A_350 = tpu.vector_load %arg14[%swap3A_348, %swap3A_349] {strides = array<i32>} : memref<16x1000xf32, #tpu.memory_space<vmem>>, vector<16xf32>,
        tpu.vector_store %arg14[%swap3A_348, %swap3A_349], %get3A_347 {strides = array<i32>} : memref<16x1000xf32, #tpu.memory_space<vmem>>, vector<16xf32>,
        %get3A_351 = arith.index_cast %add3A_159 : i32 to index
        %get3A_352 = arith.constant 512 : index
        %get3A_353 = tpu.vector_load %arg12[%get3A_351, %get3A_352] {strides = array<i32>} : memref<32x1024xf32, #tpu.memory_space<vmem>>, vector<16xf32>,
        %swap3A_354 = arith.index_cast %scan3A_157 : i32 to index
        %swap3A_355 = arith.constant 512 : index
        %swap3A_356 = tpu.vector_load %arg14[%swap3A_354, %swap3A_355] {strides = array<i32>} : memref<16x1000xf32, #tpu.memory_space<vmem>>, vector<16xf32>,
        tpu.vector_store %arg14[%swap3A_354, %swap3A_355], %get3A_353 {strides = array<i32>} : memref<16x1000xf32, #tpu.memory_space<vmem>>, vector<16xf32>,
        %get3A_357 = arith.index_cast %add3A_159 : i32 to index
        %get3A_358 = arith.constant 528 : index
        %get3A_359 = tpu.vector_load %arg12[%get3A_357, %get3A_358] {strides = array<i32>} : memref<32x1024xf32, #tpu.memory_space<vmem>>, vector<16xf32>,
        %swap3A_360 = arith.index_cast %scan3A_157 : i32 to index
        %swap3A_361 = arith.constant 528 : index
        %swap3A_362 = tpu.vector_load %arg14[%swap3A_360, %swap3A_361] {strides = array<i32>} : memref<16x1000xf32, #tpu.memory_space<vmem>>, vector<16xf32>,
        tpu.vector_store %arg14[%swap3A_360, %swap3A_361], %get3A_359 {strides = array<i32>} : memref<16x1000xf32, #tpu.memory_space<vmem>>, vector<16xf32>,
        %get3A_363 = arith.index_cast %add3A_159 : i32 to index
        %get3A_364 = arith.constant 544 : index
        %get3A_365 = tpu.vector_load %arg12[%get3A_363, %get3A_364] {strides = array<i32>} : memref<32x1024xf32, #tpu.memory_space<vmem>>, vector<16xf32>,
        %swap3A_366 = arith.index_cast %scan3A_157 : i32 to index
        %swap3A_367 = arith.constant 544 : index
        %swap3A_368 = tpu.vector_load %arg14[%swap3A_366, %swap3A_367] {strides = array<i32>} : memref<16x1000xf32, #tpu.memory_space<vmem>>, vector<16xf32>,
        tpu.vector_store %arg14[%swap3A_366, %swap3A_367], %get3A_365 {strides = array<i32>} : memref<16x1000xf32, #tpu.memory_space<vmem>>, vector<16xf32>,
        %get3A_369 = arith.index_cast %add3A_159 : i32 to index
        %get3A_370 = arith.constant 560 : index
        %get3A_371 = tpu.vector_load %arg12[%get3A_369, %get3A_370] {strides = array<i32>} : memref<32x1024xf32, #tpu.memory_space<vmem>>, vector<16xf32>,
        %swap3A_372 = arith.index_cast %scan3A_157 : i32 to index
        %swap3A_373 = arith.constant 560 : index
        %swap3A_374 = tpu.vector_load %arg14[%swap3A_372, %swap3A_373] {strides = array<i32>} : memref<16x1000xf32, #tpu.memory_space<vmem>>, vector<16xf32>,
        tpu.vector_store %arg14[%swap3A_372, %swap3A_373], %get3A_371 {strides = array<i32>} : memref<16x1000xf32, #tpu.memory_space<vmem>>, vector<16xf32>,
        %get3A_375 = arith.index_cast %add3A_159 : i32 to index
        %get3A_376 = arith.constant 576 : index
        %get3A_377 = tpu.vector_load %arg12[%get3A_375, %get3A_376] {strides = array<i32>} : memref<32x1024xf32, #tpu.memory_space<vmem>>, vector<16xf32>,
        %swap3A_378 = arith.index_cast %scan3A_157 : i32 to index
        %swap3A_379 = arith.constant 576 : index
        %swap3A_380 = tpu.vector_load %arg14[%swap3A_378, %swap3A_379] {strides = array<i32>} : memref<16x1000xf32, #tpu.memory_space<vmem>>, vector<16xf32>,
        tpu.vector_store %arg14[%swap3A_378, %swap3A_379], %get3A_377 {strides = array<i32>} : memref<16x1000xf32, #tpu.memory_space<vmem>>, vector<16xf32>,
        %get3A_381 = arith.index_cast %add3A_159 : i32 to index
        %get3A_382 = arith.constant 592 : index
        %get3A_383 = tpu.vector_load %arg12[%get3A_381, %get3A_382] {strides = array<i32>} : memref<32x1024xf32, #tpu.memory_space<vmem>>, vector<16xf32>,
        %swap3A_384 = arith.index_cast %scan3A_157 : i32 to index
        %swap3A_385 = arith.constant 592 : index
        %swap3A_386 = tpu.vector_load %arg14[%swap3A_384, %swap3A_385] {strides = array<i32>} : memref<16x1000xf32, #tpu.memory_space<vmem>>, vector<16xf32>,
        tpu.vector_store %arg14[%swap3A_384, %swap3A_385], %get3A_383 {strides = array<i32>} : memref<16x1000xf32, #tpu.memory_space<vmem>>, vector<16xf32>,
        %get3A_387 = arith.index_cast %add3A_159 : i32 to index
        %get3A_388 = arith.constant 608 : index
        %get3A_389 = tpu.vector_load %arg12[%get3A_387, %get3A_388] {strides = array<i32>} : memref<32x1024xf32, #tpu.memory_space<vmem>>, vector<16xf32>,
        %swap3A_390 = arith.index_cast %scan3A_157 : i32 to index
        %swap3A_391 = arith.constant 608 : index
        %swap3A_392 = tpu.vector_load %arg14[%swap3A_390, %swap3A_391] {strides = array<i32>} : memref<16x1000xf32, #tpu.memory_space<vmem>>, vector<16xf32>,
        tpu.vector_store %arg14[%swap3A_390, %swap3A_391], %get3A_389 {strides = array<i32>} : memref<16x1000xf32, #tpu.memory_space<vmem>>, vector<16xf32>,
        %get3A_393 = arith.index_cast %add3A_159 : i32 to index
        %get3A_394 = arith.constant 624 : index
        %get3A_395 = tpu.vector_load %arg12[%get3A_393, %get3A_394] {strides = array<i32>} : memref<32x1024xf32, #tpu.memory_space<vmem>>, vector<16xf32>,
        %swap3A_396 = arith.index_cast %scan3A_157 : i32 to index
        %swap3A_397 = arith.constant 624 : index
        %swap3A_398 = tpu.vector_load %arg14[%swap3A_396, %swap3A_397] {strides = array<i32>} : memref<16x1000xf32, #tpu.memory_space<vmem>>, vector<16xf32>,
        tpu.vector_store %arg14[%swap3A_396, %swap3A_397], %get3A_395 {strides = array<i32>} : memref<16x1000xf32, #tpu.memory_space<vmem>>, vector<16xf32>,
        %get3A_399 = arith.index_cast %add3A_159 : i32 to index
        %get3A_400 = arith.constant 640 : index
        %get3A_401 = tpu.vector_load %arg12[%get3A_399, %get3A_400] {strides = array<i32>} : memref<32x1024xf32, #tpu.memory_space<vmem>>, vector<16xf32>,
        %swap3A_402 = arith.index_cast %scan3A_157 : i32 to index
        %swap3A_403 = arith.constant 640 : index
        %swap3A_404 = tpu.vector_load %arg14[%swap3A_402, %swap3A_403] {strides = array<i32>} : memref<16x1000xf32, #tpu.memory_space<vmem>>, vector<16xf32>,
        tpu.vector_store %arg14[%swap3A_402, %swap3A_403], %get3A_401 {strides = array<i32>} : memref<16x1000xf32, #tpu.memory_space<vmem>>, vector<16xf32>,
        %get3A_405 = arith.index_cast %add3A_159 : i32 to index
        %get3A_406 = arith.constant 656 : index
        %get3A_407 = tpu.vector_load %arg12[%get3A_405, %get3A_406] {strides = array<i32>} : memref<32x1024xf32, #tpu.memory_space<vmem>>, vector<16xf32>,
        %swap3A_408 = arith.index_cast %scan3A_157 : i32 to index
        %swap3A_409 = arith.constant 656 : index
        %swap3A_410 = tpu.vector_load %arg14[%swap3A_408, %swap3A_409] {strides = array<i32>} : memref<16x1000xf32, #tpu.memory_space<vmem>>, vector<16xf32>,
        tpu.vector_store %arg14[%swap3A_408, %swap3A_409], %get3A_407 {strides = array<i32>} : memref<16x1000xf32, #tpu.memory_space<vmem>>, vector<16xf32>,
        %get3A_411 = arith.index_cast %add3A_159 : i32 to index
        %get3A_412 = arith.constant 672 : index
        %get3A_413 = tpu.vector_load %arg12[%get3A_411, %get3A_412] {strides = array<i32>} : memref<32x1024xf32, #tpu.memory_space<vmem>>, vector<16xf32>,
        %swap3A_414 = arith.index_cast %scan3A_157 : i32 to index
        %swap3A_415 = arith.constant 672 : index
        %swap3A_416 = tpu.vector_load %arg14[%swap3A_414, %swap3A_415] {strides = array<i32>} : memref<16x1000xf32, #tpu.memory_space<vmem>>, vector<16xf32>,
        tpu.vector_store %arg14[%swap3A_414, %swap3A_415], %get3A_413 {strides = array<i32>} : memref<16x1000xf32, #tpu.memory_space<vmem>>, vector<16xf32>,
        %get3A_417 = arith.index_cast %add3A_159 : i32 to index
        %get3A_418 = arith.constant 688 : index
        %get3A_419 = tpu.vector_load %arg12[%get3A_417, %get3A_418] {strides = array<i32>} : memref<32x1024xf32, #tpu.memory_space<vmem>>, vector<16xf32>,
        %swap3A_420 = arith.index_cast %scan3A_157 : i32 to index
        %swap3A_421 = arith.constant 688 : index
        %swap3A_422 = tpu.vector_load %arg14[%swap3A_420, %swap3A_421] {strides = array<i32>} : memref<16x1000xf32, #tpu.memory_space<vmem>>, vector<16xf32>,
        tpu.vector_store %arg14[%swap3A_420, %swap3A_421], %get3A_419 {strides = array<i32>} : memref<16x1000xf32, #tpu.memory_space<vmem>>, vector<16xf32>,
        %get3A_423 = arith.index_cast %add3A_159 : i32 to index
        %get3A_424 = arith.constant 704 : index
        %get3A_425 = tpu.vector_load %arg12[%get3A_423, %get3A_424] {strides = array<i32>} : memref<32x1024xf32, #tpu.memory_space<vmem>>, vector<16xf32>,
        %swap3A_426 = arith.index_cast %scan3A_157 : i32 to index
        %swap3A_427 = arith.constant 704 : index
        %swap3A_428 = tpu.vector_load %arg14[%swap3A_426, %swap3A_427] {strides = array<i32>} : memref<16x1000xf32, #tpu.memory_space<vmem>>, vector<16xf32>,
        tpu.vector_store %arg14[%swap3A_426, %swap3A_427], %get3A_425 {strides = array<i32>} : memref<16x1000xf32, #tpu.memory_space<vmem>>, vector<16xf32>,
        %get3A_429 = arith.index_cast %add3A_159 : i32 to index
        %get3A_430 = arith.constant 720 : index
        %get3A_431 = tpu.vector_load %arg12[%get3A_429, %get3A_430] {strides = array<i32>} : memref<32x1024xf32, #tpu.memory_space<vmem>>, vector<16xf32>,
        %swap3A_432 = arith.index_cast %scan3A_157 : i32 to index
        %swap3A_433 = arith.constant 720 : index
        %swap3A_434 = tpu.vector_load %arg14[%swap3A_432, %swap3A_433] {strides = array<i32>} : memref<16x1000xf32, #tpu.memory_space<vmem>>, vector<16xf32>,
        tpu.vector_store %arg14[%swap3A_432, %swap3A_433], %get3A_431 {strides = array<i32>} : memref<16x1000xf32, #tpu.memory_space<vmem>>, vector<16xf32>,
        %get3A_435 = arith.index_cast %add3A_159 : i32 to index
        %get3A_436 = arith.constant 736 : index
        %get3A_437 = tpu.vector_load %arg12[%get3A_435, %get3A_436] {strides = array<i32>} : memref<32x1024xf32, #tpu.memory_space<vmem>>, vector<16xf32>,
        %swap3A_438 = arith.index_cast %scan3A_157 : i32 to index
        %swap3A_439 = arith.constant 736 : index
        %swap3A_440 = tpu.vector_load %arg14[%swap3A_438, %swap3A_439] {strides = array<i32>} : memref<16x1000xf32, #tpu.memory_space<vmem>>, vector<16xf32>,
        tpu.vector_store %arg14[%swap3A_438, %swap3A_439], %get3A_437 {strides = array<i32>} : memref<16x1000xf32, #tpu.memory_space<vmem>>, vector<16xf32>,
        %get3A_441 = arith.index_cast %add3A_159 : i32 to index
        %get3A_442 = arith.constant 752 : index
        %get3A_443 = tpu.vector_load %arg12[%get3A_441, %get3A_442] {strides = array<i32>} : memref<32x1024xf32, #tpu.memory_space<vmem>>, vector<16xf32>,
        %swap3A_444 = arith.index_cast %scan3A_157 : i32 to index
        %swap3A_445 = arith.constant 752 : index
        %swap3A_446 = tpu.vector_load %arg14[%swap3A_444, %swap3A_445] {strides = array<i32>} : memref<16x1000xf32, #tpu.memory_space<vmem>>, vector<16xf32>,
        tpu.vector_store %arg14[%swap3A_444, %swap3A_445], %get3A_443 {strides = array<i32>} : memref<16x1000xf32, #tpu.memory_space<vmem>>, vector<16xf32>,
        %get3A_447 = arith.index_cast %add3A_159 : i32 to index
        %get3A_448 = arith.constant 768 : index
        %get3A_449 = tpu.vector_load %arg12[%get3A_447, %get3A_448] {strides = array<i32>} : memref<32x1024xf32, #tpu.memory_space<vmem>>, vector<16xf32>,
        %swap3A_450 = arith.index_cast %scan3A_157 : i32 to index
        %swap3A_451 = arith.constant 768 : index
        %swap3A_452 = tpu.vector_load %arg14[%swap3A_450, %swap3A_451] {strides = array<i32>} : memref<16x1000xf32, #tpu.memory_space<vmem>>, vector<16xf32>,
        tpu.vector_store %arg14[%swap3A_450, %swap3A_451], %get3A_449 {strides = array<i32>} : memref<16x1000xf32, #tpu.memory_space<vmem>>, vector<16xf32>,
        %get3A_453 = arith.index_cast %add3A_159 : i32 to index
        %get3A_454 = arith.constant 784 : index
        %get3A_455 = tpu.vector_load %arg12[%get3A_453, %get3A_454] {strides = array<i32>} : memref<32x1024xf32, #tpu.memory_space<vmem>>, vector<16xf32>,
        %swap3A_456 = arith.index_cast %scan3A_157 : i32 to index
        %swap3A_457 = arith.constant 784 : index
        %swap3A_458 = tpu.vector_load %arg14[%swap3A_456, %swap3A_457] {strides = array<i32>} : memref<16x1000xf32, #tpu.memory_space<vmem>>, vector<16xf32>,
        tpu.vector_store %arg14[%swap3A_456, %swap3A_457], %get3A_455 {strides = array<i32>} : memref<16x1000xf32, #tpu.memory_space<vmem>>, vector<16xf32>,
        %get3A_459 = arith.index_cast %add3A_159 : i32 to index
        %get3A_460 = arith.constant 800 : index
        %get3A_461 = tpu.vector_load %arg12[%get3A_459, %get3A_460] {strides = array<i32>} : memref<32x1024xf32, #tpu.memory_space<vmem>>, vector<16xf32>,
        %swap3A_462 = arith.index_cast %scan3A_157 : i32 to index
        %swap3A_463 = arith.constant 800 : index
        %swap3A_464 = tpu.vector_load %arg14[%swap3A_462, %swap3A_463] {strides = array<i32>} : memref<16x1000xf32, #tpu.memory_space<vmem>>, vector<16xf32>,
        tpu.vector_store %arg14[%swap3A_462, %swap3A_463], %get3A_461 {strides = array<i32>} : memref<16x1000xf32, #tpu.memory_space<vmem>>, vector<16xf32>,
        %get3A_465 = arith.index_cast %add3A_159 : i32 to index
        %get3A_466 = arith.constant 816 : index
        %get3A_467 = tpu.vector_load %arg12[%get3A_465, %get3A_466] {strides = array<i32>} : memref<32x1024xf32, #tpu.memory_space<vmem>>, vector<16xf32>,
        %swap3A_468 = arith.index_cast %scan3A_157 : i32 to index
        %swap3A_469 = arith.constant 816 : index
        %swap3A_470 = tpu.vector_load %arg14[%swap3A_468, %swap3A_469] {strides = array<i32>} : memref<16x1000xf32, #tpu.memory_space<vmem>>, vector<16xf32>,
        tpu.vector_store %arg14[%swap3A_468, %swap3A_469], %get3A_467 {strides = array<i32>} : memref<16x1000xf32, #tpu.memory_space<vmem>>, vector<16xf32>,
        %get3A_471 = arith.index_cast %add3A_159 : i32 to index
        %get3A_472 = arith.constant 832 : index
        %get3A_473 = tpu.vector_load %arg12[%get3A_471, %get3A_472] {strides = array<i32>} : memref<32x1024xf32, #tpu.memory_space<vmem>>, vector<16xf32>,
        %swap3A_474 = arith.index_cast %scan3A_157 : i32 to index
        %swap3A_475 = arith.constant 832 : index
        %swap3A_476 = tpu.vector_load %arg14[%swap3A_474, %swap3A_475] {strides = array<i32>} : memref<16x1000xf32, #tpu.memory_space<vmem>>, vector<16xf32>,
        tpu.vector_store %arg14[%swap3A_474, %swap3A_475], %get3A_473 {strides = array<i32>} : memref<16x1000xf32, #tpu.memory_space<vmem>>, vector<16xf32>,
        %get3A_477 = arith.index_cast %add3A_159 : i32 to index
        %get3A_478 = arith.constant 848 : index
        %get3A_479 = tpu.vector_load %arg12[%get3A_477, %get3A_478] {strides = array<i32>} : memref<32x1024xf32, #tpu.memory_space<vmem>>, vector<16xf32>,
        %swap3A_480 = arith.index_cast %scan3A_157 : i32 to index
        %swap3A_481 = arith.constant 848 : index
        %swap3A_482 = tpu.vector_load %arg14[%swap3A_480, %swap3A_481] {strides = array<i32>} : memref<16x1000xf32, #tpu.memory_space<vmem>>, vector<16xf32>,
        tpu.vector_store %arg14[%swap3A_480, %swap3A_481], %get3A_479 {strides = array<i32>} : memref<16x1000xf32, #tpu.memory_space<vmem>>, vector<16xf32>,
        %get3A_483 = arith.index_cast %add3A_159 : i32 to index
        %get3A_484 = arith.constant 864 : index
        %get3A_485 = tpu.vector_load %arg12[%get3A_483, %get3A_484] {strides = array<i32>} : memref<32x1024xf32, #tpu.memory_space<vmem>>, vector<16xf32>,
        %swap3A_486 = arith.index_cast %scan3A_157 : i32 to index
        %swap3A_487 = arith.constant 864 : index
        %swap3A_488 = tpu.vector_load %arg14[%swap3A_486, %swap3A_487] {strides = array<i32>} : memref<16x1000xf32, #tpu.memory_space<vmem>>, vector<16xf32>,
        tpu.vector_store %arg14[%swap3A_486, %swap3A_487], %get3A_485 {strides = array<i32>} : memref<16x1000xf32, #tpu.memory_space<vmem>>, vector<16xf32>,
        %get3A_489 = arith.index_cast %add3A_159 : i32 to index
        %get3A_490 = arith.constant 880 : index
        %get3A_491 = tpu.vector_load %arg12[%get3A_489, %get3A_490] {strides = array<i32>} : memref<32x1024xf32, #tpu.memory_space<vmem>>, vector<16xf32>,
        %swap3A_492 = arith.index_cast %scan3A_157 : i32 to index
        %swap3A_493 = arith.constant 880 : index
        %swap3A_494 = tpu.vector_load %arg14[%swap3A_492, %swap3A_493] {strides = array<i32>} : memref<16x1000xf32, #tpu.memory_space<vmem>>, vector<16xf32>,
        tpu.vector_store %arg14[%swap3A_492, %swap3A_493], %get3A_491 {strides = array<i32>} : memref<16x1000xf32, #tpu.memory_space<vmem>>, vector<16xf32>,
        %get3A_495 = arith.index_cast %add3A_159 : i32 to index
        %get3A_496 = arith.constant 896 : index
        %get3A_497 = tpu.vector_load %arg12[%get3A_495, %get3A_496] {strides = array<i32>} : memref<32x1024xf32, #tpu.memory_space<vmem>>, vector<16xf32>,
        %swap3A_498 = arith.index_cast %scan3A_157 : i32 to index
        %swap3A_499 = arith.constant 896 : index
        %swap3A_500 = tpu.vector_load %arg14[%swap3A_498, %swap3A_499] {strides = array<i32>} : memref<16x1000xf32, #tpu.memory_space<vmem>>, vector<16xf32>,
        tpu.vector_store %arg14[%swap3A_498, %swap3A_499], %get3A_497 {strides = array<i32>} : memref<16x1000xf32, #tpu.memory_space<vmem>>, vector<16xf32>,
        %get3A_501 = arith.index_cast %add3A_159 : i32 to index
        %get3A_502 = arith.constant 912 : index
        %get3A_503 = tpu.vector_load %arg12[%get3A_501, %get3A_502] {strides = array<i32>} : memref<32x1024xf32, #tpu.memory_space<vmem>>, vector<16xf32>,
        %swap3A_504 = arith.index_cast %scan3A_157 : i32 to index
        %swap3A_505 = arith.constant 912 : index
        %swap3A_506 = tpu.vector_load %arg14[%swap3A_504, %swap3A_505] {strides = array<i32>} : memref<16x1000xf32, #tpu.memory_space<vmem>>, vector<16xf32>,
        tpu.vector_store %arg14[%swap3A_504, %swap3A_505], %get3A_503 {strides = array<i32>} : memref<16x1000xf32, #tpu.memory_space<vmem>>, vector<16xf32>,
        %get3A_507 = arith.index_cast %add3A_159 : i32 to index
        %get3A_508 = arith.constant 928 : index
        %get3A_509 = tpu.vector_load %arg12[%get3A_507, %get3A_508] {strides = array<i32>} : memref<32x1024xf32, #tpu.memory_space<vmem>>, vector<16xf32>,
        %swap3A_510 = arith.index_cast %scan3A_157 : i32 to index
        %swap3A_511 = arith.constant 928 : index
        %swap3A_512 = tpu.vector_load %arg14[%swap3A_510, %swap3A_511] {strides = array<i32>} : memref<16x1000xf32, #tpu.memory_space<vmem>>, vector<16xf32>,
        tpu.vector_store %arg14[%swap3A_510, %swap3A_511], %get3A_509 {strides = array<i32>} : memref<16x1000xf32, #tpu.memory_space<vmem>>, vector<16xf32>,
        %get3A_513 = arith.index_cast %add3A_159 : i32 to index
        %get3A_514 = arith.constant 944 : index
        %get3A_515 = tpu.vector_load %arg12[%get3A_513, %get3A_514] {strides = array<i32>} : memref<32x1024xf32, #tpu.memory_space<vmem>>, vector<16xf32>,
        %swap3A_516 = arith.index_cast %scan3A_157 : i32 to index
        %swap3A_517 = arith.constant 944 : index
        %swap3A_518 = tpu.vector_load %arg14[%swap3A_516, %swap3A_517] {strides = array<i32>} : memref<16x1000xf32, #tpu.memory_space<vmem>>, vector<16xf32>,
        tpu.vector_store %arg14[%swap3A_516, %swap3A_517], %get3A_515 {strides = array<i32>} : memref<16x1000xf32, #tpu.memory_space<vmem>>, vector<16xf32>,
        %get3A_519 = arith.index_cast %add3A_159 : i32 to index
        %get3A_520 = arith.constant 960 : index
        %get3A_521 = tpu.vector_load %arg12[%get3A_519, %get3A_520] {strides = array<i32>} : memref<32x1024xf32, #tpu.memory_space<vmem>>, vector<16xf32>,
        %swap3A_522 = arith.index_cast %scan3A_157 : i32 to index
        %swap3A_523 = arith.constant 960 : index
        %swap3A_524 = tpu.vector_load %arg14[%swap3A_522, %swap3A_523] {strides = array<i32>} : memref<16x1000xf32, #tpu.memory_space<vmem>>, vector<16xf32>,
        tpu.vector_store %arg14[%swap3A_522, %swap3A_523], %get3A_521 {strides = array<i32>} : memref<16x1000xf32, #tpu.memory_space<vmem>>, vector<16xf32>,
        %get3A_525 = arith.index_cast %add3A_159 : i32 to index
        %get3A_526 = arith.constant 976 : index
        %get3A_527 = tpu.vector_load %arg12[%get3A_525, %get3A_526] {strides = array<i32>} : memref<32x1024xf32, #tpu.memory_space<vmem>>, vector<16xf32>,
        %swap3A_528 = arith.index_cast %scan3A_157 : i32 to index
        %swap3A_529 = arith.constant 976 : index
        %swap3A_530 = tpu.vector_load %arg14[%swap3A_528, %swap3A_529] {strides = array<i32>} : memref<16x1000xf32, #tpu.memory_space<vmem>>, vector<16xf32>,
        tpu.vector_store %arg14[%swap3A_528, %swap3A_529], %get3A_527 {strides = array<i32>} : memref<16x1000xf32, #tpu.memory_space<vmem>>, vector<16xf32>,
        %broadcast_in_dim3A_531 = vector.broadcast %add3A_159 : i32 to vector<16xi32>
        %broadcast_in_dim3A_532 = vector.broadcast %scan3A_157 : i32 to vector<16xi32>
        %add3A_533 = arith.constant 992 : i32
        %add3A_534 = vector.broadcast %add3A_533 : i32 to vector<16xi32>
        %add3A_535 = arith.addi %add3A_534, %iota3A : vector<16xi32>
        %lt3A_536 = arith.constant 8 : i32
        %lt3A_537 = vector.broadcast %lt3A_536 : i32 to vector<16xi32>
        %lt3A_538 = arith.cmpi slt, %iota3A, %lt3A_537 : vector<16xi32>
        %gather3A = tpu.vector_load_idx %arg12[%broadcast_in_dim3A_531, %add3A_535] masked %lt3A_538 : memref<32x1024xf32, #tpu.memory_space<vmem>>[vector<16xi32>, vector<16xi32>], vector<16xf32>, vector<16xi1>
        tpu.vector_store_idx %arg14[%broadcast_in_dim3A_532, %add3A_535], %gather3A masked %lt3A_538 : memref<16x1000xf32, #tpu.memory_space<vmem>>[vector<16xi32>, vector<16xi32>], vector<16xf32>, vector<16xi1>
      }
      %scan3A_147 = arith.constant 16 : i32
      %mul3A_148 = arith.constant 32 : i32
      %mul3A_149 = arith.muli %add3A_95, %mul3A_148 : i32
      %add3A_150 = arith.addi %mul3A_2, %mul3A_149 : i32
      %add3A_151 = arith.constant 16 : i32
      %add3A_152 = arith.addi %add3A_150, %add3A_151 : i32
      %dma_start3A_153 = arith.constant 0 : i32
      %dma_start3A_154 = tpu.memref_slice %arg6[%add3A_152, %dma_start3A_153] : memref<51200x1000xf32, #tpu.memory_space<hbm>> -> memref<16x1000xf32, #tpu.memory_space<hbm>>
      %dma_start3A_155 = arith.constant 0 : i32
      %dma_start3A_156 = tpu.memref_slice %arg6[%add3A_152, %dma_start3A_155] : memref<51200x1000xf32, #tpu.memory_space<hbm>> -> memref<16x1000xf32, #tpu.memory_space<hbm>>
      tpu.enqueue_dma source(%arg14 : memref<16x1000xf32, #tpu.memory_space<vmem>>) target(%dma_start3A_156 : memref<16x1000xf32, #tpu.memory_space<hbm>>) target_semaphore(%arg19 : memref<!tpu.dma_semaphore, #tpu.memory_space<semaphore_mem>>)
      scf.yield %scan3A_115 : vector<16xf32>
    }
    %scan3A_12 = arith.constant 25 : i32
    %add3A_13 = arith.constant 1568 : i32
    %add3A_14 = arith.addi %mul3A_2, %add3A_13 : i32
    %add3A_15 = arith.constant 0 : i32
    %add3A_16 = arith.addi %add3A_14, %add3A_15 : i32
    %dma_wait3A = arith.constant 0 : i32
    %dma_wait3A_17 = tpu.memref_slice %arg6[%add3A_16, %dma_wait3A] : memref<51200x1000xf32, #tpu.memory_space<hbm>> -> memref<16x1000xf32, #tpu.memory_space<hbm>>
    %dma_wait3A_18 = arith.constant 0 : i32
    %dma_wait3A_19 = tpu.memref_slice %arg6[%add3A_16, %dma_wait3A_18] : memref<51200x1000xf32, #tpu.memory_space<hbm>> -> memref<16x1000xf32, #tpu.memory_space<hbm>>
    tpu.wait_dma2 semaphore(%arg18 : memref<!tpu.dma_semaphore, #tpu.memory_space<semaphore_mem>>) src(%arg13 : memref<16x1000xf32, #tpu.memory_space<vmem>>) dst(%dma_wait3A_19 : memref<16x1000xf32, #tpu.memory_space<hbm>>)
    %add3A_20 = arith.constant 1568 : i32
    %add3A_21 = arith.addi %mul3A_2, %add3A_20 : i32
    %add3A_22 = arith.constant 16 : i32
    %add3A_23 = arith.addi %add3A_21, %add3A_22 : i32
    %dma_wait3A_24 = arith.constant 0 : i32
    %dma_wait3A_25 = tpu.memref_slice %arg6[%add3A_23, %dma_wait3A_24] : memref<51200x1000xf32, #tpu.memory_space<hbm>> -> memref<16x1000xf32, #tpu.memory_space<hbm>>
    %dma_wait3A_26 = arith.constant 0 : i32
    %dma_wait3A_27 = tpu.memref_slice %arg6[%add3A_23, %dma_wait3A_26] : memref<51200x1000xf32, #tpu.memory_space<hbm>> -> memref<16x1000xf32, #tpu.memory_space<hbm>>
    tpu.wait_dma2 semaphore(%arg19 : memref<!tpu.dma_semaphore, #tpu.memory_space<semaphore_mem>>) src(%arg14 : memref<16x1000xf32, #tpu.memory_space<vmem>>) dst(%dma_wait3A_27 : memref<16x1000xf32, #tpu.memory_space<hbm>>)
    %swap3A = arith.constant 0 : index
    %swap3A_28 = tpu.vector_load %arg15[%swap3A] {strides = array<i32>} : memref<16xf32, #tpu.memory_space<vmem>>, vector<16xf32>,
    tpu.vector_store %arg15[%swap3A], %scan3A_11 {strides = array<i32>} : memref<16xf32, #tpu.memory_space<vmem>>, vector<16xf32>,
    "tpu.region"() ({
      %run_scoped3A = tpu.sem_alloc : memref<!tpu.dma_semaphore, #tpu.memory_space<semaphore_mem>>
      %dma_start3A_29 = arith.constant 0 : i32
      %dma_start3A_30 = tpu.memref_slice %arg7[%add3A, %dma_start3A_29] : memref<32x16xf32, #tpu.memory_space<hbm>> -> memref<1x16xf32, #tpu.memory_space<hbm>>
      %dma_start3A_31 = tpu.memref_squeeze %dma_start3A_30 : memref<1x16xf32, #tpu.memory_space<hbm>> -> memref<16xf32, #tpu.memory_space<hbm>>
      %dma_start3A_32 = arith.constant 0 : i32
      %dma_start3A_33 = tpu.memref_slice %arg7[%add3A, %dma_start3A_32] : memref<32x16xf32, #tpu.memory_space<hbm>> -> memref<1x16xf32, #tpu.memory_space<hbm>>
      %dma_start3A_34 = tpu.memref_squeeze %dma_start3A_33 : memref<1x16xf32, #tpu.memory_space<hbm>> -> memref<16xf32, #tpu.memory_space<hbm>>
      tpu.enqueue_dma source(%arg15 : memref<16xf32, #tpu.memory_space<vmem>>) target(%dma_start3A_34 : memref<16xf32, #tpu.memory_space<hbm>>) target_semaphore(%run_scoped3A : memref<!tpu.dma_semaphore, #tpu.memory_space<semaphore_mem>>)
      %dma_wait3A_35 = arith.constant 0 : i32
      %dma_wait3A_36 = tpu.memref_slice %arg7[%add3A, %dma_wait3A_35] : memref<32x16xf32, #tpu.memory_space<hbm>> -> memref<1x16xf32, #tpu.memory_space<hbm>>
      %dma_wait3A_37 = tpu.memref_squeeze %dma_wait3A_36 : memref<1x16xf32, #tpu.memory_space<hbm>> -> memref<16xf32, #tpu.memory_space<hbm>>
      %dma_wait3A_38 = arith.constant 0 : i32
      %dma_wait3A_39 = tpu.memref_slice %arg7[%add3A, %dma_wait3A_38] : memref<32x16xf32, #tpu.memory_space<hbm>> -> memref<1x16xf32, #tpu.memory_space<hbm>>
      %dma_wait3A_40 = tpu.memref_squeeze %dma_wait3A_39 : memref<1x16xf32, #tpu.memory_space<hbm>> -> memref<16xf32, #tpu.memory_space<hbm>>
      tpu.wait_dma2 semaphore(%run_scoped3A : memref<!tpu.dma_semaphore, #tpu.memory_space<semaphore_mem>>) src(%arg15 : memref<16xf32, #tpu.memory_space<vmem>>) dst(%dma_wait3A_40 : memref<16xf32, #tpu.memory_space<hbm>>)
      tpu.yield
    }) : () -> ()
    return
  }
}

module attributes {stable_mosaic.version = 14 : i64} {
  func.func @_lse_body(%arg0: memref<1000x1000xf32, #tpu.memory_space<vmem>>, %arg1: memref<1000x1xf32, #tpu.memory_space<vmem>>) attributes {dimension_semantics = [], scalar_prefetch = 0 : i64, scratch_operands = 0 : i64, tpu.core_type = #tpu.core_type<tc>} {
    %get3A = arith.constant 0 : index
    %get3A_0 = arith.constant 0 : index
    %get3A_1 = vector.load %arg0[%get3A, %get3A_0] : memref<1000x1000xf32, #tpu.memory_space<vmem>>, vector<1000x1000xf32>
    %reduce_max3A = arith.constant dense<0xFF800000> : vector<1000xf32>
    %reduce_max3A_2 = vector.multi_reduction <maximumf>, %get3A_1, %reduce_max3A [1] : vector<1000x1000xf32> to vector<1000xf32>
    %broadcast_in_dim3A = vector.shape_cast %reduce_max3A_2 : vector<1000xf32> to vector<1000x1xf32>
    %sub3A = vector.broadcast %broadcast_in_dim3A : vector<1000x1xf32> to vector<1000x1000xf32>
    %sub3A_3 = arith.subf %get3A_1, %sub3A : vector<1000x1000xf32>
    %exp3A = math.exp %sub3A_3 : vector<1000x1000xf32>
    %reduce_sum3A = arith.constant dense<0.000000e+00> : vector<1000xf32>
    %reduce_sum3A_4 = vector.multi_reduction <add>, %exp3A, %reduce_sum3A [1] : vector<1000x1000xf32> to vector<1000xf32>
    %broadcast_in_dim3A_5 = vector.shape_cast %reduce_sum3A_4 : vector<1000xf32> to vector<1000x1xf32>
    %log3A = math.log %broadcast_in_dim3A_5 : vector<1000x1xf32>
    %add3A = arith.addf %broadcast_in_dim3A, %log3A : vector<1000x1xf32>
    %swap3A = arith.constant 0 : index
    %swap3A_6 = arith.constant 0 : index
    %swap3A_7 = vector.load %arg1[%swap3A, %swap3A_6] : memref<1000x1xf32, #tpu.memory_space<vmem>>, vector<1000x1xf32>
    tpu.vector_store %arg1[%swap3A, %swap3A_6], %add3A {strides = array<i32>} : memref<1000x1xf32, #tpu.memory_space<vmem>>, vector<1000x1xf32>,
    return
  }
}

module attributes {stable_mosaic.version = 14 : i64} {
  func.func @_loss_body(%arg0: memref<32x16xf32, #tpu.memory_space<vmem>>, %arg1: memref<1x1xf32, #tpu.memory_space<vmem>>) attributes {dimension_semantics = [], scalar_prefetch = 0 : i64, scratch_operands = 0 : i64, tpu.core_type = #tpu.core_type<tc>} {
    %get3A = arith.constant 0 : index
    %get3A_0 = arith.constant 0 : index
    %get3A_1 = vector.load %arg0[%get3A, %get3A_0] : memref<32x16xf32, #tpu.memory_space<vmem>>, vector<32x16xf32>
    %reduce_sum3A = vector.shape_cast %get3A_1 : vector<32x16xf32> to vector<1x32x16xf32>
    %reduce_sum3A_2 = arith.constant dense<0.000000e+00> : vector<1xf32>
    %reduce_sum3A_3 = vector.multi_reduction <add>, %reduce_sum3A, %reduce_sum3A_2 [1, 2] : vector<1x32x16xf32> to vector<1xf32>
    %reduce_sum3A_4 = vector.shape_cast %reduce_sum3A_3 : vector<1xf32> to vector<1x1x1xf32>
    %reduce_sum3A_5 = vector.extract %reduce_sum3A_4[0, 0, 0] : f32 from vector<1x1x1xf32>
    %mul3A = arith.constant 1.95312496E-5 : f32
    %mul3A_6 = arith.mulf %reduce_sum3A_5, %mul3A : f32
    %broadcast_in_dim3A = vector.broadcast %mul3A_6 : f32 to vector<1x1xf32>
    %swap3A = arith.constant 0 : index
    %swap3A_7 = arith.constant 0 : index
    %swap3A_8 = vector.load %arg1[%swap3A, %swap3A_7] : memref<1x1xf32, #tpu.memory_space<vmem>>, vector<1x1xf32>
    tpu.vector_store %arg1[%swap3A, %swap3A_7], %broadcast_in_dim3A {strides = array<i32>} : memref<1x1xf32, #tpu.memory_space<vmem>>, vector<1x1xf32>,
    return
  }
}

</mosaic_0001>

<sc_bundles>
// kernel: kernel.5.cloned.1.call-start
scs
__scs_entry_jumppad:
0x0: {  	(pc) =	sbr.rel $0x88, $3  }
0x1: {  	(tag) =	ssettag $0x0;
	lr =	simm.s32 $0x1  }
0x2: {  	[smem:$0x3F9E] =	sst lr;
	_ =	strace $0xD0000000  }
0x3: {  	_ = 	snop  }
0x4: {  	_ = 	snop  }
0x5: {  	_ = 	snop  }
0x6: {  	_ = 	snop  }
0x7: {  	_ = 	snop  }
__scs_overlays_trampoline_lowered:
0x8: {  	[smem:$0x3FAD] =	sst s0  }
0x9: {  	[smem:$0x3FAE] =	sst s1  }
0xa: {  	[smem:$0x3FAF] =	sst s2  }
0xb: {  	[smem:$0x3FB0] =	sst s3  }
0xc: {  	[smem:$0x3FB1] =	sst s4  }
0xd: {  	[smem:$0x3FB2] =	sst s5  }
0xe: {  	[smem:$0x3FB3] =	sst s6  }
0xf: {  	[smem:$0x3FB4] =	sst s7  }
0x10: {  	[smem:$0x3FB5] =	sst s8  }
0x11: {  	[smem:$0x3FB6] =	sst s9;
	s0 =	simm.s32 @!p0 $0x0  }
0x12: {  	s1 =	sld [smem:$0x3F9C];
	s0 =	simm.s32 @p0 $0x1  }
0x13: {  	[smem:$0x3FB7] =	sst s0;
	s0 =	simm.s32 @!p1 $0x0  }
0x14: {  	s2 =	sld [smem:$0x3F9B];
	s0 =	simm.s32 @p1 $0x1  }
0x15: {  	[smem:$0x3FB8] =	sst s0;
	s0 =	simm.s32 @!p2 $0x0  }
0x16: {  	s3 =	sld [smem:$0x3FDB];
	s0 =	simm.s32 @p2 $0x1  }
0x17: {  	s4 =	simm.s32 $0x1BF5;
	[smem:$0x3FBA] =	sst s0  }
0x18: {  	s0 =	sld [smem:$0x3F9D];
	_ =	swait.ge [sflag:s4], $0x0  }
0x19: {  	s7 =	sld [smem:$0x3F9E]  }
0x1a: {  	s8 =	sadd.s32 $0xFFFFE003, lr  }
0x1b: {  	s9 =	sadd.s32 $0xFFFFFEF7, lr;
	s5 =	simm.s32 $0xFFFFFFFF;
	p2 =	slt.u32 s8, $0xFFFFF086  }
0x1c: {  	p1 =	slt.u32 s9, $0xF7A;
	s5 =	simm.s32 @!p2 $0x0  }
0x1d: {  	s5 =	simm.s32 @p1 $0x1;
	p0 =	seq.s32 s7, s2  }
0x1e: {  	s7 =	smul.u32 @!p0 $0xF7A, s2;
	p2 =	seq.s32 @!p0 s5, $0x0  }
0x1f: {  	s9 =	smul.u32 $0xF7A, s1;
	s8 =	simm.s32 @!p0 $0x1BF5;
	p2 =	por !p2, p0  }
0x20: {  	[sflag:s8] =	ssyncset.s32 @!p0 $0xFFFFF086;
	s6 =	sadd.s32 @!p0 s3, s7;
	s7 =	simm.s32 @!p0 $0x108  }
0x21: {  	s3 =	sadd.s32 s3, s9;
	s6 =	sadd.s32 @!p0 $0x88, s6;
	s7 =	simm.s32 @p2 $0x1082  }
0x22: {  	[simem:s7], [sflag:s8] =	dma.local @!p0 [hbm:s6], $0xF7A  }
0x23: {  	s9 =	sor.u32 $0xD0000000, s2;
	s6 =	simm.s32 $0x108;
	_ =	swait.ge @!p0 [sflag:s8], $0x0  }
0x24: {  	s3 =	sadd.s32 $0x88, s3;
	s6 =	simm.s32 @!p1 $0x1082;
	[sflag:s4] =	ssyncset.s32 $0xFFFFF086  }
0x25: {  	[simem:s6], [sflag:s4] =	dma.local [hbm:s3], $0xF7A  }
0x26: {  	[smem:$0x3F9E] =	sst s1;
	(tag) =	ssettag s2;
	_ =	strace s9  }
0x27: {  	s1 =	sld [smem:$0x3FAE]  }
0x28: {  	s2 =	sld [smem:$0x3FAF]  }
0x29: {  	s4 =	sld [smem:$0x3FB1]  }
0x2a: {  	p0 =	seq.s32 s5, $0x0;
	s5 =	sld [smem:$0x3FB2]  }
0x2b: {  	s6 =	sld [smem:$0x3FB3]  }
0x2c: {  	s7 =	sld [smem:$0x3FB4]  }
0x2d: {  	s3 =	simm.s32 $0x108;
	s8 =	sld [smem:$0x3FB5]  }
0x2e: {  	s3 =	simm.s32 @!p0 $0x1082;
	s9 =	sld [smem:$0x3FB6]  }
0x2f: {  	lr =	sadd.s32 s0, s3;
	s0 =	sld [smem:$0x3FAD]  }
0x30: {  	s3 =	sld [smem:$0x3FB0]  }
0x31: {  	[smem:$0x3FB9] =	sst s10  }
0x32: {  	s10 =	sld [smem:$0x3FB7];
	_ =	sdelay $0x3  }
0x33: {  	p0 =	seq.s32 s10, $0x1;
	s10 =	sld [smem:$0x3FB9];
	_ =	sdelay $0x3  }
0x34: {  	[smem:$0x3FB9] =	sst s10  }
0x35: {  	s10 =	sld [smem:$0x3FB8];
	_ =	sdelay $0x3  }
0x36: {  	p1 =	seq.s32 s10, $0x1;
	s10 =	sld [smem:$0x3FB9];
	_ =	sdelay $0x3  }
0x37: {  	[smem:$0x3FB9] =	sst s10  }
0x38: {  	s10 =	sld [smem:$0x3FBA]  }
0x39: {  	_ = 	snop;
	(pc) =	sbr.ind lr, $3  }
0x3a: {  	_ = 	snop  }
0x3b: {  	_ = 	snop  }
0x3c: {  	p2 =	seq.s32 s10, $0x1;
	s10 =	sld [smem:$0x3FB9]  }
0x3d: {  	_ =	shalt  }
0x3e: {  	_ =	shalt  }
0x3f: {  	_ =	shalt  }
0x40: {  	_ =	shalt  }
0x41: {  	_ =	shalt  }
0x42: {  	_ =	shalt  }
0x43: {  	_ =	shalt  }
0x44: {  	_ =	shalt  }
0x45: {  	_ =	shalt  }
0x46: {  	_ =	shalt  }
0x47: {  	_ =	shalt  }
0x48: {  	_ =	shalt  }
0x49: {  	_ =	shalt  }
0x4a: {  	_ =	shalt  }
0x4b: {  	_ =	shalt  }
0x4c: {  	_ =	shalt  }
0x4d: {  	_ =	shalt  }
0x4e: {  	_ =	shalt  }
0x4f: {  	_ =	shalt  }
0x50: {  	_ =	shalt  }
0x51: {  	_ =	shalt  }
0x52: {  	_ =	shalt  }
0x53: {  	_ =	shalt  }
0x54: {  	_ =	shalt  }
0x55: {  	_ =	shalt  }
0x56: {  	_ =	shalt  }
0x57: {  	_ =	shalt  }
0x58: {  	_ =	shalt  }
0x59: {  	_ =	shalt  }
0x5a: {  	_ =	shalt  }
0x5b: {  	_ =	shalt  }
0x5c: {  	_ =	shalt  }
0x5d: {  	_ =	shalt  }
0x5e: {  	_ =	shalt  }
0x5f: {  	_ =	shalt  }
0x60: {  	_ =	shalt  }
0x61: {  	_ =	shalt  }
0x62: {  	_ =	shalt  }
0x63: {  	_ =	shalt  }
0x64: {  	_ =	shalt  }
0x65: {  	_ =	shalt  }
0x66: {  	_ =	shalt  }
0x67: {  	_ =	shalt  }
0x68: {  	_ =	shalt  }
0x69: {  	_ =	shalt  }
0x6a: {  	_ =	shalt  }
0x6b: {  	_ =	shalt  }
0x6c: {  	_ =	shalt  }
0x6d: {  	_ =	shalt  }
0x6e: {  	_ =	shalt  }
0x6f: {  	_ =	shalt  }
0x70: {  	_ =	shalt  }
0x71: {  	_ =	shalt  }
0x72: {  	_ =	shalt  }
0x73: {  	_ =	shalt  }
0x74: {  	_ =	shalt  }
0x75: {  	_ =	shalt  }
0x76: {  	_ =	shalt  }
0x77: {  	_ =	shalt  }
0x78: {  	_ =	shalt  }
0x79: {  	_ =	shalt  }
0x7a: {  	_ =	shalt  }
0x7b: {  	_ =	shalt  }
0x7c: {  	_ =	shalt  }
0x7d: {  	_ =	shalt  }
0x7e: {  	_ =	shalt  }
0x7f: {  	_ =	shalt  }
0x80: {  	_ =	shalt  }
0x81: {  	_ =	shalt  }
0x82: {  	_ =	shalt  }
0x83: {  	_ =	shalt  }
0x84: {  	_ =	shalt  }
0x85: {  	_ =	shalt  }
0x86: {  	_ =	shalt  }
0x87: {  	_ =	shalt  }
.Lfunc_end0:
.L_simem_size_0:
called_computation_lowered:
.L_overlay_start_0:
0x88: {  	s2 =	sld [smem:$0x3FD9]  }
0x89: {  	s3 =	sld [smem:$0x3FFE];
	_ =	sdelay $0x1  }
0x8a: {  	s1 =	srdreg.scid  }
0x8b: {  	s0 =	sand.u32 $0x1, s1  }
0x8c: {  	s14 =	sshll.u32 s0, $0xA;
	s2 =	sadd.s32 s3, s2  }
0x8d: {  	s2 =	sadd.s32 s2, s14  }
0x8e: {  	[smem:$0x3FC5] =	sst s2  }
0x8f: {  	_ = 	snop  }
0x90: {  	s2 =	sld [smem:$0x3FD0];
	_ =	sdelay $0x2  }
0x91: {  	s15 =	simm.s32 $0xA;
	s4 =	simm.s32 $0x10  }
0x92: {  	[smem:s4], [sflag:s15] =	dma.local [hbm:s2], $0x1  }
0x93: {  	_ =	swait.eq [sflag:s15], $0x1  }
0x94: {  	[sflag:s15] =	ssyncset.done $0x0  }
0x95: {  	[sflag:s15] =	ssyncadd.s32 $0xFFFFFFFF  }
0x96: {  	s16 =	sld [smem:$0x10];
	(tm) =	ssettm $0x1  }
0x97: {  	s17 =	sld [smem:$0x3FFB];
	_ =	sdelay $0x3  }
0x98: {  	_ =	strace s17  }
0x99: {  	s3 =	sld [smem:$0x3FFC];
	_ =	sdelay $0x3  }
0x9a: {  	_ =	strace s3  }
0x9b: {  	s3 =	sld [smem:$0x3FFD];
	_ =	sdelay $0x3  }
0x9c: {  	_ =	strace s3  }
0x9d: {  	_ =	strace $0x8FFFFFFF  }
0x9e: {  	s18 =	sld [smem:$0x3FDB];
	_ =	sdelay $0x1  }
0x9f: {  	s19 =	simm.s32 $_scs_section_size  }
0xa0: {  	s5 =	simm.s32 $_size__tile_overlayer_lowered;
	s6 =	simm.s32 $_tile_overlayer_lowered  }
0xa1: {  	s22 =	simm.s32 $0x1BFF;
	s21 =	sshll.u32 s6, $0x1;
	s3 =	sadd.s32 s19, s18  }
0xa2: {  	s7 =	simm.s32 $0x0;
	s20 =	sshll.u32 s5, $0x1;
	s5 =	sadd.s32 s21, s3  }
0xa3: {  	[timem:s7], [sflag:s22] =	dma.local [hbm:s5], s20  }
0xa4: {  	_ =	swait.ge [sflag:s22], s20  }
0xa5: {  	s4 =	ssub.s32 $0x0, s20;
	[sflag:s22] =	ssyncset.done $0x0  }
0xa6: {  	[sflag:s22] =	ssyncadd.s32 s4;
	_ =	sdelay $0x1  }
0xa7: {  	s23 =	simm.s32 $0x1B8B  }
0xa8: {  	_ =	swait.ge [sflag:s23], $0x1  }
0xa9: {  	[sflag:s23] =	ssyncset.done $0x0  }
0xaa: {  	s25 =	simm.s32 $0x1B8E;
	s24 =	sld [smem:$0x3FFE];
	[sflag:s23] =	ssyncadd.s32 $0xFFFFFFFF  }
0xab: {  	s26 =	simm.s32 $execute0_lowered;
	[smem:$0x3FD2] =	sst s25  }
0xac: {  	s5 =	sshll.u32 s26, $0x1;
	_ =	strace $0x80000046;
	[dreg:$0x1] =	wrdreg $0xFFFFFFFF  }
0xad: {  	s28 =	simm.s32 $_size_execute0_lowered;
	s3 =	sadd.s32 s3, s5;
	[dreg:$0x0] =	wrdreg $0x0  }
0xae: {  	s5 =	sshll.u32 s28, $0x1;
	[dreg:$0x2] =	wrdreg s3  }
0xaf: {  	[dreg:$0x3] =	wrdreg s5  }
0xb0: {  	[dreg:$0x4] =	wrdreg $0xC0  }
0xb1: {  	_ =	task [dreg:s7], $0x5FFFF  }
0xb2: {  	[dreg:$0x1] =	wrdreg $0xFFFFFFFF  }
0xb3: {  	[dreg:$0x0] =	wrdreg $0x60  }
0xb4: {  	[dreg:$0x2] =	wrdreg s16  }
0xb5: {  	[dreg:$0x3] =	wrdreg s24  }
0xb6: {  	[dreg:$0x4] =	wrdreg $0x9  }
0xb7: {  	_ =	task.clear_ibuf [dreg:s7], $0x5FFFF;
	_ =	strace $0x90000046  }
0xb8: {  	s29 =	simm.s32 $0x9;
	_ =	strace $0x80000048  }
0xb9: {  	_ =	swait.ge [sflag:s29], $0x1  }
0xba: {  	[sflag:s29] =	ssyncadd.s32 $0xFFFFFFFF  }
0xbb: {  	_ =	strace $0x90000048  }
0xbc: {  	_ =	sfence  }
0xbd: {  	s30 =	sld [smem:$0x0];
	_ =	sdelay $0x2  }
0xbe: {  	s31 =	sshll.u32 s1, $0xD;
	s1 =	sshrl.u32 s1, $0x2  }
0xbf: {  	s3 =	sand.u32 $0x4000, s31;
	s1 =	sadd.s32 s1, s30  }
0xc0: {  	s0 =	sor.u32 s3, s0;
	s1 =	sshll.u32 s1, $0x11  }
0xc1: {  	s0 =	sor.u32 s1, s0  }
0xc2: {  	s0 =	sadd.s32 $0x8F2B, s0  }
0xc3: {  	[sflag:s0] =	ssyncadd.remote.s32 $0x1  }
0xc4: {  	_ =	sfence.sel $0xFFFF  }
0xc5: {  	[dreg:$0x0] =	wrdreg $0xFFFFFFFF;
	(pc) =	sbr.abs _section_cstart, $3  }
0xc6: {  	[dreg:$0x1] =	wrdreg $0xFFFFFFFF  }
0xc7: {  	_ =	task.clear_ibuf [dreg:s7], $0x2FFFF;
	_ =	strace $0x9FFFFFFF  }
0xc8: {  	(tm) =	ssettm $0x7FFFFFFF  }
0xc9: {  	_ =	shalt  }
tec
execute0_lowered:
.L_overlay_start_1:
0x0: {  	(tag) =	ssettag $0x1  }
0x1: {  	v5 =	vlaneseq.u32;
	vm0 =	vmmov $0xffff;
	v3 =	vimm.s32 $0x2380  }
0x2: {  	s0 =	srdreg.scid;
	vm1 =	vcmask $0x300;
	v4 =	vimm.s32 $0x6380;
	vm2 =	vcmask $0x704  }
0x3: {  	s1 =	stileid.u32;
	s2 =	rddreg [dreg:$0x0];
	v0 =	vand.u32 $0x7, v5;
	v1 =	vshrl.u32 v5, $0x3;
	v2 =	vor.u32 $0x8, v5  }
0x4: {  	s5 =	rddreg [dreg:$0x1];
	s4 =	simm.s32 $0x0;
	s22 =	simm.s32 $0x5;
	v3 =	vsel vm1, $0x0, v3;
	v4 =	vsel vm1, $0x4000, v4;
	vm1 =	vcmask $0xB08  }
0x5: {  	s17 =	simm.s32 $0xD00;
	s18 =	simm.s32 $0x1100;
	s19 =	simm.s32 $0x9100;
	v5 =	vor.u32 $0x1C60, v5;
	v3 =	vsel vm2, $0x80, v3;
	v4 =	vsel vm2, $0x4080, v4  }
0x6: {  	s16 =	simm.s32 $0x10100;
	s13 =	simm.s32 $0x15100;
	s14 =	simm.s32 $0x2;
	vm2 =	vcmask $0xF0C;
	v3 =	vsel vm1, $0x100, v3;
	v4 =	vsel vm1, $0x4100, v4  }
0x7: {  	s15 =	simm.s32 $0x3;
	s20 =	simm.s32 $0x4;
	s23 =	simm.s32 $0x0;
	vm1 =	vcmask $0x1310;
	v3 =	vsel vm2, $0x180, v3;
	v4 =	vsel vm2, $0x4180, v4  }
0x8: {  	s0 =	sand.u32 $0x1, s0;
	s1 =	sshll.u32 s1, $0x1;
	[smem:$0x7FF] =	sst s4;
	vm2 =	vcmask $0x1714;
	v3 =	vsel vm1, $0x200, v3;
	v4 =	vsel vm1, $0x4200, v4  }
0x9: {  	s30 =	sadd.s32 $0x3C00, s5;
	s9 =	sadd.s32 $0x100, s2;
	s10 =	sadd.s32 $0x200, s2;
	vm1 =	vcmask $0x1B18;
	v3 =	vsel vm2, $0x280, v3;
	v4 =	vsel vm2, $0x4280, v4  }
0xa: {  	s11 =	sadd.s32 $0x300, s2;
	s12 =	sadd.s32 $0x4800, s5;
	s1 =	sor.u32 s0, s1;
	vm2 =	vcmask $0x1F1C;
	v3 =	vsel vm1, $0x300, v3;
	v4 =	vsel vm1, $0x4300, v4  }
0xb: {  	_ =	strace $0x80000047;
	s0 =	ssub.s32 $0x2, s0;
	[dreg:$0x3] =	wrdreg s30;
	vm1 =	vcmask $0x2320;
	v3 =	vsel vm2, $0x380, v3;
	v4 =	vsel vm2, $0x4380, v4  }
0xc: {  	s3 =	smul.u32 $0x640, s1;
	s1 =	sshll.u32 s1, $0x4;
	s8 =	sshrl.u32 s0, $0x1;
	vm2 =	vcmask $0x2724;
	v3 =	vsel vm1, $0x2000, v3;
	v4 =	vsel vm1, $0x6000, v4  }
0xd: {  	s1 =	sadd.s32 s1, s5;
	s0 =	ssub.s32 s0, s8;
	s8 =	simm.s32 $0x11100;
	vm1 =	vcmask $0x2B28;
	v3 =	vsel vm2, $0x2080, v3;
	v4 =	vsel vm2, $0x6080, v4  }
0xe: {  	s6 =	sshrl.u32 s3, $0x3;
	s1 =	sadd.s32 $0x3E00, s1;
	s0 =	smax.u32 s0, $0x1;
	vm2 =	vcmask $0x2F2C;
	v3 =	vsel vm1, $0x2100, v3;
	v4 =	vsel vm1, $0x6100, v4  }
0xf: {  	s7 =	sadd.s32 s6, s5;
	s6 =	sadd.s32 $0x4000, s5;
	[dreg:$0x6] =	wrdreg s1;
	vm1 =	vcmask $0x3330;
	v3 =	vsel vm2, $0x2180, v3;
	v4 =	vsel vm2, $0x6180, v4  }
0x10: {  	[dreg:$0x7] =	wrdreg s0;
	s1 =	simm.s32 $0xF100;
	s31 =	sadd.s32 $0x800, s7;
	vm2 =	vcmask $0x3734;
	v3 =	vsel vm1, $0x2200, v3;
	v4 =	vsel vm1, $0x6200, v4  }
0x11: {  	s0 =	simm.s32 $0xF900;
	s7 =	sadd.s32 $0x2200, s7;
	[dreg:$0x4] =	wrdreg s31;
	vm1 =	vcmask $0x3B38;
	v3 =	vsel vm2, $0x2280, v3;
	v4 =	vsel vm2, $0x6280, v4  }
0x12: {  	v1 =	vmul.u32 $0x8, v1;
	s5 =	simm.s32 $0x10900;
	[dreg:$0x5] =	wrdreg s7;
	s7 =	simm.s32 $0x1;
	v3 =	vsel vm1, $0x2300, v3;
	v4 =	vsel vm1, $0x6300, v4  }
.LBB2_1:
0x13: {  	[dreg:$0x8] =	wrdreg s23  }
0x14: {  	s21 =	rddreg [dreg:$0x4]  }
0x15: {  	[tilespmem:s4], [sflag:$0x5] =	stream.linear.gather [hbm4b:s21+s4], $0x640, $0x38;
	[tilespmem:$0x19180] =	vst v63  }
0x16: {  	_ =	swait.ge [sflag:s22], $0x640  }
0x17: {  	[sflag:s22] =	ssyncset.done $0x0  }
0x18: {  	s31 =	simm.s32 $0x680;
	s30 =	rddreg [dreg:$0x5];
	[sflag:s22] =	ssyncadd.s32 $0xFFFFF9C0  }
0x19: {  	[tilespmem:s31], [sflag:$0x5] =	stream.linear.gather [hbm4b:s30+s4], $0x640, $0x38;
	[tilespmem:$0x19180] =	vst v63  }
0x1a: {  	_ =	swait.ge [sflag:s22], $0x640  }
0x1b: {  	[sflag:s22] =	ssyncset.done $0x0  }
0x1c: {  	s24 =	rddreg [dreg:$0x3];
	[sflag:s22] =	ssyncadd.s32 $0xFFFFF9C0  }
0x1d: {  	[tilespmem:s17], [sflag:$0x5] =	stream.linear.gather [hbm4b:s24+s4], $0x400, $0x38;
	[tilespmem:$0x19180] =	vst v63  }
0x1e: {  	_ =	swait.ge [sflag:s22], $0x400  }
0x1f: {  	[sflag:s22] =	ssyncset.done $0x0  }
0x20: {  	[sflag:s22] =	ssyncadd.s32 $0xFFFFFC00  }
0x21: {  	v6 =	vld [tilespmem:$0x0];
	_ =	sdelay $0x4  }
0x22: {  	v7 =	vshll.u32 v6, $0x3  }
0x23: {  	v6 =	vand.u32 $0x7, v6;
	v7 =	vand.u32 $0xFFFFFFC0, v7  }
0x24: {  	v6 =	vor.u32 v6, v7  }
0x25: {  	v7 =	vperm.xlane v6, v0;
	_ =	sdelay $0x1  }
0x26: {  	v7 =	vadd.s32 v1, v7;
	_ =	sdelay $0x4  }
0x27: {  	[tilespmem:s18], [sflag:$0x1] =	stream.indirect_vreg.gather [hbm4b:s2+s4], $0x80, v7, vm0, $0xb8;
	[tilespmem:$0x19180] =	vst v63  }
0x28: {  	s25 =	simm.s32 $0x1900;
	v6 =	vperm.xlane v6, v2  }
0x29: {  	[tilespmem:s25], [sflag:$0x1] =	stream.indirect_vreg.gather [hbm4b:s9+s4], $0x80, v7, vm0, $0xb8;
	[tilespmem:$0x19180] =	vst v63  }
0x2a: {  	s26 =	simm.s32 $0x2100;
	v6 =	vadd.s32 v1, v6  }
0x2b: {  	[tilespmem:s26], [sflag:$0x1] =	stream.indirect_vreg.gather [hbm4b:s10+s4], $0x80, v7, vm0, $0xb8;
	[tilespmem:$0x19180] =	vst v63  }
0x2c: {  	s28 =	simm.s32 $0x2900  }
0x2d: {  	[tilespmem:s28], [sflag:$0x1] =	stream.indirect_vreg.gather [hbm4b:s11+s4], $0x80, v7, vm0, $0xb8;
	[tilespmem:$0x19180] =	vst v63  }
0x2e: {  	s29 =	simm.s32 $0x3100  }
0x2f: {  	[tilespmem:s29], [sflag:$0x1] =	stream.indirect_vreg.gather [hbm4b:s2+s4], $0x80, v6, vm0, $0xb8;
	[tilespmem:$0x19180] =	vst v63  }
0x30: {  	s30 =	simm.s32 $0x3900  }
0x31: {  	[tilespmem:s30], [sflag:$0x1] =	stream.indirect_vreg.gather [hbm4b:s9+s4], $0x80, v6, vm0, $0xb8;
	[tilespmem:$0x19180] =	vst v63  }
0x32: {  	s31 =	simm.s32 $0x4100  }
0x33: {  	[tilespmem:s31], [sflag:$0x1] =	stream.indirect_vreg.gather [hbm4b:s10+s4], $0x80, v6, vm0, $0xb8;
	[tilespmem:$0x19180] =	vst v63  }
0x34: {  	s22 =	simm.s32 $0x4900  }
0x35: {  	[tilespmem:s22], [sflag:$0x1] =	stream.indirect_vreg.gather [hbm4b:s11+s4], $0x80, v6, vm0, $0xb8;
	[tilespmem:$0x19180] =	vst v63  }
0x36: {  	v6 =	vld [tilespmem:$0x10];
	_ =	sdelay $0x4  }
0x37: {  	v7 =	vshll.u32 v6, $0x3  }
0x38: {  	v6 =	vand.u32 $0x7, v6;
	v7 =	vand.u32 $0xFFFFFFC0, v7  }
0x39: {  	v6 =	vor.u32 v6, v7  }
0x3a: {  	v7 =	vperm.xlane v6, v0;
	_ =	sdelay $0x1  }
0x3b: {  	v7 =	vadd.s32 v1, v7;
	_ =	sdelay $0x3  }
0x3c: {  	s23 =	simm.s32 $0x5100  }
0x3d: {  	[tilespmem:s23], [sflag:$0x1] =	stream.indirect_vreg.gather [hbm4b:s2+s4], $0x80, v7, vm0, $0xb8;
	[tilespmem:$0x19180] =	vst v63  }
0x3e: {  	s24 =	simm.s32 $0x5900;
	v6 =	vperm.xlane v6, v2  }
0x3f: {  	[tilespmem:s24], [sflag:$0x1] =	stream.indirect_vreg.gather [hbm4b:s9+s4], $0x80, v7, vm0, $0xb8;
	[tilespmem:$0x19180] =	vst v63  }
0x40: {  	s25 =	simm.s32 $0x6100;
	v6 =	vadd.s32 v1, v6  }
0x41: {  	[tilespmem:s25], [sflag:$0x1] =	stream.indirect_vreg.gather [hbm4b:s10+s4], $0x80, v7, vm0, $0xb8;
	[tilespmem:$0x19180] =	vst v63  }
0x42: {  	s26 =	simm.s32 $0x6900  }
0x43: {  	[tilespmem:s26], [sflag:$0x1] =	stream.indirect_vreg.gather [hbm4b:s11+s4], $0x80, v7, vm0, $0xb8;
	[tilespmem:$0x19180] =	vst v63  }
0x44: {  	s28 =	simm.s32 $0x7100  }
0x45: {  	[tilespmem:s28], [sflag:$0x1] =	stream.indirect_vreg.gather [hbm4b:s2+s4], $0x80, v6, vm0, $0xb8;
	[tilespmem:$0x19180] =	vst v63  }
0x46: {  	s29 =	simm.s32 $0x7900  }
0x47: {  	[tilespmem:s29], [sflag:$0x1] =	stream.indirect_vreg.gather [hbm4b:s9+s4], $0x80, v6, vm0, $0xb8;
	[tilespmem:$0x19180] =	vst v63  }
0x48: {  	s30 =	simm.s32 $0x8100  }
0x49: {  	[tilespmem:s30], [sflag:$0x1] =	stream.indirect_vreg.gather [hbm4b:s10+s4], $0x80, v6, vm0, $0xb8;
	[tilespmem:$0x19180] =	vst v63  }
0x4a: {  	s21 =	simm.s32 $0x0;
	s31 =	simm.s32 $0x8900  }
0x4b: {  	[tilespmem:s31], [sflag:$0x1] =	stream.indirect_vreg.gather [hbm4b:s11+s4], $0x80, v6, vm0, $0xb8;
	v6 =	vimm.f32 $0.0e+00;
	[tilespmem:$0x19180] =	vst v63  }
.LBB2_2:
0x4c: {  	s22 =	sshllo.u32 s21, $0x1  }
0x4d: {  	s22 =	sshll.u32 s22, $0x5  }
0x4e: {  	s23 =	sand.u32 $0x3FFFFFE0, s22  }
0x4f: {  	v7 =	vld [tilespmem:s23+$0x0];
	_ =	sdelay $0x4  }
0x50: {  	v8 =	vshll.u32 v7, $0x3  }
0x51: {  	v7 =	vand.u32 $0x7, v7;
	v8 =	vand.u32 $0xFFFFFFC0, v8  }
0x52: {  	v7 =	vor.u32 v7, v8  }
0x53: {  	v8 =	vperm.xlane v7, v0;
	_ =	sdelay $0x1  }
0x54: {  	v8 =	vadd.s32 v1, v8;
	_ =	sdelay $0x4  }
0x55: {  	[tilespmem:s19], [sflag:$0x2] =	stream.indirect_vreg.gather [hbm4b:s2+s4], $0x80, v8, vm0, $0xb8;
	[tilespmem:$0x19180] =	vst v63  }
0x56: {  	s24 =	simm.s32 $0x9900;
	v7 =	vperm.xlane v7, v2  }
0x57: {  	[tilespmem:s24], [sflag:$0x2] =	stream.indirect_vreg.gather [hbm4b:s9+s4], $0x80, v8, vm0, $0xb8;
	[tilespmem:$0x19180] =	vst v63  }
0x58: {  	s25 =	simm.s32 $0xA100;
	v7 =	vadd.s32 v1, v7  }
0x59: {  	[tilespmem:s25], [sflag:$0x2] =	stream.indirect_vreg.gather [hbm4b:s10+s4], $0x80, v8, vm0, $0xb8;
	[tilespmem:$0x19180] =	vst v63  }
0x5a: {  	s26 =	simm.s32 $0xA900  }
0x5b: {  	[tilespmem:s26], [sflag:$0x2] =	stream.indirect_vreg.gather [hbm4b:s11+s4], $0x80, v8, vm0, $0xb8;
	[tilespmem:$0x19180] =	vst v63  }
0x5c: {  	s29 =	simm.s32 $0xB100  }
0x5d: {  	[tilespmem:s29], [sflag:$0x2] =	stream.indirect_vreg.gather [hbm4b:s2+s4], $0x80, v7, vm0, $0xb8;
	[tilespmem:$0x19180] =	vst v63  }
0x5e: {  	s30 =	simm.s32 $0xB900  }
0x5f: {  	[tilespmem:s30], [sflag:$0x2] =	stream.indirect_vreg.gather [hbm4b:s9+s4], $0x80, v7, vm0, $0xb8;
	[tilespmem:$0x19180] =	vst v63  }
0x60: {  	s31 =	simm.s32 $0xC100  }
0x61: {  	[tilespmem:s31], [sflag:$0x2] =	stream.indirect_vreg.gather [hbm4b:s10+s4], $0x80, v7, vm0, $0xb8;
	[tilespmem:$0x19180] =	vst v63  }
0x62: {  	s25 =	simm.s32 $0xC900  }
0x63: {  	[tilespmem:s25], [sflag:$0x2] =	stream.indirect_vreg.gather [hbm4b:s11+s4], $0x80, v7, vm0, $0xb8;
	[tilespmem:$0x19180] =	vst v63  }
0x64: {  	v7 =	vld [tilespmem:s23+$0x10];
	_ =	sdelay $0x4  }
0x65: {  	v8 =	vshll.u32 v7, $0x3  }
0x66: {  	v7 =	vand.u32 $0x7, v7;
	v8 =	vand.u32 $0xFFFFFFC0, v8  }
0x67: {  	v7 =	vor.u32 v7, v8  }
0x68: {  	v8 =	vperm.xlane v7, v0;
	_ =	sdelay $0x1  }
0x69: {  	v8 =	vadd.s32 v1, v8;
	_ =	sdelay $0x3  }
0x6a: {  	s26 =	simm.s32 $0xD100  }
0x6b: {  	[tilespmem:s26], [sflag:$0x2] =	stream.indirect_vreg.gather [hbm4b:s2+s4], $0x80, v8, vm0, $0xb8;
	[tilespmem:$0x19180] =	vst v63  }
0x6c: {  	s29 =	simm.s32 $0xD900;
	v7 =	vperm.xlane v7, v2  }
0x6d: {  	[tilespmem:s29], [sflag:$0x2] =	stream.indirect_vreg.gather [hbm4b:s9+s4], $0x80, v8, vm0, $0xb8;
	[tilespmem:$0x19180] =	vst v63  }
0x6e: {  	s30 =	simm.s32 $0xE100;
	v7 =	vadd.s32 v1, v7  }
0x6f: {  	[tilespmem:s30], [sflag:$0x2] =	stream.indirect_vreg.gather [hbm4b:s10+s4], $0x80, v8, vm0, $0xb8;
	[tilespmem:$0x19180] =	vst v63  }
0x70: {  	s31 =	simm.s32 $0xE900  }
0x71: {  	[tilespmem:s31], [sflag:$0x2] =	stream.indirect_vreg.gather [hbm4b:s11+s4], $0x80, v8, vm0, $0xb8;
	[tilespmem:$0x19180] =	vst v63  }
0x72: {  	_ = 	snop  }
0x73: {  	[tilespmem:s1], [sflag:$0x2] =	stream.indirect_vreg.gather [hbm4b:s2+s4], $0x80, v7, vm0, $0xb8;
	[tilespmem:$0x19180] =	vst v63  }
0x74: {  	_ = 	snop  }
0x75: {  	[tilespmem:s0], [sflag:$0x2] =	stream.indirect_vreg.gather [hbm4b:s9+s4], $0x80, v7, vm0, $0xb8;
	[tilespmem:$0x19180] =	vst v63  }
0x76: {  	_ = 	snop  }
0x77: {  	[tilespmem:s16], [sflag:$0x2] =	stream.indirect_vreg.gather [hbm4b:s10+s4], $0x80, v7, vm0, $0xb8;
	[tilespmem:$0x19180] =	vst v63  }
0x78: {  	_ = 	snop  }
0x79: {  	[tilespmem:s5], [sflag:$0x2] =	stream.indirect_vreg.gather [hbm4b:s11+s4], $0x80, v7, vm0, $0xb8;
	[tilespmem:$0x19180] =	vst v63  }
0x7a: {  	_ =	swait.ge [sflag:s7], $0x8000  }
0x7b: {  	[sflag:s7] =	ssyncset.done $0x0  }
0x7c: {  	s23 =	sshll.u32 s21, $0x6;
	[sflag:s7] =	ssyncadd.s32 $0xFFFF8000  }
0x7d: {  	v7 =	vld [tilespmem:s23+$0x680];
	_ =	sdelay $0x2  }
0x7e: {  	v8 =	vld [tilespmem:s23+$0x0]  }
0x7f: {  	v9 =	vld [tilespmem:s23+$0x690]  }
0x80: {  	v10 =	vshll.u32 v7, $0x3  }
0x81: {  	v7 =	vand.u32 $0x7F, v7;
	v10 =	vand.u32 $0xFFFFFC00, v10  }
0x82: {  	v63 =	vld [tilespmem:s23+$0x10];
	v7 =	vor.u32 v7, v10  }
0x83: {  	v7 =	vadd.s32 v3, v7  }
0x84: {  	v11 =	vshll.u32 v9, $0x3  }
0x85: {  	v9 =	vand.u32 $0x7F, v9;
	v11 =	vand.u32 $0xFFFFFC00, v11  }
0x86: {  	v9 =	vor.u32 v9, v11;
	v8 =	vld.idx.msk [tilespmem:v8+s17+$0x0], $0xffff  }
0x87: {  	v9 =	vadd.s32 v4, v9  }
0x88: {  	v7 =	vld.idx.msk [tilespmem:v7+s18+$0x0], $0xffff;
	_ =	sdelay $0x1  }
0x89: {  	v10 =	vld.idx.msk [tilespmem:v63+s17+$0x0], $0xffff  }
0x8a: {  	v6 =	vadd.f32 v8, v6  }
0x8b: {  	v8 =	vld.idx.msk [tilespmem:v9+s18+$0x0], $0xffff  }
0x8c: {  	p0 =	seq.s32 s21, $0x0;
	v6 =	vsub.f32 v6, v7  }
0x8d: {  	s24 =	simm.s32 @!p0 $0x3  }
0x8e: {  	_ =	swait.ge @!p0 [sflag:s24], $0x4000;
	v6 =	vadd.f32 v10, v6  }
0x8f: {  	s28 =	simm.s32 $0x0;
	s25 =	simm.s32 $0x0;
	[sflag:s24] =	ssyncset.done @!p0 $0x0  }
0x90: {  	s26 =	simm.s32 $0x0;
	[sflag:s24] =	ssyncadd.s32 @!p0 $0xFFFFC000;
	s24 =	simm.s32 $0x0;
	v6 =	vsub.f32 v6, v8  }
.LBB2_3:
0x91: {  	s29 =	sand.u32 $0x2000, s25;
	s30 =	sand.u32 $0x380, s26  }
0x92: {  	s29 =	sor.u32 s30, s29  }
0x93: {  	v7 =	vld [tilespmem:s29+$0x1100]  }
0x94: {  	v8 =	vld [tilespmem:s29+$0x1110]  }
0x95: {  	v9 =	vld [tilespmem:s29+$0x1120]  }
0x96: {  	v10 =	vld [tilespmem:s29+$0x1130]  }
0x97: {  	v11 =	vld [tilespmem:s29+$0x1140]  }
0x98: {  	[tilespmem:s29+$0x11100] =	vst v7;
	v7 =	vld [tilespmem:s29+$0x1150]  }
0x99: {  	v33 =	vld [tilespmem:s29+$0x1170];
	[tilespmem:s29+$0x11110] =	vst v8  }
0x9a: {  	v34 =	vld [tilespmem:s29+$0x1500];
	[tilespmem:s29+$0x11120] =	vst v9  }
0x9b: {  	v35 =	vld [tilespmem:s29+$0x1510];
	[tilespmem:s29+$0x11130] =	vst v10  }
0x9c: {  	v8 =	vld [tilespmem:s29+$0x1160];
	[tilespmem:s29+$0x11140] =	vst v11  }
0x9d: {  	[tilespmem:s29+$0x11150] =	vst v7;
	v7 =	vld [tilespmem:s29+$0x1520]  }
0x9e: {  	v36 =	vld [tilespmem:s29+$0x1540];
	[tilespmem:s29+$0x11170] =	vst v33  }
0x9f: {  	v37 =	vld [tilespmem:s29+$0x1550];
	[tilespmem:s29+$0x11500] =	vst v34  }
0xa0: {  	v38 =	vld [tilespmem:s29+$0x1560];
	[tilespmem:s29+$0x11510] =	vst v35  }
0xa1: {  	[tilespmem:s29+$0x11160] =	vst v8;
	v8 =	vld [tilespmem:s29+$0x1530]  }
0xa2: {  	[tilespmem:s29+$0x11520] =	vst v7;
	v7 =	vld [tilespmem:s29+$0x1570]  }
0xa3: {  	v39 =	vld [tilespmem:s29+$0x1910];
	[tilespmem:s29+$0x11540] =	vst v36  }
0xa4: {  	v40 =	vld [tilespmem:s29+$0x1920];
	[tilespmem:s29+$0x11550] =	vst v37  }
0xa5: {  	v41 =	vld [tilespmem:s29+$0x1930];
	[tilespmem:s29+$0x11560] =	vst v38  }
0xa6: {  	[tilespmem:s29+$0x11530] =	vst v8;
	v8 =	vld [tilespmem:s29+$0x1900]  }
0xa7: {  	[tilespmem:s29+$0x11570] =	vst v7;
	v7 =	vld [tilespmem:s29+$0x1940]  }
0xa8: {  	v42 =	vld [tilespmem:s29+$0x1960];
	[tilespmem:s29+$0x11910] =	vst v39  }
0xa9: {  	v43 =	vld [tilespmem:s29+$0x1970];
	[tilespmem:s29+$0x11920] =	vst v40  }
0xaa: {  	v44 =	vld [tilespmem:s29+$0x1D00];
	[tilespmem:s29+$0x11930] =	vst v41  }
0xab: {  	[tilespmem:s29+$0x11900] =	vst v8;
	v8 =	vld [tilespmem:s29+$0x1950]  }
0xac: {  	[tilespmem:s29+$0x11940] =	vst v7;
	v7 =	vld [tilespmem:s29+$0x1D10]  }
0xad: {  	v45 =	vld [tilespmem:s29+$0x1D30];
	[tilespmem:s29+$0x11960] =	vst v42  }
0xae: {  	v46 =	vld [tilespmem:s29+$0x1D40];
	[tilespmem:s29+$0x11970] =	vst v43  }
0xaf: {  	v47 =	vld [tilespmem:s29+$0x1D50];
	[tilespmem:s29+$0x11D00] =	vst v44  }
0xb0: {  	[tilespmem:s29+$0x11950] =	vst v8;
	v8 =	vld [tilespmem:s29+$0x1D20]  }
0xb1: {  	[tilespmem:s29+$0x11D10] =	vst v7;
	v7 =	vld [tilespmem:s29+$0x1D60]  }
0xb2: {  	v48 =	vld [tilespmem:s29+$0x2100];
	[tilespmem:s29+$0x11D30] =	vst v45  }
0xb3: {  	v49 =	vld [tilespmem:s29+$0x2110];
	[tilespmem:s29+$0x11D40] =	vst v46  }
0xb4: {  	v50 =	vld [tilespmem:s29+$0x2120];
	[tilespmem:s29+$0x11D50] =	vst v47  }
0xb5: {  	[tilespmem:s29+$0x11D20] =	vst v8;
	v8 =	vld [tilespmem:s29+$0x1D70]  }
0xb6: {  	[tilespmem:s29+$0x11D60] =	vst v7;
	v7 =	vld [tilespmem:s29+$0x2130]  }
0xb7: {  	v51 =	vld [tilespmem:s29+$0x2150];
	[tilespmem:s29+$0x12100] =	vst v48  }
0xb8: {  	v52 =	vld [tilespmem:s29+$0x2160];
	[tilespmem:s29+$0x12110] =	vst v49  }
0xb9: {  	v53 =	vld [tilespmem:s29+$0x2170];
	[tilespmem:s29+$0x12120] =	vst v50  }
0xba: {  	[tilespmem:s29+$0x11D70] =	vst v8;
	v8 =	vld [tilespmem:s29+$0x2140]  }
0xbb: {  	[tilespmem:s29+$0x12130] =	vst v7;
	v7 =	vld [tilespmem:s29+$0x2500]  }
0xbc: {  	v54 =	vld [tilespmem:s29+$0x2520];
	[tilespmem:s29+$0x12150] =	vst v51  }
0xbd: {  	v55 =	vld [tilespmem:s29+$0x2530];
	[tilespmem:s29+$0x12160] =	vst v52  }
0xbe: {  	v56 =	vld [tilespmem:s29+$0x2540];
	[tilespmem:s29+$0x12170] =	vst v53  }
0xbf: {  	[tilespmem:s29+$0x12140] =	vst v8;
	v8 =	vld [tilespmem:s29+$0x2510]  }
0xc0: {  	[tilespmem:s29+$0x12500] =	vst v7;
	v7 =	vld [tilespmem:s29+$0x2550]  }
0xc1: {  	v57 =	vld [tilespmem:s29+$0x2570];
	[tilespmem:s29+$0x12520] =	vst v54  }
0xc2: {  	v58 =	vld [tilespmem:s29+$0x2900];
	[tilespmem:s29+$0x12530] =	vst v55  }
0xc3: {  	v59 =	vld [tilespmem:s29+$0x2910];
	[tilespmem:s29+$0x12540] =	vst v56  }
0xc4: {  	[tilespmem:s29+$0x12510] =	vst v8;
	v8 =	vld [tilespmem:s29+$0x2560]  }
0xc5: {  	[tilespmem:s29+$0x12550] =	vst v7;
	v7 =	vld [tilespmem:s29+$0x2920]  }
0xc6: {  	v60 =	vld [tilespmem:s29+$0x2940];
	[tilespmem:s29+$0x12570] =	vst v57  }
0xc7: {  	v61 =	vld [tilespmem:s29+$0x2950];
	[tilespmem:s29+$0x12900] =	vst v58  }
0xc8: {  	v62 =	vld [tilespmem:s29+$0x2960];
	[tilespmem:s29+$0x12910] =	vst v59  }
0xc9: {  	[tilespmem:s29+$0x12560] =	vst v8;
	v8 =	vld [tilespmem:s29+$0x2930]  }
0xca: {  	[tilespmem:s29+$0x12920] =	vst v7;
	v7 =	vld [tilespmem:s29+$0x2970]  }
0xcb: {  	[tilespmem:s29+$0x12940] =	vst v60  }
0xcc: {  	s31 =	sand.u32 $0x7, s24;
	[tilespmem:s29+$0x12950] =	vst v61  }
0xcd: {  	s30 =	sshll.u32 s31, $0x7;
	[tilespmem:s29+$0x12960] =	vst v62  }
0xce: {  	s30 =	sadd.s32 s30, s25;
	[tilespmem:s29+$0x12930] =	vst v8  }
0xcf: {  	s31 =	sor.u32 $0x1C00, s30;
	[tilespmem:s29+$0x12970] =	vst v7  }
0xd0: {  	v7 =	vld [tilespmem:s31+$0x1100];
	_ =	sdelay $0x4  }
0xd1: {  	[tilespmem:s31+$0x11100] =	vst v7;
	s31 =	sor.u32 $0x1C10, s30  }
0xd2: {  	v7 =	vld [tilespmem:s31+$0x1100];
	_ =	sdelay $0x4  }
0xd3: {  	[tilespmem:s31+$0x11100] =	vst v7;
	s31 =	sor.u32 $0x1C20, s30  }
0xd4: {  	v7 =	vld [tilespmem:s31+$0x1100];
	_ =	sdelay $0x4  }
0xd5: {  	[tilespmem:s31+$0x11100] =	vst v7;
	s31 =	sor.u32 $0x1C30, s30  }
0xd6: {  	v7 =	vld [tilespmem:s31+$0x1100];
	_ =	sdelay $0x4  }
0xd7: {  	[tilespmem:s31+$0x11100] =	vst v7;
	s31 =	sor.u32 $0x1C40, s30  }
0xd8: {  	v7 =	vld [tilespmem:s31+$0x1100];
	_ =	sdelay $0x2  }
0xd9: {  	v8 =	vmov s28  }
0xda: {  	v63 =	vshll.u32 v8, $0x7  }
0xdb: {  	[tilespmem:s31+$0x11100] =	vst v7;
	s31 =	sor.u32 $0x1C50, s30;
	v7 =	vshll.u32 v8, $0xA;
	v8 =	vand.u32 $0x380, v63  }
0xdc: {  	v7 =	vor.u32 v8, v7;
	v8 =	vld [tilespmem:s31+$0x1100]  }
0xdd: {  	v7 =	vor.u32 v5, v7;
	_ =	sdelay $0x3  }
0xde: {  	[tilespmem:s31+$0x11100] =	vst v8  }
0xdf: {  	p1 =	sne.s32 s28, $0xF;
	v8 =	vld.idx.msk [tilespmem:v7+s18+$0x0], $0xff  }
.Ltmp0:
0xe0: {  	_ = 	snop;
	(pc) =	sbr.rel @p1 .LBB2_3-.Ltmp0, $3  }
0xe1: {  	_ =	sdelay $0x1  }
0xe2: {  	s26 =	sadd.s32 $0x80, s26  }
0xe3: {  	s24 =	sadd.s32 $0x1, s24;
	s25 =	sadd.s32 $0x400, s25;
	s28 =	sadd.s32 $0x1, s28;
	[tilespmem:v7+s8+$0x0] =	vst.idx.msk $0xff, v8  }
0xe4: {  	s23 =	sadd.s32 s3, s23  }
0xe5: {  	s23 =	sshll.u32 s23, $0x7  }
0xe6: {  	s24 =	sadd.s32 s6, s23  }
0xe7: {  	[hbm4b:s24+s4] =	stream.linear.scatter [tilespmem:s8], [sflag:$0x3], $0x4000, $0x38;
	[tilespmem:$0x19180] =	vst v63  }
0xe8: {  	s24 =	simm.s32 @!p0 $0x4  }
0xe9: {  	_ =	swait.ge @!p0 [sflag:s24], $0x4000  }
0xea: {  	s25 =	simm.s32 $0x0;
	s26 =	simm.s32 $0x0;
	[sflag:s24] =	ssyncset.done @!p0 $0x0  }
0xeb: {  	s28 =	simm.s32 $0x0;
	[sflag:s24] =	ssyncadd.s32 @!p0 $0xFFFFC000;
	s24 =	simm.s32 $0x0  }
.LBB2_5:
0xec: {  	s29 =	sadd.s32 $0x4000, s26  }
0xed: {  	s30 =	sand.u32 $0x380, s24;
	s29 =	sand.u32 $0x6000, s29  }
0xee: {  	s29 =	sor.u32 s30, s29  }
0xef: {  	v7 =	vld [tilespmem:s29+$0x1100];
	_ =	sdelay $0x2  }
0xf0: {  	s31 =	sand.u32 $0x2000, s26  }
0xf1: {  	s30 =	sor.u32 s30, s31  }
0xf2: {  	[tilespmem:s30+$0x15100] =	vst v7  }
0xf3: {  	v7 =	vld [tilespmem:s29+$0x1110];
	_ =	sdelay $0x3  }
0xf4: {  	s30 =	sadd.s32 $0x15100, s30  }
0xf5: {  	[tilespmem:s30+$0x10] =	vst v7  }
0xf6: {  	v7 =	vld [tilespmem:s29+$0x1120];
	_ =	sdelay $0x4  }
0xf7: {  	[tilespmem:s30+$0x20] =	vst v7  }
0xf8: {  	v7 =	vld [tilespmem:s29+$0x1130];
	_ =	sdelay $0x4  }
0xf9: {  	[tilespmem:s30+$0x30] =	vst v7  }
0xfa: {  	v7 =	vld [tilespmem:s29+$0x1140];
	_ =	sdelay $0x4  }
0xfb: {  	[tilespmem:s30+$0x40] =	vst v7  }
0xfc: {  	v7 =	vld [tilespmem:s29+$0x1150];
	_ =	sdelay $0x4  }
0xfd: {  	[tilespmem:s30+$0x50] =	vst v7  }
0xfe: {  	v7 =	vld [tilespmem:s29+$0x1160];
	_ =	sdelay $0x4  }
0xff: {  	[tilespmem:s30+$0x60] =	vst v7  }
0x100: {  	v7 =	vld [tilespmem:s29+$0x1170];
	_ =	sdelay $0x4  }
0x101: {  	[tilespmem:s30+$0x70] =	vst v7  }
0x102: {  	v7 =	vld [tilespmem:s29+$0x1500];
	_ =	sdelay $0x4  }
0x103: {  	[tilespmem:s30+$0x400] =	vst v7  }
0x104: {  	v7 =	vld [tilespmem:s29+$0x1510];
	_ =	sdelay $0x4  }
0x105: {  	[tilespmem:s30+$0x410] =	vst v7  }
0x106: {  	v7 =	vld [tilespmem:s29+$0x1520];
	_ =	sdelay $0x4  }
0x107: {  	[tilespmem:s30+$0x420] =	vst v7  }
0x108: {  	v7 =	vld [tilespmem:s29+$0x1530];
	_ =	sdelay $0x4  }
0x109: {  	[tilespmem:s30+$0x430] =	vst v7  }
0x10a: {  	v7 =	vld [tilespmem:s29+$0x1540];
	_ =	sdelay $0x4  }
0x10b: {  	[tilespmem:s30+$0x440] =	vst v7  }
0x10c: {  	v7 =	vld [tilespmem:s29+$0x1550];
	_ =	sdelay $0x4  }
0x10d: {  	[tilespmem:s30+$0x450] =	vst v7  }
0x10e: {  	v7 =	vld [tilespmem:s29+$0x1560];
	_ =	sdelay $0x4  }
0x10f: {  	[tilespmem:s30+$0x460] =	vst v7  }
0x110: {  	v7 =	vld [tilespmem:s29+$0x1570];
	_ =	sdelay $0x4  }
0x111: {  	[tilespmem:s30+$0x470] =	vst v7  }
0x112: {  	v7 =	vld [tilespmem:s29+$0x1900];
	_ =	sdelay $0x4  }
0x113: {  	[tilespmem:s30+$0x800] =	vst v7  }
0x114: {  	v7 =	vld [tilespmem:s29+$0x1910];
	_ =	sdelay $0x4  }
0x115: {  	[tilespmem:s30+$0x810] =	vst v7  }
0x116: {  	v7 =	vld [tilespmem:s29+$0x1920];
	_ =	sdelay $0x4  }
0x117: {  	[tilespmem:s30+$0x820] =	vst v7  }
0x118: {  	v7 =	vld [tilespmem:s29+$0x1930];
	_ =	sdelay $0x4  }
0x119: {  	[tilespmem:s30+$0x830] =	vst v7  }
0x11a: {  	v7 =	vld [tilespmem:s29+$0x1940];
	_ =	sdelay $0x4  }
0x11b: {  	[tilespmem:s30+$0x840] =	vst v7  }
0x11c: {  	v7 =	vld [tilespmem:s29+$0x1950];
	_ =	sdelay $0x4  }
0x11d: {  	[tilespmem:s30+$0x850] =	vst v7  }
0x11e: {  	v7 =	vld [tilespmem:s29+$0x1960];
	_ =	sdelay $0x4  }
0x11f: {  	[tilespmem:s30+$0x860] =	vst v7  }
0x120: {  	v7 =	vld [tilespmem:s29+$0x1970];
	_ =	sdelay $0x4  }
0x121: {  	[tilespmem:s30+$0x870] =	vst v7  }
0x122: {  	v7 =	vld [tilespmem:s29+$0x1D00];
	_ =	sdelay $0x4  }
0x123: {  	[tilespmem:s30+$0xC00] =	vst v7  }
0x124: {  	v7 =	vld [tilespmem:s29+$0x1D10];
	_ =	sdelay $0x4  }
0x125: {  	[tilespmem:s30+$0xC10] =	vst v7  }
0x126: {  	v7 =	vld [tilespmem:s29+$0x1D20];
	_ =	sdelay $0x4  }
0x127: {  	[tilespmem:s30+$0xC20] =	vst v7  }
0x128: {  	v7 =	vld [tilespmem:s29+$0x1D30];
	_ =	sdelay $0x4  }
0x129: {  	[tilespmem:s30+$0xC30] =	vst v7  }
0x12a: {  	v7 =	vld [tilespmem:s29+$0x1D40];
	_ =	sdelay $0x4  }
0x12b: {  	[tilespmem:s30+$0xC40] =	vst v7  }
0x12c: {  	v7 =	vld [tilespmem:s29+$0x1D50];
	_ =	sdelay $0x4  }
0x12d: {  	[tilespmem:s30+$0xC50] =	vst v7  }
0x12e: {  	v7 =	vld [tilespmem:s29+$0x1D60];
	_ =	sdelay $0x4  }
0x12f: {  	[tilespmem:s30+$0xC60] =	vst v7  }
0x130: {  	v7 =	vld [tilespmem:s29+$0x1D70];
	_ =	sdelay $0x4  }
0x131: {  	[tilespmem:s30+$0xC70] =	vst v7  }
0x132: {  	v7 =	vld [tilespmem:s29+$0x2100];
	_ =	sdelay $0x4  }
0x133: {  	[tilespmem:s30+$0x1000] =	vst v7  }
0x134: {  	v7 =	vld [tilespmem:s29+$0x2110];
	_ =	sdelay $0x4  }
0x135: {  	[tilespmem:s30+$0x1010] =	vst v7  }
0x136: {  	v7 =	vld [tilespmem:s29+$0x2120];
	_ =	sdelay $0x4  }
0x137: {  	[tilespmem:s30+$0x1020] =	vst v7  }
0x138: {  	v7 =	vld [tilespmem:s29+$0x2130];
	_ =	sdelay $0x4  }
0x139: {  	[tilespmem:s30+$0x1030] =	vst v7  }
0x13a: {  	v7 =	vld [tilespmem:s29+$0x2140];
	_ =	sdelay $0x4  }
0x13b: {  	[tilespmem:s30+$0x1040] =	vst v7  }
0x13c: {  	v7 =	vld [tilespmem:s29+$0x2150];
	_ =	sdelay $0x4  }
0x13d: {  	[tilespmem:s30+$0x1050] =	vst v7  }
0x13e: {  	v7 =	vld [tilespmem:s29+$0x2160];
	_ =	sdelay $0x4  }
0x13f: {  	[tilespmem:s30+$0x1060] =	vst v7  }
0x140: {  	v7 =	vld [tilespmem:s29+$0x2170];
	_ =	sdelay $0x4  }
0x141: {  	[tilespmem:s30+$0x1070] =	vst v7  }
0x142: {  	v7 =	vld [tilespmem:s29+$0x2500];
	_ =	sdelay $0x4  }
0x143: {  	[tilespmem:s30+$0x1400] =	vst v7  }
0x144: {  	v7 =	vld [tilespmem:s29+$0x2510];
	_ =	sdelay $0x4  }
0x145: {  	[tilespmem:s30+$0x1410] =	vst v7  }
0x146: {  	v7 =	vld [tilespmem:s29+$0x2520];
	_ =	sdelay $0x4  }
0x147: {  	[tilespmem:s30+$0x1420] =	vst v7  }
0x148: {  	v7 =	vld [tilespmem:s29+$0x2530];
	_ =	sdelay $0x4  }
0x149: {  	[tilespmem:s30+$0x1430] =	vst v7  }
0x14a: {  	v7 =	vld [tilespmem:s29+$0x2540];
	_ =	sdelay $0x4  }
0x14b: {  	[tilespmem:s30+$0x1440] =	vst v7  }
0x14c: {  	v7 =	vld [tilespmem:s29+$0x2550];
	_ =	sdelay $0x4  }
0x14d: {  	[tilespmem:s30+$0x1450] =	vst v7  }
0x14e: {  	v7 =	vld [tilespmem:s29+$0x2560];
	_ =	sdelay $0x4  }
0x14f: {  	[tilespmem:s30+$0x1460] =	vst v7  }
0x150: {  	v7 =	vld [tilespmem:s29+$0x2570];
	_ =	sdelay $0x4  }
0x151: {  	[tilespmem:s30+$0x1470] =	vst v7  }
0x152: {  	v7 =	vld [tilespmem:s29+$0x2900];
	_ =	sdelay $0x4  }
0x153: {  	[tilespmem:s30+$0x1800] =	vst v7  }
0x154: {  	v7 =	vld [tilespmem:s29+$0x2910];
	_ =	sdelay $0x4  }
0x155: {  	[tilespmem:s30+$0x1810] =	vst v7  }
0x156: {  	v7 =	vld [tilespmem:s29+$0x2920];
	_ =	sdelay $0x4  }
0x157: {  	[tilespmem:s30+$0x1820] =	vst v7  }
0x158: {  	v7 =	vld [tilespmem:s29+$0x2930];
	_ =	sdelay $0x4  }
0x159: {  	[tilespmem:s30+$0x1830] =	vst v7  }
0x15a: {  	v7 =	vld [tilespmem:s29+$0x2940];
	_ =	sdelay $0x4  }
0x15b: {  	[tilespmem:s30+$0x1840] =	vst v7  }
0x15c: {  	v7 =	vld [tilespmem:s29+$0x2950];
	_ =	sdelay $0x4  }
0x15d: {  	[tilespmem:s30+$0x1850] =	vst v7  }
0x15e: {  	v7 =	vld [tilespmem:s29+$0x2960];
	_ =	sdelay $0x4  }
0x15f: {  	[tilespmem:s30+$0x1860] =	vst v7  }
0x160: {  	v7 =	vld [tilespmem:s29+$0x2970]  }
0x161: {  	s31 =	sand.u32 $0x7, s25  }
0x162: {  	s29 =	sshll.u32 s31, $0x7  }
0x163: {  	s29 =	sadd.s32 s29, s26  }
0x164: {  	s31 =	sadd.s32 $0x4000, s29  }
0x165: {  	[tilespmem:s30+$0x1870] =	vst v7;
	s30 =	sor.u32 $0x1C00, s31  }
0x166: {  	v7 =	vld [tilespmem:s30+$0x1100];
	_ =	sdelay $0x3  }
0x167: {  	s30 =	sor.u32 $0x1C00, s29  }
0x168: {  	[tilespmem:s30+$0x15100] =	vst v7;
	s30 =	sor.u32 $0x1C10, s31  }
0x169: {  	v7 =	vld [tilespmem:s30+$0x1100];
	_ =	sdelay $0x3  }
0x16a: {  	s30 =	sor.u32 $0x1C10, s29  }
0x16b: {  	[tilespmem:s30+$0x15100] =	vst v7;
	s30 =	sor.u32 $0x1C20, s31  }
0x16c: {  	v7 =	vld [tilespmem:s30+$0x1100];
	_ =	sdelay $0x3  }
0x16d: {  	s30 =	sor.u32 $0x1C20, s29  }
0x16e: {  	[tilespmem:s30+$0x15100] =	vst v7;
	s30 =	sor.u32 $0x1C30, s31  }
0x16f: {  	v7 =	vld [tilespmem:s30+$0x1100];
	_ =	sdelay $0x3  }
0x170: {  	s30 =	sor.u32 $0x1C30, s29  }
0x171: {  	[tilespmem:s30+$0x15100] =	vst v7;
	s30 =	sor.u32 $0x1C40, s31  }
0x172: {  	v7 =	vld [tilespmem:s30+$0x1100];
	_ =	sdelay $0x1  }
0x173: {  	s30 =	sadd.s32 $0x10, s28  }
0x174: {  	v8 =	vmov s30  }
0x175: {  	s30 =	sor.u32 $0x1C40, s29;
	v9 =	vshll.u32 v8, $0x7  }
0x176: {  	s31 =	sor.u32 $0x1C50, s31;
	[tilespmem:s30+$0x15100] =	vst v7;
	v7 =	vshll.u32 v8, $0xA;
	v8 =	vand.u32 $0x380, v9  }
0x177: {  	v63 =	vld [tilespmem:s31+$0x1100];
	v7 =	vor.u32 v8, v7  }
0x178: {  	v7 =	vor.u32 v5, v7  }
0x179: {  	v8 =	vmov s28  }
0x17a: {  	v10 =	vshll.u32 v8, $0x7  }
0x17b: {  	s29 =	sor.u32 $0x1C50, s29;
	v8 =	vshll.u32 v8, $0xA;
	v10 =	vand.u32 $0x380, v10  }
0x17c: {  	v8 =	vor.u32 v10, v8;
	[tilespmem:s29+$0x15100] =	vst v63  }
0x17d: {  	p0 =	sne.s32 s28, $0xF;
	v8 =	vor.u32 v5, v8;
	v7 =	vld.idx.msk [tilespmem:v7+s18+$0x0], $0xff  }
.Ltmp1:
0x17e: {  	_ = 	snop;
	(pc) =	sbr.rel @p0 .LBB2_5-.Ltmp1, $3  }
0x17f: {  	_ =	sdelay $0x1  }
0x180: {  	s24 =	sadd.s32 $0x80, s24  }
0x181: {  	s25 =	sadd.s32 $0x1, s25;
	s26 =	sadd.s32 $0x400, s26;
	s28 =	sadd.s32 $0x1, s28;
	[tilespmem:v8+s13+$0x0] =	vst.idx.msk $0xff, v7  }
0x182: {  	s23 =	sadd.s32 s23, s12;
	p0 =	seq.s32 s21, $0x18  }
0x183: {  	[hbm4b:s23+s4] =	stream.linear.scatter [tilespmem:s13], [sflag:$0x4], $0x4000, $0x38;
	[tilespmem:$0x19180] =	vst v63  }
0x184: {  	s23 =	sshll.u32 @!p0 s21, $0x6  }
0x185: {  	s23 =	sand.u32 @!p0 $0x3FFFFFC0, s23  }
0x186: {  	v7 =	vld @!p0 [tilespmem:s23+$0x40];
	_ =	sdelay $0x4  }
0x187: {  	v8 =	vshll.u32 @!p0 v7, $0x3  }
0x188: {  	v9 =	vlaneseq.u32 @!p0;
	v7 =	vand.u32 @!p0 $0x7, v7;
	v8 =	vand.u32 @!p0 $0xFFFFFFC0, v8  }
0x189: {  	v10 =	vshrl.u32 @!p0 v9, $0x3;
	v7 =	vor.u32 @!p0 v7, v8;
	v8 =	vand.u32 @!p0 $0x7, v9  }
0x18a: {  	v10 =	vmul.u32 @!p0 $0x8, v10;
	v11 =	vperm.xlane @!p0 v7, v8;
	_ =	sdelay $0x1  }
0x18b: {  	v11 =	vadd.s32 @!p0 v10, v11;
	_ =	sdelay $0x3  }
0x18c: {  	vm1 =	vmmov @!p0 $0xffff;
	s24 =	simm.s32 @!p0 $0x0;
	s25 =	simm.s32 @!p0 $0x1100  }
0x18d: {  	v9 =	vor.u32 @!p0 $0x8, v9;
	[tilespmem:s25], [sflag:$0x1] =	stream.indirect_vreg.gather @!p0 [hbm4b:s2+s24], $0x80, v11, vm1, $0xb8;
	[tilespmem:$0x19180] =	vst v63  }
0x18e: {  	v7 =	vperm.xlane @!p0 v7, v9;
	s25 =	simm.s32 @!p0 $0x1900  }
0x18f: {  	[tilespmem:s25], [sflag:$0x1] =	stream.indirect_vreg.gather @!p0 [hbm4b:s9+s24], $0x80, v11, vm1, $0xb8;
	[tilespmem:$0x19180] =	vst v63  }
0x190: {  	v7 =	vadd.s32 @!p0 v10, v7;
	s25 =	simm.s32 @!p0 $0x2100  }
0x191: {  	[tilespmem:s25], [sflag:$0x1] =	stream.indirect_vreg.gather @!p0 [hbm4b:s10+s24], $0x80, v11, vm1, $0xb8;
	[tilespmem:$0x19180] =	vst v63  }
0x192: {  	s25 =	simm.s32 @!p0 $0x2900  }
0x193: {  	[tilespmem:s25], [sflag:$0x1] =	stream.indirect_vreg.gather @!p0 [hbm4b:s11+s24], $0x80, v11, vm1, $0xb8;
	[tilespmem:$0x19180] =	vst v63  }
0x194: {  	s25 =	simm.s32 @!p0 $0x3100  }
0x195: {  	[tilespmem:s25], [sflag:$0x1] =	stream.indirect_vreg.gather @!p0 [hbm4b:s2+s24], $0x80, v7, vm1, $0xb8;
	[tilespmem:$0x19180] =	vst v63  }
0x196: {  	s25 =	simm.s32 @!p0 $0x3900  }
0x197: {  	[tilespmem:s25], [sflag:$0x1] =	stream.indirect_vreg.gather @!p0 [hbm4b:s9+s24], $0x80, v7, vm1, $0xb8;
	[tilespmem:$0x19180] =	vst v63  }
0x198: {  	s25 =	simm.s32 @!p0 $0x4100  }
0x199: {  	[tilespmem:s25], [sflag:$0x1] =	stream.indirect_vreg.gather @!p0 [hbm4b:s10+s24], $0x80, v7, vm1, $0xb8;
	[tilespmem:$0x19180] =	vst v63  }
0x19a: {  	s25 =	simm.s32 @!p0 $0x4900  }
0x19b: {  	[tilespmem:s25], [sflag:$0x1] =	stream.indirect_vreg.gather @!p0 [hbm4b:s11+s24], $0x80, v7, vm1, $0xb8;
	[tilespmem:$0x19180] =	vst v63  }
0x19c: {  	v7 =	vld @!p0 [tilespmem:s23+$0x50];
	_ =	sdelay $0x4  }
0x19d: {  	v11 =	vshll.u32 @!p0 v7, $0x3  }
0x19e: {  	v7 =	vand.u32 @!p0 $0x7, v7;
	v11 =	vand.u32 @!p0 $0xFFFFFFC0, v11  }
0x19f: {  	v7 =	vor.u32 @!p0 v7, v11  }
0x1a0: {  	v8 =	vperm.xlane @!p0 v7, v8;
	_ =	sdelay $0x1  }
0x1a1: {  	v8 =	vadd.s32 @!p0 v10, v8;
	_ =	sdelay $0x3  }
0x1a2: {  	s23 =	simm.s32 @!p0 $0x5100  }
0x1a3: {  	[tilespmem:s23], [sflag:$0x1] =	stream.indirect_vreg.gather @!p0 [hbm4b:s2+s24], $0x80, v8, vm1, $0xb8;
	[tilespmem:$0x19180] =	vst v63  }
0x1a4: {  	v7 =	vperm.xlane @!p0 v7, v9;
	s23 =	simm.s32 @!p0 $0x5900  }
0x1a5: {  	[tilespmem:s23], [sflag:$0x1] =	stream.indirect_vreg.gather @!p0 [hbm4b:s9+s24], $0x80, v8, vm1, $0xb8;
	[tilespmem:$0x19180] =	vst v63  }
0x1a6: {  	v7 =	vadd.s32 @!p0 v10, v7;
	s23 =	simm.s32 @!p0 $0x6100  }
0x1a7: {  	[tilespmem:s23], [sflag:$0x1] =	stream.indirect_vreg.gather @!p0 [hbm4b:s10+s24], $0x80, v8, vm1, $0xb8;
	[tilespmem:$0x19180] =	vst v63  }
0x1a8: {  	s23 =	simm.s32 @!p0 $0x6900  }
0x1a9: {  	[tilespmem:s23], [sflag:$0x1] =	stream.indirect_vreg.gather @!p0 [hbm4b:s11+s24], $0x80, v8, vm1, $0xb8;
	[tilespmem:$0x19180] =	vst v63  }
0x1aa: {  	s23 =	simm.s32 @!p0 $0x7100  }
0x1ab: {  	[tilespmem:s23], [sflag:$0x1] =	stream.indirect_vreg.gather @!p0 [hbm4b:s2+s24], $0x80, v7, vm1, $0xb8;
	[tilespmem:$0x19180] =	vst v63  }
0x1ac: {  	s23 =	simm.s32 @!p0 $0x7900  }
0x1ad: {  	[tilespmem:s23], [sflag:$0x1] =	stream.indirect_vreg.gather @!p0 [hbm4b:s9+s24], $0x80, v7, vm1, $0xb8;
	[tilespmem:$0x19180] =	vst v63  }
0x1ae: {  	s23 =	simm.s32 @!p0 $0x8100  }
0x1af: {  	[tilespmem:s23], [sflag:$0x1] =	stream.indirect_vreg.gather @!p0 [hbm4b:s10+s24], $0x80, v7, vm1, $0xb8;
	[tilespmem:$0x19180] =	vst v63  }
0x1b0: {  	s23 =	simm.s32 @!p0 $0x8900  }
0x1b1: {  	[tilespmem:s23], [sflag:$0x1] =	stream.indirect_vreg.gather @!p0 [hbm4b:s11+s24], $0x80, v7, vm1, $0xb8;
	[tilespmem:$0x19180] =	vst v63  }
0x1b2: {  	_ =	swait.ge [sflag:s14], $0x8000  }
0x1b3: {  	[sflag:s14] =	ssyncset.done $0x0  }
0x1b4: {  	[sflag:s14] =	ssyncadd.s32 $0xFFFF8000  }
0x1b5: {  	v7 =	vld [tilespmem:s22+$0x680];
	_ =	sdelay $0x1  }
0x1b6: {  	v8 =	vld [tilespmem:s22+$0x690];
	_ =	sdelay $0x1  }
0x1b7: {  	v9 =	vld [tilespmem:s22+$0x0]  }
0x1b8: {  	v11 =	vld [tilespmem:s22+$0x10];
	v10 =	vshll.u32 v7, $0x3  }
0x1b9: {  	v7 =	vand.u32 $0x7F, v7;
	v10 =	vand.u32 $0xFFFFFC00, v10  }
0x1ba: {  	v7 =	vor.u32 v7, v10;
	v10 =	vshll.u32 v8, $0x3  }
0x1bb: {  	v8 =	vand.u32 $0x7F, v8;
	v10 =	vand.u32 $0xFFFFFC00, v10  }
0x1bc: {  	v7 =	vadd.s32 v3, v7;
	v8 =	vor.u32 v8, v10  }
0x1bd: {  	v12 =	vadd.s32 v4, v8;
	_ =	sdelay $0x1  }
0x1be: {  	v10 =	vld.idx.msk [tilespmem:v9+s17+$0x0], $0xffff  }
0x1bf: {  	v8 =	vld.idx.msk [tilespmem:v11+s17+$0x0], $0xffff  }
0x1c0: {  	v9 =	vld.idx.msk [tilespmem:v7+s19+$0x0], $0xffff  }
0x1c1: {  	v7 =	vld.idx.msk [tilespmem:v12+s19+$0x0], $0xffff;
	_ =	swait.ge [sflag:s15], $0x4000  }
0x1c2: {  	s26 =	simm.s32 $0x0;
	s25 =	simm.s32 $0x0;
	[sflag:s15] =	ssyncset.done $0x0  }
0x1c3: {  	s23 =	simm.s32 $0x0;
	s24 =	simm.s32 $0x0;
	[sflag:s15] =	ssyncadd.s32 $0xFFFFC000  }
.LBB2_7:
0x1c4: {  	s28 =	sand.u32 $0x2000, s24;
	s29 =	sand.u32 $0x380, s25  }
0x1c5: {  	s28 =	sor.u32 s29, s28  }
0x1c6: {  	v11 =	vld [tilespmem:s28+$0x9100]  }
0x1c7: {  	v12 =	vld [tilespmem:s28+$0x9110]  }
0x1c8: {  	v13 =	vld [tilespmem:s28+$0x9120]  }
0x1c9: {  	v14 =	vld [tilespmem:s28+$0x9130]  }
0x1ca: {  	v15 =	vld [tilespmem:s28+$0x9140]  }
0x1cb: {  	[tilespmem:s28+$0x11100] =	vst v11;
	v11 =	vld [tilespmem:s28+$0x9150]  }
0x1cc: {  	v20 =	vld [tilespmem:s28+$0x9160];
	[tilespmem:s28+$0x11110] =	vst v12  }
0x1cd: {  	v21 =	vld [tilespmem:s28+$0x9170];
	[tilespmem:s28+$0x11120] =	vst v13  }
0x1ce: {  	v22 =	vld [tilespmem:s28+$0x9500];
	[tilespmem:s28+$0x11130] =	vst v14  }
0x1cf: {  	v23 =	vld [tilespmem:s28+$0x9510];
	[tilespmem:s28+$0x11140] =	vst v15  }
0x1d0: {  	[tilespmem:s28+$0x11150] =	vst v11;
	v11 =	vld [tilespmem:s28+$0x9520]  }
0x1d1: {  	v24 =	vld [tilespmem:s28+$0x9530];
	[tilespmem:s28+$0x11160] =	vst v20  }
0x1d2: {  	v25 =	vld [tilespmem:s28+$0x9540];
	[tilespmem:s28+$0x11170] =	vst v21  }
0x1d3: {  	v26 =	vld [tilespmem:s28+$0x9550];
	[tilespmem:s28+$0x11500] =	vst v22  }
0x1d4: {  	v27 =	vld [tilespmem:s28+$0x9560];
	[tilespmem:s28+$0x11510] =	vst v23  }
0x1d5: {  	[tilespmem:s28+$0x11520] =	vst v11;
	v11 =	vld [tilespmem:s28+$0x9570]  }
0x1d6: {  	v28 =	vld [tilespmem:s28+$0x9900];
	[tilespmem:s28+$0x11530] =	vst v24  }
0x1d7: {  	v29 =	vld [tilespmem:s28+$0x9910];
	[tilespmem:s28+$0x11540] =	vst v25  }
0x1d8: {  	v30 =	vld [tilespmem:s28+$0x9920];
	[tilespmem:s28+$0x11550] =	vst v26  }
0x1d9: {  	v31 =	vld [tilespmem:s28+$0x9930];
	[tilespmem:s28+$0x11560] =	vst v27  }
0x1da: {  	[tilespmem:s28+$0x11570] =	vst v11;
	v11 =	vld [tilespmem:s28+$0x9940]  }
0x1db: {  	v32 =	vld [tilespmem:s28+$0x9950];
	[tilespmem:s28+$0x11900] =	vst v28  }
0x1dc: {  	v33 =	vld [tilespmem:s28+$0x9960];
	[tilespmem:s28+$0x11910] =	vst v29  }
0x1dd: {  	v34 =	vld [tilespmem:s28+$0x9970];
	[tilespmem:s28+$0x11920] =	vst v30  }
0x1de: {  	v35 =	vld [tilespmem:s28+$0x9D00];
	[tilespmem:s28+$0x11930] =	vst v31  }
0x1df: {  	[tilespmem:s28+$0x11940] =	vst v11;
	v11 =	vld [tilespmem:s28+$0x9D10]  }
0x1e0: {  	v36 =	vld [tilespmem:s28+$0x9D20];
	[tilespmem:s28+$0x11950] =	vst v32  }
0x1e1: {  	v37 =	vld [tilespmem:s28+$0x9D30];
	[tilespmem:s28+$0x11960] =	vst v33  }
0x1e2: {  	v38 =	vld [tilespmem:s28+$0x9D40];
	[tilespmem:s28+$0x11970] =	vst v34  }
0x1e3: {  	v39 =	vld [tilespmem:s28+$0x9D50];
	[tilespmem:s28+$0x11D00] =	vst v35  }
0x1e4: {  	[tilespmem:s28+$0x11D10] =	vst v11;
	v11 =	vld [tilespmem:s28+$0x9D60]  }
0x1e5: {  	v40 =	vld [tilespmem:s28+$0x9D70];
	[tilespmem:s28+$0x11D20] =	vst v36  }
0x1e6: {  	v41 =	vld [tilespmem:s28+$0xA100];
	[tilespmem:s28+$0x11D30] =	vst v37  }
0x1e7: {  	v42 =	vld [tilespmem:s28+$0xA110];
	[tilespmem:s28+$0x11D40] =	vst v38  }
0x1e8: {  	v43 =	vld [tilespmem:s28+$0xA120];
	[tilespmem:s28+$0x11D50] =	vst v39  }
0x1e9: {  	[tilespmem:s28+$0x11D60] =	vst v11;
	v11 =	vld [tilespmem:s28+$0xA130]  }
0x1ea: {  	v44 =	vld [tilespmem:s28+$0xA140];
	[tilespmem:s28+$0x11D70] =	vst v40  }
0x1eb: {  	v45 =	vld [tilespmem:s28+$0xA150];
	[tilespmem:s28+$0x12100] =	vst v41  }
0x1ec: {  	v46 =	vld [tilespmem:s28+$0xA160];
	[tilespmem:s28+$0x12110] =	vst v42  }
0x1ed: {  	v47 =	vld [tilespmem:s28+$0xA170];
	[tilespmem:s28+$0x12120] =	vst v43  }
0x1ee: {  	[tilespmem:s28+$0x12130] =	vst v11;
	v11 =	vld [tilespmem:s28+$0xA500]  }
0x1ef: {  	v48 =	vld [tilespmem:s28+$0xA510];
	[tilespmem:s28+$0x12140] =	vst v44  }
0x1f0: {  	v49 =	vld [tilespmem:s28+$0xA520];
	[tilespmem:s28+$0x12150] =	vst v45  }
0x1f1: {  	v50 =	vld [tilespmem:s28+$0xA530];
	[tilespmem:s28+$0x12160] =	vst v46  }
0x1f2: {  	v51 =	vld [tilespmem:s28+$0xA540];
	[tilespmem:s28+$0x12170] =	vst v47  }
0x1f3: {  	[tilespmem:s28+$0x12500] =	vst v11;
	v11 =	vld [tilespmem:s28+$0xA550]  }
0x1f4: {  	v52 =	vld [tilespmem:s28+$0xA560];
	[tilespmem:s28+$0x12510] =	vst v48  }
0x1f5: {  	v53 =	vld [tilespmem:s28+$0xA570];
	[tilespmem:s28+$0x12520] =	vst v49  }
0x1f6: {  	v54 =	vld [tilespmem:s28+$0xA900];
	[tilespmem:s28+$0x12530] =	vst v50  }
0x1f7: {  	v55 =	vld [tilespmem:s28+$0xA910];
	[tilespmem:s28+$0x12540] =	vst v51  }
0x1f8: {  	[tilespmem:s28+$0x12550] =	vst v11;
	v11 =	vld [tilespmem:s28+$0xA920]  }
0x1f9: {  	v56 =	vld [tilespmem:s28+$0xA930];
	[tilespmem:s28+$0x12560] =	vst v52  }
0x1fa: {  	v57 =	vld [tilespmem:s28+$0xA940];
	[tilespmem:s28+$0x12570] =	vst v53  }
0x1fb: {  	v58 =	vld [tilespmem:s28+$0xA950];
	[tilespmem:s28+$0x12900] =	vst v54  }
0x1fc: {  	v59 =	vld [tilespmem:s28+$0xA960];
	[tilespmem:s28+$0x12910] =	vst v55  }
0x1fd: {  	[tilespmem:s28+$0x12920] =	vst v11;
	v11 =	vld [tilespmem:s28+$0xA970]  }
0x1fe: {  	[tilespmem:s28+$0x12930] =	vst v56  }
0x1ff: {  	s31 =	sand.u32 $0x7, s23;
	[tilespmem:s28+$0x12940] =	vst v57  }
0x200: {  	s29 =	sshll.u32 s31, $0x7;
	[tilespmem:s28+$0x12950] =	vst v58  }
0x201: {  	s29 =	sadd.s32 s29, s24;
	[tilespmem:s28+$0x12960] =	vst v59  }
0x202: {  	s30 =	sor.u32 $0x1C00, s29;
	[tilespmem:s28+$0x12970] =	vst v11  }
0x203: {  	v11 =	vld [tilespmem:s30+$0x9100];
	_ =	sdelay $0x4  }
0x204: {  	s31 =	sor.u32 $0x1C10, s29;
	[tilespmem:s30+$0x11100] =	vst v11  }
0x205: {  	v11 =	vld [tilespmem:s31+$0x9100];
	_ =	sdelay $0x4  }
0x206: {  	s30 =	sor.u32 $0x1C20, s29;
	[tilespmem:s31+$0x11100] =	vst v11  }
0x207: {  	v11 =	vld [tilespmem:s30+$0x9100];
	_ =	sdelay $0x4  }
0x208: {  	s31 =	sor.u32 $0x1C30, s29;
	[tilespmem:s30+$0x11100] =	vst v11  }
0x209: {  	v11 =	vld [tilespmem:s31+$0x9100];
	_ =	sdelay $0x4  }
0x20a: {  	s30 =	sor.u32 $0x1C40, s29;
	[tilespmem:s31+$0x11100] =	vst v11  }
0x20b: {  	v11 =	vld [tilespmem:s30+$0x9100];
	_ =	sdelay $0x2  }
0x20c: {  	v60 =	vmov s26  }
0x20d: {  	v61 =	vshll.u32 v60, $0x7  }
0x20e: {  	v62 =	vand.u32 $0x380, v61;
	s31 =	sor.u32 $0x1C50, s29;
	[tilespmem:s30+$0x11100] =	vst v11;
	v11 =	vshll.u32 v60, $0xA  }
0x20f: {  	v11 =	vor.u32 v62, v11;
	v63 =	vld [tilespmem:s31+$0x9100]  }
0x210: {  	v11 =	vor.u32 v5, v11;
	_ =	sdelay $0x3  }
0x211: {  	[tilespmem:s31+$0x11100] =	vst v63  }
0x212: {  	p0 =	sne.s32 s26, $0xF;
	v12 =	vld.idx.msk [tilespmem:v11+s19+$0x0], $0xff  }
.Ltmp2:
0x213: {  	_ = 	snop;
	(pc) =	sbr.rel @p0 .LBB2_7-.Ltmp2, $3  }
0x214: {  	_ =	sdelay $0x1  }
0x215: {  	s25 =	sadd.s32 $0x80, s25  }
0x216: {  	s23 =	sadd.s32 $0x1, s23;
	s26 =	sadd.s32 $0x1, s26;
	s24 =	sadd.s32 $0x400, s24;
	[tilespmem:v11+s8+$0x0] =	vst.idx.msk $0xff, v12  }
0x217: {  	s22 =	sadd.s32 s3, s22  }
0x218: {  	s22 =	sshll.u32 s22, $0x7  }
0x219: {  	s23 =	simm.s32 $0x0;
	s24 =	sadd.s32 s6, s22  }
0x21a: {  	[hbm4b:s24+s23] =	stream.linear.scatter [tilespmem:s8], [sflag:$0x3], $0x4000, $0x38;
	[tilespmem:$0x19180] =	vst v63  }
0x21b: {  	_ =	swait.ge [sflag:s20], $0x4000  }
0x21c: {  	s25 =	simm.s32 $0x0;
	[sflag:s20] =	ssyncset.done $0x0  }
0x21d: {  	s26 =	simm.s32 $0x0;
	s24 =	simm.s32 $0x0;
	[sflag:s20] =	ssyncadd.s32 $0xFFFFC000  }
.LBB2_9:
0x21e: {  	s28 =	sadd.s32 $0x4000, s25  }
0x21f: {  	s29 =	sand.u32 $0x380, s23;
	s28 =	sand.u32 $0x6000, s28  }
0x220: {  	s28 =	sor.u32 s29, s28  }
0x221: {  	v11 =	vld [tilespmem:s28+$0x9100];
	_ =	sdelay $0x2  }
0x222: {  	s30 =	sand.u32 $0x2000, s25  }
0x223: {  	s29 =	sor.u32 s29, s30  }
0x224: {  	[tilespmem:s29+$0x15100] =	vst v11  }
0x225: {  	v11 =	vld [tilespmem:s28+$0x9110];
	_ =	sdelay $0x3  }
0x226: {  	s29 =	sadd.s32 $0x15100, s29  }
0x227: {  	[tilespmem:s29+$0x10] =	vst v11  }
0x228: {  	v11 =	vld [tilespmem:s28+$0x9120];
	_ =	sdelay $0x4  }
0x229: {  	[tilespmem:s29+$0x20] =	vst v11  }
0x22a: {  	v11 =	vld [tilespmem:s28+$0x9130];
	_ =	sdelay $0x4  }
0x22b: {  	[tilespmem:s29+$0x30] =	vst v11  }
0x22c: {  	v11 =	vld [tilespmem:s28+$0x9140];
	_ =	sdelay $0x4  }
0x22d: {  	[tilespmem:s29+$0x40] =	vst v11  }
0x22e: {  	v11 =	vld [tilespmem:s28+$0x9150];
	_ =	sdelay $0x4  }
0x22f: {  	[tilespmem:s29+$0x50] =	vst v11  }
0x230: {  	v11 =	vld [tilespmem:s28+$0x9160];
	_ =	sdelay $0x4  }
0x231: {  	[tilespmem:s29+$0x60] =	vst v11  }
0x232: {  	v11 =	vld [tilespmem:s28+$0x9170];
	_ =	sdelay $0x4  }
0x233: {  	[tilespmem:s29+$0x70] =	vst v11  }
0x234: {  	v11 =	vld [tilespmem:s28+$0x9500];
	_ =	sdelay $0x4  }
0x235: {  	[tilespmem:s29+$0x400] =	vst v11  }
0x236: {  	v11 =	vld [tilespmem:s28+$0x9510];
	_ =	sdelay $0x4  }
0x237: {  	[tilespmem:s29+$0x410] =	vst v11  }
0x238: {  	v11 =	vld [tilespmem:s28+$0x9520];
	_ =	sdelay $0x4  }
0x239: {  	[tilespmem:s29+$0x420] =	vst v11  }
0x23a: {  	v11 =	vld [tilespmem:s28+$0x9530];
	_ =	sdelay $0x4  }
0x23b: {  	[tilespmem:s29+$0x430] =	vst v11  }
0x23c: {  	v11 =	vld [tilespmem:s28+$0x9540];
	_ =	sdelay $0x4  }
0x23d: {  	[tilespmem:s29+$0x440] =	vst v11  }
0x23e: {  	v11 =	vld [tilespmem:s28+$0x9550];
	_ =	sdelay $0x4  }
0x23f: {  	[tilespmem:s29+$0x450] =	vst v11  }
0x240: {  	v11 =	vld [tilespmem:s28+$0x9560];
	_ =	sdelay $0x4  }
0x241: {  	[tilespmem:s29+$0x460] =	vst v11  }
0x242: {  	v11 =	vld [tilespmem:s28+$0x9570];
	_ =	sdelay $0x4  }
0x243: {  	[tilespmem:s29+$0x470] =	vst v11  }
0x244: {  	v11 =	vld [tilespmem:s28+$0x9900];
	_ =	sdelay $0x4  }
0x245: {  	[tilespmem:s29+$0x800] =	vst v11  }
0x246: {  	v11 =	vld [tilespmem:s28+$0x9910];
	_ =	sdelay $0x4  }
0x247: {  	[tilespmem:s29+$0x810] =	vst v11  }
0x248: {  	v11 =	vld [tilespmem:s28+$0x9920];
	_ =	sdelay $0x4  }
0x249: {  	[tilespmem:s29+$0x820] =	vst v11  }
0x24a: {  	v11 =	vld [tilespmem:s28+$0x9930];
	_ =	sdelay $0x4  }
0x24b: {  	[tilespmem:s29+$0x830] =	vst v11  }
0x24c: {  	v11 =	vld [tilespmem:s28+$0x9940];
	_ =	sdelay $0x4  }
0x24d: {  	[tilespmem:s29+$0x840] =	vst v11  }
0x24e: {  	v11 =	vld [tilespmem:s28+$0x9950];
	_ =	sdelay $0x4  }
0x24f: {  	[tilespmem:s29+$0x850] =	vst v11  }
0x250: {  	v11 =	vld [tilespmem:s28+$0x9960];
	_ =	sdelay $0x4  }
0x251: {  	[tilespmem:s29+$0x860] =	vst v11  }
0x252: {  	v11 =	vld [tilespmem:s28+$0x9970];
	_ =	sdelay $0x4  }
0x253: {  	[tilespmem:s29+$0x870] =	vst v11  }
0x254: {  	v11 =	vld [tilespmem:s28+$0x9D00];
	_ =	sdelay $0x4  }
0x255: {  	[tilespmem:s29+$0xC00] =	vst v11  }
0x256: {  	v11 =	vld [tilespmem:s28+$0x9D10];
	_ =	sdelay $0x4  }
0x257: {  	[tilespmem:s29+$0xC10] =	vst v11  }
0x258: {  	v11 =	vld [tilespmem:s28+$0x9D20];
	_ =	sdelay $0x4  }
0x259: {  	[tilespmem:s29+$0xC20] =	vst v11  }
0x25a: {  	v11 =	vld [tilespmem:s28+$0x9D30];
	_ =	sdelay $0x4  }
0x25b: {  	[tilespmem:s29+$0xC30] =	vst v11  }
0x25c: {  	v11 =	vld [tilespmem:s28+$0x9D40];
	_ =	sdelay $0x4  }
0x25d: {  	[tilespmem:s29+$0xC40] =	vst v11  }
0x25e: {  	v11 =	vld [tilespmem:s28+$0x9D50];
	_ =	sdelay $0x4  }
0x25f: {  	[tilespmem:s29+$0xC50] =	vst v11  }
0x260: {  	v11 =	vld [tilespmem:s28+$0x9D60];
	_ =	sdelay $0x4  }
0x261: {  	[tilespmem:s29+$0xC60] =	vst v11  }
0x262: {  	v11 =	vld [tilespmem:s28+$0x9D70];
	_ =	sdelay $0x4  }
0x263: {  	[tilespmem:s29+$0xC70] =	vst v11  }
0x264: {  	v11 =	vld [tilespmem:s28+$0xA100];
	_ =	sdelay $0x4  }
0x265: {  	[tilespmem:s29+$0x1000] =	vst v11  }
0x266: {  	v11 =	vld [tilespmem:s28+$0xA110];
	_ =	sdelay $0x4  }
0x267: {  	[tilespmem:s29+$0x1010] =	vst v11  }
0x268: {  	v11 =	vld [tilespmem:s28+$0xA120];
	_ =	sdelay $0x4  }
0x269: {  	[tilespmem:s29+$0x1020] =	vst v11  }
0x26a: {  	v11 =	vld [tilespmem:s28+$0xA130];
	_ =	sdelay $0x4  }
0x26b: {  	[tilespmem:s29+$0x1030] =	vst v11  }
0x26c: {  	v11 =	vld [tilespmem:s28+$0xA140];
	_ =	sdelay $0x4  }
0x26d: {  	[tilespmem:s29+$0x1040] =	vst v11  }
0x26e: {  	v11 =	vld [tilespmem:s28+$0xA150];
	_ =	sdelay $0x4  }
0x26f: {  	[tilespmem:s29+$0x1050] =	vst v11  }
0x270: {  	v11 =	vld [tilespmem:s28+$0xA160];
	_ =	sdelay $0x4  }
0x271: {  	[tilespmem:s29+$0x1060] =	vst v11  }
0x272: {  	v11 =	vld [tilespmem:s28+$0xA170];
	_ =	sdelay $0x4  }
0x273: {  	[tilespmem:s29+$0x1070] =	vst v11  }
0x274: {  	v11 =	vld [tilespmem:s28+$0xA500];
	_ =	sdelay $0x4  }
0x275: {  	[tilespmem:s29+$0x1400] =	vst v11  }
0x276: {  	v11 =	vld [tilespmem:s28+$0xA510];
	_ =	sdelay $0x4  }
0x277: {  	[tilespmem:s29+$0x1410] =	vst v11  }
0x278: {  	v11 =	vld [tilespmem:s28+$0xA520];
	_ =	sdelay $0x4  }
0x279: {  	[tilespmem:s29+$0x1420] =	vst v11  }
0x27a: {  	v11 =	vld [tilespmem:s28+$0xA530];
	_ =	sdelay $0x4  }
0x27b: {  	[tilespmem:s29+$0x1430] =	vst v11  }
0x27c: {  	v11 =	vld [tilespmem:s28+$0xA540];
	_ =	sdelay $0x4  }
0x27d: {  	[tilespmem:s29+$0x1440] =	vst v11  }
0x27e: {  	v11 =	vld [tilespmem:s28+$0xA550];
	_ =	sdelay $0x4  }
0x27f: {  	[tilespmem:s29+$0x1450] =	vst v11  }
0x280: {  	v11 =	vld [tilespmem:s28+$0xA560];
	_ =	sdelay $0x4  }
0x281: {  	[tilespmem:s29+$0x1460] =	vst v11  }
0x282: {  	v11 =	vld [tilespmem:s28+$0xA570];
	_ =	sdelay $0x4  }
0x283: {  	[tilespmem:s29+$0x1470] =	vst v11  }
0x284: {  	v11 =	vld [tilespmem:s28+$0xA900];
	_ =	sdelay $0x4  }
0x285: {  	[tilespmem:s29+$0x1800] =	vst v11  }
0x286: {  	v11 =	vld [tilespmem:s28+$0xA910];
	_ =	sdelay $0x4  }
0x287: {  	[tilespmem:s29+$0x1810] =	vst v11  }
0x288: {  	v11 =	vld [tilespmem:s28+$0xA920];
	_ =	sdelay $0x4  }
0x289: {  	[tilespmem:s29+$0x1820] =	vst v11  }
0x28a: {  	v11 =	vld [tilespmem:s28+$0xA930];
	_ =	sdelay $0x4  }
0x28b: {  	[tilespmem:s29+$0x1830] =	vst v11  }
0x28c: {  	v11 =	vld [tilespmem:s28+$0xA940];
	_ =	sdelay $0x4  }
0x28d: {  	[tilespmem:s29+$0x1840] =	vst v11  }
0x28e: {  	v11 =	vld [tilespmem:s28+$0xA950];
	_ =	sdelay $0x4  }
0x28f: {  	[tilespmem:s29+$0x1850] =	vst v11  }
0x290: {  	v11 =	vld [tilespmem:s28+$0xA960];
	_ =	sdelay $0x4  }
0x291: {  	[tilespmem:s29+$0x1860] =	vst v11  }
0x292: {  	v11 =	vld [tilespmem:s28+$0xA970]  }
0x293: {  	s30 =	sand.u32 $0x7, s24  }
0x294: {  	s28 =	sshll.u32 s30, $0x7  }
0x295: {  	s28 =	sadd.s32 s28, s25  }
0x296: {  	s30 =	sadd.s32 $0x4000, s28  }
0x297: {  	s31 =	sor.u32 $0x1C00, s30;
	[tilespmem:s29+$0x1870] =	vst v11  }
0x298: {  	v11 =	vld [tilespmem:s31+$0x9100];
	_ =	sdelay $0x3  }
0x299: {  	s31 =	sor.u32 $0x1C00, s28  }
0x29a: {  	[tilespmem:s31+$0x15100] =	vst v11;
	s31 =	sor.u32 $0x1C10, s30  }
0x29b: {  	v11 =	vld [tilespmem:s31+$0x9100];
	_ =	sdelay $0x3  }
0x29c: {  	s31 =	sor.u32 $0x1C10, s28  }
0x29d: {  	[tilespmem:s31+$0x15100] =	vst v11;
	s31 =	sor.u32 $0x1C20, s30  }
0x29e: {  	v11 =	vld [tilespmem:s31+$0x9100];
	_ =	sdelay $0x3  }
0x29f: {  	s31 =	sor.u32 $0x1C20, s28  }
0x2a0: {  	[tilespmem:s31+$0x15100] =	vst v11;
	s31 =	sor.u32 $0x1C30, s30  }
0x2a1: {  	v11 =	vld [tilespmem:s31+$0x9100];
	_ =	sdelay $0x3  }
0x2a2: {  	s31 =	sor.u32 $0x1C30, s28  }
0x2a3: {  	[tilespmem:s31+$0x15100] =	vst v11;
	s31 =	sor.u32 $0x1C40, s30  }
0x2a4: {  	v11 =	vld [tilespmem:s31+$0x9100];
	_ =	sdelay $0x1  }
0x2a5: {  	s31 =	sadd.s32 $0x10, s26  }
0x2a6: {  	v12 =	vmov s31  }
0x2a7: {  	s31 =	sor.u32 $0x1C40, s28;
	v13 =	vshll.u32 v12, $0x7  }
0x2a8: {  	v61 =	vand.u32 $0x380, v13;
	[tilespmem:s31+$0x15100] =	vst v11;
	s31 =	sor.u32 $0x1C50, s30;
	v11 =	vshll.u32 v12, $0xA  }
0x2a9: {  	v62 =	vld [tilespmem:s31+$0x9100];
	v11 =	vor.u32 v61, v11  }
0x2aa: {  	v11 =	vor.u32 v5, v11  }
0x2ab: {  	v63 =	vmov s26  }
0x2ac: {  	v14 =	vshll.u32 v63, $0x7  }
0x2ad: {  	v14 =	vand.u32 $0x380, v14;
	s28 =	sor.u32 $0x1C50, s28;
	v12 =	vshll.u32 v63, $0xA  }
0x2ae: {  	v12 =	vor.u32 v14, v12;
	[tilespmem:s28+$0x15100] =	vst v62  }
0x2af: {  	p0 =	sne.s32 s26, $0xF;
	v12 =	vor.u32 v5, v12;
	v11 =	vld.idx.msk [tilespmem:v11+s19+$0x0], $0xff  }
.Ltmp3:
0x2b0: {  	_ = 	snop;
	(pc) =	sbr.rel @p0 .LBB2_9-.Ltmp3, $3  }
0x2b1: {  	_ =	sdelay $0x1  }
0x2b2: {  	s23 =	sadd.s32 $0x80, s23  }
0x2b3: {  	s24 =	sadd.s32 $0x1, s24;
	s25 =	sadd.s32 $0x400, s25;
	s26 =	sadd.s32 $0x1, s26;
	[tilespmem:v12+s13+$0x0] =	vst.idx.msk $0xff, v11  }
0x2b4: {  	v6 =	vadd.f32 v10, v6;
	s21 =	sadd.s32 $0x1, s21  }
0x2b5: {  	p0 =	sne.s32 s21, $0x19  }
.Ltmp4:
0x2b6: {  	v6 =	vsub.f32 v6, v9;
	(pc) =	sbr.rel @p0 .LBB2_2-.Ltmp4, $4  }
0x2b7: {  	_ = 	snop  }
0x2b8: {  	s22 =	sand.u32 $0x1FFFF000, s22;
	v6 =	vadd.f32 v8, v6  }
0x2b9: {  	s22 =	sadd.s32 s22, s12  }
0x2ba: {  	[hbm4b:s22+s4] =	stream.linear.scatter [tilespmem:s13], [sflag:$0x4], $0x4000, $0x38;
	v6 =	vsub.f32 v6, v7;
	[tilespmem:$0x19180] =	vst v63  }
0x2bb: {  	_ =	swait.ge [sflag:s15], $0x4000  }
0x2bc: {  	[sflag:s15] =	ssyncset.done $0x0  }
0x2bd: {  	[sflag:s15] =	ssyncadd.s32 $0xFFFFC000  }
0x2be: {  	_ =	swait.ge [sflag:s20], $0x4000  }
0x2bf: {  	[sflag:s20] =	ssyncset.done $0x0  }
0x2c0: {  	[sflag:s20] =	ssyncadd.s32 $0xFFFFC000  }
0x2c1: {  	s22 =	simm.s32 $0x19100;
	s21 =	rddreg [dreg:$0x6];
	[tilespmem:$0x19100] =	vst v6  }
0x2c2: {  	[hbm4b:s21+s4] =	stream.linear.scatter [tilespmem:s22], [sflag:$0x5], $0x80, $0x38;
	[tilespmem:$0x19180] =	vst v63  }
0x2c3: {  	s22 =	simm.s32 $0x5  }
0x2c4: {  	_ =	swait.ge [sflag:s22], $0x80  }
0x2c5: {  	s23 =	rddreg [dreg:$0x8]  }
0x2c6: {  	s31 =	rddreg [dreg:$0x7];
	s23 =	sadd.s32 $0x1, s23  }
0x2c7: {  	p0 =	sne.s32 s23, s31  }
.Ltmp5:
0x2c8: {  	_ = 	snop;
	(pc) =	sbr.rel @p0 .LBB2_1-.Ltmp5, $3  }
0x2c9: {  	_ =	sdelay $0x1  }
0x2ca: {  	[sflag:s22] =	ssyncset.done $0x0  }
0x2cb: {  	[sflag:s22] =	ssyncadd.s32 $0xFFFFFF80  }
0x2cc: {  	_ =	sfence.sel $0x180000  }
0x2cd: {  	[bflag:$0x0] =	sbarrier.arrive $0xFFFF  }
0x2ce: {  	_ =	strace $0x90000047  }
0x2cf: {  	s0 =	stileid.u32;
	[bflag:$0x2] =	sbarrier.arrive $0xFFFF  }
0x2d0: {  	p0 =	sne.s32 s0, $0x0;
	s0 =	rddreg [dreg:$0x2]  }
0x2d1: {  	s0 =	sadd.s32 @!p0 $0x100000, s0  }
0x2d2: {  	[sflag:s0] =	ssyncadd.tile.s32 @!p0 $0x1;
	_ =	shalt  }
.Lfunc_end2:
_tile_overlayer_lowered:
.L_overlay_start_2:
0x2d3: {  	(tag) =	ssettag $0x2  }
0x2d4: {  	s0 =	rddreg [dreg:$0x0];
	s2 =	stileid.u32  }
0x2d5: {  	s1 =	rddreg [dreg:$0x1];
	p0 =	sne.s32 s2, $0x0  }
0x2d6: {  	s3 =	rddreg [dreg:$0x2];
	[bflag:$0x3] =	sbarrier.arrive $0xFFFF;
	s2 =	simm.s32 @!p0 $0x1C05  }
0x2d7: {  	[timem:s3], [sflag:s2] =	dma.local @!p0 [hbm:s0], s1  }
0x2d8: {  	s0 =	simm.s32 @!p0 $0x5  }
0x2d9: {  	_ =	swait.ge @!p0 [sflag:s0], s1  }
0x2da: {  	s1 =	ssub.s32 @!p0 $0x0, s1;
	[sflag:s0] =	ssyncset.done @!p0 $0x0  }
0x2db: {  	[sflag:s0] =	ssyncadd.s32 @!p0 s1  }
0x2dc: {  	[bflag:$0x3] =	sbarrier.arrive $0xFFFF  }
0x2dd: {  	_ =	shalt  }

</sc_bundles>
